<compile_context>
chip_gen: v7x
topology: tpu7x:2x2x1
jax: 0.10.2.dev20260603
libtpu: 0.0.44.dev20260713+nightly
codegen_flags: <defaults>
</compile_context>

<pallas_src>
import jax
import jax.numpy as jnp
from jax import lax
from jax.experimental import pallas as pl
from jax.experimental.pallas import tpu as pltpu
from jax.experimental.pallas import tpu_sc as plsc

N = 19
L = 16
NEG = -1e30

OFF_X = 0
OFF_W1 = 32
OFF_AS1 = 96
OFF_AD1 = 160
OFF_B1 = 224
OFF_W2 = 288
OFF_AS2 = 8480
OFF_AD2 = 8608
OFF_B2 = 8736
OFF_WCR = 8864
OFF_WCM = 11296
OFF_WM = 11328
OFF_BM = 11360
OFF_SCAL = 11392
OFF_BC = 11408
TOT = 11424

S_AS2 = 0
S_AD2 = 32
S_ALPHA = 64
S_Y = 96
S_ALPHA2 = 128


def _lrelu(t):
    return jnp.where(t >= 0.0, t, 0.2 * t)


def _body(x_hbm, mmse_hbm, w1_hbm, as1_hbm, ad1_hbm, b1_hbm, w2_hbm,
          as2_hbm, ad2_hbm, b2_hbm, wm_hbm, bm_hbm, wc_hbm, bc_hbm,
          out_hbm, buf, h_ref, u_ref, s_ref, ustage, out_v, shared_u, sem):
    tid = lax.axis_index("s")
    lane = lax.iota(jnp.int32, L)
    tail_mask = lane < (N - L)

    copies = [
        (x_hbm, pl.ds(OFF_X, N)),
        (mmse_hbm, pl.ds(OFF_SCAL, 1)),
        (w1_hbm, pl.ds(OFF_W1, 64)),
        (as1_hbm, pl.ds(OFF_AS1, 64)),
        (ad1_hbm, pl.ds(OFF_AD1, 64)),
        (b1_hbm, pl.ds(OFF_B1, 64)),
        (w2_hbm, pl.ds(OFF_W2, 8192)),
        (as2_hbm, pl.ds(OFF_AS2, 128)),
        (ad2_hbm, pl.ds(OFF_AD2, 128)),
        (b2_hbm, pl.ds(OFF_B2, 128)),
        (wm_hbm, pl.ds(OFF_WM, 32)),
        (bm_hbm, pl.ds(OFF_BM, 32)),
        (bc_hbm, pl.ds(OFF_BC, 1)),
    ]
    handles = [pltpu.async_copy(s, buf.at[d], sem) for s, d in copies]
    handles.append(
        pltpu.async_copy(wc_hbm.at[pl.ds(0, N * 128)],
                         buf.at[pl.ds(OFF_WCR, N * 128)], sem))
    handles.append(
        pltpu.async_copy(wc_hbm.at[pl.ds(N * 128, 32)],
                         buf.at[pl.ds(OFF_WCM, 32)], sem))
    for hnd in handles:
        hnd.wait()
    plsc.subcore_barrier()

    def vl(off):
        return buf[pl.ds(off, L)]

    def bcast(ref, idx):
        return plsc.load_gather(ref, [jnp.full((L,), idx, jnp.int32)])

    zero = jnp.zeros((L,), jnp.float32)
    lane0 = lane == 0

    def u_row(i):
        def u_step(c, uc):
            base = OFF_W2 + c * 64
            wc = bcast(buf, OFF_WCR + i * 128 + c)
            return tuple(uc[k] + wc * buf[pl.ds(base + 16 * k, L)]
                         for k in range(4))

        uk = lax.fori_loop(0, 128, u_step, (zero,) * 4, unroll=4)
        for k in range(4):
            ustage[pl.ds(16 * k, L)] = uk[k]
        pltpu.sync_copy(ustage.at[pl.ds(0, 64)],
                        shared_u.at[pl.ds(i * 64, 64)])

    u_row(tid)

    @pl.when(tid < 3)
    def _second_row():
        u_row(tid + L)

    @pl.when(tid == 3)
    def _vsvd_tile():
        def vsvd_step(c, carry):
            base = OFF_W2 + c * 64
            ss = bcast(buf, OFF_AS2 + c)
            sd = bcast(buf, OFF_AD2 + c)
            out = []
            for k in range(4):
                w = buf[pl.ds(base + 16 * k, L)]
                out.append(carry[k] + ss * w)
                out.append(carry[4 + k] + sd * w)
            return tuple(out[0::2]) + tuple(out[1::2])

        vsvd = lax.fori_loop(0, 128, vsvd_step, (zero,) * 8, unroll=2)
        for k in range(8):
            ustage[pl.ds(16 * k, L)] = vsvd[k]
        pltpu.sync_copy(ustage, shared_u.at[pl.ds(1264, 128)])

    @pl.when(tid == 4)
    def _colsum_tile():
        def col_step(i, carry):
            return tuple(
                carry[k] + buf[pl.ds(OFF_WCR + i * 128 + 16 * k, L)]
                for k in range(8))

        cols = lax.fori_loop(0, N, col_step, (zero,) * 8)
        for k in range(8):
            ustage[pl.ds(16 * k, L)] = cols[k]
        pltpu.sync_copy(ustage, shared_u.at[pl.ds(1392, 128)])

    plsc.subcore_barrier()

    @pl.when(tid == 0)
    def _serial():
        pltpu.sync_copy(shared_u, u_ref)

        xa = vl(OFF_X)
        xb = jnp.where(tail_mask, vl(OFF_X + L), 0.0)

        acc_s = vl(OFF_W1) * vl(OFF_AS1)
        acc_d = vl(OFF_W1) * vl(OFF_AD1)
        for k in range(1, 4):
            acc_s = acc_s + vl(OFF_W1 + 16 * k) * vl(OFF_AS1 + 16 * k)
            acc_d = acc_d + vl(OFF_W1 + 16 * k) * vl(OFF_AD1 + 16 * k)
        cs1 = jnp.sum(acc_s)
        cd1 = jnp.sum(acc_d)

        ad1a = xa * cd1
        ad1b = xb * cd1
        negv = jnp.full((L,), NEG, jnp.float32)

        def l1max_step(j, carry):
            mxa, mxb = carry
            asj = bcast(buf, OFF_X + j) * cs1
            return (jnp.maximum(mxa, _lrelu(ad1a + asj)),
                    jnp.maximum(mxb, _lrelu(ad1b + asj)))

        mx1a, mx1b = lax.fori_loop(0, N, l1max_step, (negv, negv))

        def l1sum_step(j, carry):
            sa, sb, ya, yb = carry
            xj = bcast(buf, OFF_X + j)
            asj = xj * cs1
            p_a = jnp.exp(_lrelu(ad1a + asj) - mx1a)
            p_b = jnp.exp(_lrelu(ad1b + asj) - mx1b)
            return (sa + p_a, sb + p_b, ya + p_a * xj, yb + p_b * xj)

        sa, sb, ya, yb = lax.fori_loop(0, N, l1sum_step, (zero,) * 4)
        s_ref[pl.ds(S_Y, L)] = ya / sa
        s_ref[pl.ds(S_Y + L, L)] = yb / sb

        w1k = [vl(OFF_W1 + 16 * k) for k in range(4)]
        b1k = [vl(OFF_B1 + 16 * k) for k in range(4)]

        def h_step(i, carry):
            yv = bcast(s_ref, S_Y + i)
            for k in range(4):
                h_ref[pl.ds(i * 64 + 16 * k, L)] = jnp.maximum(
                    yv * w1k[k] + b1k[k], 0.0)
            return carry

        lax.fori_loop(0, N, h_step, 0)

        vs2 = [u_ref[pl.ds(1264 + 16 * k, L)] for k in range(4)]
        vd2 = [u_ref[pl.ds(1328 + 16 * k, L)] for k in range(4)]

        s_ref[pl.ds(S_AS2 + L, L)] = jnp.full((L,), NEG, jnp.float32)

        def as2_step(i, carry):
            hk = [h_ref[pl.ds(i * 64 + 16 * k, L)] for k in range(4)]
            a_s = hk[0] * vs2[0]
            a_d = hk[0] * vd2[0]
            for k in range(1, 4):
                a_s = a_s + hk[k] * vs2[k]
                a_d = a_d + hk[k] * vd2[k]
            plsc.store_scatter(
                s_ref, [jnp.full((L,), S_AS2 + i, jnp.int32)],
                jnp.broadcast_to(jnp.sum(a_s), (L,)), mask=lane0)
            plsc.store_scatter(
                s_ref, [jnp.full((L,), S_AD2 + i, jnp.int32)],
                jnp.broadcast_to(jnp.sum(a_d), (L,)), mask=lane0)
            return carry

        lax.fori_loop(0, N, as2_step, 0)

        as2a = s_ref[pl.ds(S_AS2, L)]
        as2b = s_ref[pl.ds(S_AS2 + L, L)]

        def row_prep(i, off):
            ad2i = bcast(s_ref, S_AD2 + i)
            e_a = _lrelu(as2a + ad2i)
            e_b = _lrelu(as2b + ad2i)
            m = jnp.maximum(jnp.max(e_a), jnp.max(e_b))
            p_a = jnp.exp(e_a - m)
            p_b = jnp.exp(e_b - m)
            rs = 1.0 / jnp.broadcast_to(jnp.sum(p_a) + jnp.sum(p_b), (L,))
            s_ref[pl.ds(off, L)] = p_a
            s_ref[pl.ds(off + L, L)] = p_b
            return rs

        def l2_pair(i2, p1v):
            i0 = 2 * i2
            i1 = i0 + 1
            rs0 = row_prep(i0, S_ALPHA)
            rs1 = row_prep(i1, S_ALPHA2)

            def m_step(j, mc):
                hk = [h_ref[pl.ds(j * 64 + 16 * k, L)] for k in range(4)]
                pj0 = bcast(s_ref, S_ALPHA + j)
                pj1 = bcast(s_ref, S_ALPHA2 + j)
                return (tuple(mc[k] + pj0 * hk[k] for k in range(4)) +
                        tuple(mc[4 + k] + pj1 * hk[k] for k in range(4)))

            mk = lax.fori_loop(0, N, m_step, (zero,) * 8, unroll=2)
            for k in range(4):
                p1v = p1v + mk[k] * rs0 * u_ref[pl.ds(i0 * 64 + 16 * k, L)]
                p1v = p1v + mk[4 + k] * rs1 * u_ref[
                    pl.ds(i1 * 64 + 16 * k, L)]
            return p1v

        p1v = lax.fori_loop(0, (N - 1) // 2, l2_pair, zero)

        rs18 = row_prep(N - 1, S_ALPHA)

        def m_step18(j, mc):
            pj = bcast(s_ref, S_ALPHA + j)
            return tuple(mc[k] + pj * h_ref[pl.ds(j * 64 + 16 * k, L)]
                         for k in range(4))

        mk18 = lax.fori_loop(0, N, m_step18, (zero,) * 4, unroll=2)
        for k in range(4):
            p1v = p1v + mk18[k] * rs18 * u_ref[
                pl.ds((N - 1) * 64 + 16 * k, L)]

        for k in range(8):
            p1v = p1v + u_ref[pl.ds(1392 + 16 * k, L)] * vl(OFF_B2 + 16 * k)

        mmse = vl(OFF_SCAL)[0]
        for k in range(2):
            t = mmse * vl(OFF_WM + 16 * k) + vl(OFF_BM + 16 * k)
            p1v = p1v + t * vl(OFF_WCM + 16 * k)

        z = jnp.sum(p1v) + vl(OFF_BC)[0]
        zv = jnp.broadcast_to(z, (L,))
        out_v[...] = 1.0 / (1.0 + jnp.exp(-zv))
        pltpu.sync_copy(out_v, out_hbm)


@jax.jit
def _run(x, mmse, w1, as1, ad1, b1, w2, as2, ad2, b2, wm, bm, wc, bc):
    mesh = plsc.VectorSubcoreMesh(
        core_axis_name="c", subcore_axis_name="s", num_cores=1,
        num_subcores=16)
    f = pl.kernel(
        _body,
        out_type=jax.ShapeDtypeStruct((L,), jnp.float32),
        mesh=mesh,
        compiler_params=pltpu.CompilerParams(needs_layout_passes=False),
        scratch_types=[
            pltpu.VMEM((TOT,), jnp.float32),
            pltpu.VMEM((N * 64,), jnp.float32),
            pltpu.VMEM((1520,), jnp.float32),
            pltpu.VMEM((192,), jnp.float32),
            pltpu.VMEM((128,), jnp.float32),
            pltpu.VMEM((L,), jnp.float32),
            pltpu.VMEM_SHARED((1520,), jnp.float32),
            pltpu.SemaphoreType.DMA,
        ],
    )
    return f(x, mmse, w1, as1, ad1, b1, w2, as2, ad2, b2, wm, bm, wc, bc)


def kernel(eeg_dem_scores, mmse, W1, a_src1, a_dst1, b1, W2, a_src2,
           a_dst2, b2, Wm, bm, Wc, bc):
    out = _run(eeg_dem_scores.reshape(N), mmse, W1.reshape(64), a_src1,
               a_dst1, b1, W2.reshape(128 * 64), a_src2, a_dst2, b2,
               Wm.reshape(32), bm, Wc.reshape(2464), bc)
    return out[0:1].reshape(1, 1)

# --- scband reference (transcript-rebuilt; emitter-appended) ---
"""Pipeline reference for scband-dementia-pred-loss-context-13211319402657 (READ-ONLY COPY).

The authoritative reference and input builder live on the scoring server;
editing this copy changes nothing except your own understanding.
"""

import jax, jax.numpy as jnp
import numpy as np

N = 19

def _edge_index():
    # dense_to_sparse on the fully-dense (all off-diagonal entries positive) adjacency
    # yields row-major (i, j) pairs for all i != j. GATConv(add_self_loops=True)
    # then appends (i, i) self-loops. The dense adjacency VALUES (edge weights) are
    # ignored because GATConv does not consume edge_weight.
    src = []
    dst = []
    for i in range(N):
        for j in range(N):
            if i != j:
                src.append(i)
                dst.append(j)
    for i in range(N):
        src.append(i)
        dst.append(i)
    return jnp.array(src, dtype=jnp.int32), jnp.array(dst, dtype=jnp.int32)

def _gat_conv(x, src, dst, W, a_src, a_dst, b):
    # Single-head GATConv: h = x W^T; e_ij = LeakyReLU(a_src.h_j + a_dst.h_i);
    # softmax over incoming edges of each destination node; weighted scatter-add.
    h = x @ W.T
    alpha_s = h @ a_src
    alpha_d = h @ a_dst
    e = jax.nn.leaky_relu(alpha_s[src] + alpha_d[dst], 0.2)
    e_max = jax.ops.segment_max(e, dst, num_segments=N)
    ex = jnp.exp(e - e_max[dst])
    denom = jax.ops.segment_sum(ex, dst, num_segments=N)
    alpha = ex / denom[dst]
    out = jax.ops.segment_sum(alpha[:, None] * h[src], dst, num_segments=N)
    return out + b

def setup_inputs(seed: int = 0):
    key = jax.random.key(seed)
    ks = jax.random.split(key, 12)
    def gl(k, shape, fan_in):
        return jax.random.uniform(k, shape, dtype=jnp.float32, minval=-1.0, maxval=1.0) / np.sqrt(fan_in)
    return {
        "eeg_dem_scores": jax.random.normal(ks[0], (N, 1), dtype=jnp.float32),
        "mmse": jax.random.uniform(ks[1], (1,), dtype=jnp.float32) * 30.0,
        "W1": gl(ks[2], (64, 1), 1),
        "a_src1": gl(ks[3], (64,), 64),
        "a_dst1": gl(ks[4], (64,), 64),
        "b1": jnp.zeros((64,), dtype=jnp.float32),
        "W2": gl(ks[5], (128, 64), 64),
        "a_src2": gl(ks[6], (128,), 128),
        "a_dst2": gl(ks[7], (128,), 128),
        "b2": jnp.zeros((128,), dtype=jnp.float32),
        "Wm": gl(ks[8], (32, 1), 1),
        "bm": gl(ks[9], (32,), 1),
        "Wc": gl(ks[10], (1, 2464), 2464),
        "bc": gl(ks[11], (1,), 2464),
    }

def reference(eeg_dem_scores, mmse, W1, a_src1, a_dst1, b1, W2, a_src2, a_dst2, b2, Wm, bm, Wc, bc):
    src, dst = _edge_index()
    h = _gat_conv(eeg_dem_scores, src, dst, W1, a_src1, a_dst1, b1)
    h = jax.nn.relu(h)
    h = _gat_conv(h, src, dst, W2, a_src2, a_dst2, b2)
    flat = h.reshape(1, N * 128)
    mmse_ctx = (mmse @ Wm.T + bm)[None, :]
    total = jnp.concatenate([flat, mmse_ctx], axis=1)
    pred = total @ Wc.T + bc
    return jax.nn.sigmoid(pred)

if __name__ == "__main__":
    import jax
    _d = setup_inputs()
    print(jax.jit(kernel)(*tuple(_d.values())))

</pallas_src>

<mosaic_0001>
#map = affine_map<(d0, d1) -> (0)>
module attributes {stable_mosaic.version = 14 : i64} {
  func.func @_body(%arg0: i32, %arg1: i32, %arg2: memref<19xf32, #tpu.memory_space<hbm>>, %arg3: memref<1xf32, #tpu.memory_space<hbm>>, %arg4: memref<64xf32, #tpu.memory_space<hbm>>, %arg5: memref<64xf32, #tpu.memory_space<hbm>>, %arg6: memref<64xf32, #tpu.memory_space<hbm>>, %arg7: memref<64xf32, #tpu.memory_space<hbm>>, %arg8: memref<8192xf32, #tpu.memory_space<hbm>>, %arg9: memref<128xf32, #tpu.memory_space<hbm>>, %arg10: memref<128xf32, #tpu.memory_space<hbm>>, %arg11: memref<128xf32, #tpu.memory_space<hbm>>, %arg12: memref<32xf32, #tpu.memory_space<hbm>>, %arg13: memref<32xf32, #tpu.memory_space<hbm>>, %arg14: memref<2464xf32, #tpu.memory_space<hbm>>, %arg15: memref<1xf32, #tpu.memory_space<hbm>>, %arg16: memref<16xf32, #tpu.memory_space<hbm>>, %arg17: memref<11424xf32, #tpu.memory_space<vmem>>, %arg18: memref<1216xf32, #tpu.memory_space<vmem>>, %arg19: memref<1520xf32, #tpu.memory_space<vmem>>, %arg20: memref<192xf32, #tpu.memory_space<vmem>>, %arg21: memref<128xf32, #tpu.memory_space<vmem>>, %arg22: memref<16xf32, #tpu.memory_space<vmem>>, %arg23: memref<1520xf32, #tpu.memory_space<vmem_shared>>, %arg24: memref<!tpu.dma_semaphore, #tpu.memory_space<semaphore_mem>>) attributes {dimension_semantics = [#tpu.dimension_semantics<core_parallel>, #tpu.dimension_semantics<subcore_parallel>], iteration_bounds = array<i64: 1, 16>, scalar_prefetch = 0 : i64, scratch_operands = 8 : i64, tpu.core_type = #tpu.core_type<sc_vector_subcore>, window_params = [{transform_indices = #map}, {transform_indices = #map}, {transform_indices = #map}, {transform_indices = #map}, {transform_indices = #map}, {transform_indices = #map}, {transform_indices = #map}, {transform_indices = #map}, {transform_indices = #map}, {transform_indices = #map}, {transform_indices = #map}, {transform_indices = #map}, {transform_indices = #map}, {transform_indices = #map}, {transform_indices = #map}]} {
    %iota3A = tpu.iota {dimensions = array<i32: 0>} : vector<16xi32>
    %lt3A = arith.constant 3 : i32
    %lt3A_0 = vector.broadcast %lt3A : i32 to vector<16xi32>
    %lt3A_1 = arith.cmpi slt, %iota3A, %lt3A_0 : vector<16xi32>
    %dma_start3A = arith.constant 0 : i32
    %dma_start3A_2 = tpu.memref_slice %arg17[%dma_start3A] : memref<11424xf32, #tpu.memory_space<vmem>> -> memref<19xf32, #tpu.memory_space<vmem>>
    %dma_start3A_3 = arith.constant 0 : i32
    %dma_start3A_4 = tpu.memref_slice %arg17[%dma_start3A_3] : memref<11424xf32, #tpu.memory_space<vmem>> -> memref<19xf32, #tpu.memory_space<vmem>>
    tpu.enqueue_dma source(%arg2 : memref<19xf32, #tpu.memory_space<hbm>>) target(%dma_start3A_4 : memref<19xf32, #tpu.memory_space<vmem>>) target_semaphore(%arg24 : memref<!tpu.dma_semaphore, #tpu.memory_space<semaphore_mem>>)
    %dma_start3A_5 = arith.constant 11392 : i32
    %dma_start3A_6 = tpu.memref_slice %arg17[%dma_start3A_5] : memref<11424xf32, #tpu.memory_space<vmem>> -> memref<1xf32, #tpu.memory_space<vmem>>
    %dma_start3A_7 = arith.constant 11392 : i32
    %dma_start3A_8 = tpu.memref_slice %arg17[%dma_start3A_7] : memref<11424xf32, #tpu.memory_space<vmem>> -> memref<1xf32, #tpu.memory_space<vmem>>
    tpu.enqueue_dma source(%arg3 : memref<1xf32, #tpu.memory_space<hbm>>) target(%dma_start3A_8 : memref<1xf32, #tpu.memory_space<vmem>>) target_semaphore(%arg24 : memref<!tpu.dma_semaphore, #tpu.memory_space<semaphore_mem>>)
    %dma_start3A_9 = arith.constant 32 : i32
    %dma_start3A_10 = tpu.memref_slice %arg17[%dma_start3A_9] : memref<11424xf32, #tpu.memory_space<vmem>> -> memref<64xf32, #tpu.memory_space<vmem>>
    %dma_start3A_11 = arith.constant 32 : i32
    %dma_start3A_12 = tpu.memref_slice %arg17[%dma_start3A_11] : memref<11424xf32, #tpu.memory_space<vmem>> -> memref<64xf32, #tpu.memory_space<vmem>>
    tpu.enqueue_dma source(%arg4 : memref<64xf32, #tpu.memory_space<hbm>>) target(%dma_start3A_12 : memref<64xf32, #tpu.memory_space<vmem>>) target_semaphore(%arg24 : memref<!tpu.dma_semaphore, #tpu.memory_space<semaphore_mem>>)
    %dma_start3A_13 = arith.constant 96 : i32
    %dma_start3A_14 = tpu.memref_slice %arg17[%dma_start3A_13] : memref<11424xf32, #tpu.memory_space<vmem>> -> memref<64xf32, #tpu.memory_space<vmem>>
    %dma_start3A_15 = arith.constant 96 : i32
    %dma_start3A_16 = tpu.memref_slice %arg17[%dma_start3A_15] : memref<11424xf32, #tpu.memory_space<vmem>> -> memref<64xf32, #tpu.memory_space<vmem>>
    tpu.enqueue_dma source(%arg5 : memref<64xf32, #tpu.memory_space<hbm>>) target(%dma_start3A_16 : memref<64xf32, #tpu.memory_space<vmem>>) target_semaphore(%arg24 : memref<!tpu.dma_semaphore, #tpu.memory_space<semaphore_mem>>)
    %dma_start3A_17 = arith.constant 160 : i32
    %dma_start3A_18 = tpu.memref_slice %arg17[%dma_start3A_17] : memref<11424xf32, #tpu.memory_space<vmem>> -> memref<64xf32, #tpu.memory_space<vmem>>
    %dma_start3A_19 = arith.constant 160 : i32
    %dma_start3A_20 = tpu.memref_slice %arg17[%dma_start3A_19] : memref<11424xf32, #tpu.memory_space<vmem>> -> memref<64xf32, #tpu.memory_space<vmem>>
    tpu.enqueue_dma source(%arg6 : memref<64xf32, #tpu.memory_space<hbm>>) target(%dma_start3A_20 : memref<64xf32, #tpu.memory_space<vmem>>) target_semaphore(%arg24 : memref<!tpu.dma_semaphore, #tpu.memory_space<semaphore_mem>>)
    %dma_start3A_21 = arith.constant 224 : i32
    %dma_start3A_22 = tpu.memref_slice %arg17[%dma_start3A_21] : memref<11424xf32, #tpu.memory_space<vmem>> -> memref<64xf32, #tpu.memory_space<vmem>>
    %dma_start3A_23 = arith.constant 224 : i32
    %dma_start3A_24 = tpu.memref_slice %arg17[%dma_start3A_23] : memref<11424xf32, #tpu.memory_space<vmem>> -> memref<64xf32, #tpu.memory_space<vmem>>
    tpu.enqueue_dma source(%arg7 : memref<64xf32, #tpu.memory_space<hbm>>) target(%dma_start3A_24 : memref<64xf32, #tpu.memory_space<vmem>>) target_semaphore(%arg24 : memref<!tpu.dma_semaphore, #tpu.memory_space<semaphore_mem>>)
    %dma_start3A_25 = arith.constant 288 : i32
    %dma_start3A_26 = tpu.memref_slice %arg17[%dma_start3A_25] : memref<11424xf32, #tpu.memory_space<vmem>> -> memref<8192xf32, #tpu.memory_space<vmem>>
    %dma_start3A_27 = arith.constant 288 : i32
    %dma_start3A_28 = tpu.memref_slice %arg17[%dma_start3A_27] : memref<11424xf32, #tpu.memory_space<vmem>> -> memref<8192xf32, #tpu.memory_space<vmem>>
    tpu.enqueue_dma source(%arg8 : memref<8192xf32, #tpu.memory_space<hbm>>) target(%dma_start3A_28 : memref<8192xf32, #tpu.memory_space<vmem>>) target_semaphore(%arg24 : memref<!tpu.dma_semaphore, #tpu.memory_space<semaphore_mem>>)
    %dma_start3A_29 = arith.constant 8480 : i32
    %dma_start3A_30 = tpu.memref_slice %arg17[%dma_start3A_29] : memref<11424xf32, #tpu.memory_space<vmem>> -> memref<128xf32, #tpu.memory_space<vmem>>
    %dma_start3A_31 = arith.constant 8480 : i32
    %dma_start3A_32 = tpu.memref_slice %arg17[%dma_start3A_31] : memref<11424xf32, #tpu.memory_space<vmem>> -> memref<128xf32, #tpu.memory_space<vmem>>
    tpu.enqueue_dma source(%arg9 : memref<128xf32, #tpu.memory_space<hbm>>) target(%dma_start3A_32 : memref<128xf32, #tpu.memory_space<vmem>>) target_semaphore(%arg24 : memref<!tpu.dma_semaphore, #tpu.memory_space<semaphore_mem>>)
    %dma_start3A_33 = arith.constant 8608 : i32
    %dma_start3A_34 = tpu.memref_slice %arg17[%dma_start3A_33] : memref<11424xf32, #tpu.memory_space<vmem>> -> memref<128xf32, #tpu.memory_space<vmem>>
    %dma_start3A_35 = arith.constant 8608 : i32
    %dma_start3A_36 = tpu.memref_slice %arg17[%dma_start3A_35] : memref<11424xf32, #tpu.memory_space<vmem>> -> memref<128xf32, #tpu.memory_space<vmem>>
    tpu.enqueue_dma source(%arg10 : memref<128xf32, #tpu.memory_space<hbm>>) target(%dma_start3A_36 : memref<128xf32, #tpu.memory_space<vmem>>) target_semaphore(%arg24 : memref<!tpu.dma_semaphore, #tpu.memory_space<semaphore_mem>>)
    %dma_start3A_37 = arith.constant 8736 : i32
    %dma_start3A_38 = tpu.memref_slice %arg17[%dma_start3A_37] : memref<11424xf32, #tpu.memory_space<vmem>> -> memref<128xf32, #tpu.memory_space<vmem>>
    %dma_start3A_39 = arith.constant 8736 : i32
    %dma_start3A_40 = tpu.memref_slice %arg17[%dma_start3A_39] : memref<11424xf32, #tpu.memory_space<vmem>> -> memref<128xf32, #tpu.memory_space<vmem>>
    tpu.enqueue_dma source(%arg11 : memref<128xf32, #tpu.memory_space<hbm>>) target(%dma_start3A_40 : memref<128xf32, #tpu.memory_space<vmem>>) target_semaphore(%arg24 : memref<!tpu.dma_semaphore, #tpu.memory_space<semaphore_mem>>)
    %dma_start3A_41 = arith.constant 11328 : i32
    %dma_start3A_42 = tpu.memref_slice %arg17[%dma_start3A_41] : memref<11424xf32, #tpu.memory_space<vmem>> -> memref<32xf32, #tpu.memory_space<vmem>>
    %dma_start3A_43 = arith.constant 11328 : i32
    %dma_start3A_44 = tpu.memref_slice %arg17[%dma_start3A_43] : memref<11424xf32, #tpu.memory_space<vmem>> -> memref<32xf32, #tpu.memory_space<vmem>>
    tpu.enqueue_dma source(%arg12 : memref<32xf32, #tpu.memory_space<hbm>>) target(%dma_start3A_44 : memref<32xf32, #tpu.memory_space<vmem>>) target_semaphore(%arg24 : memref<!tpu.dma_semaphore, #tpu.memory_space<semaphore_mem>>)
    %dma_start3A_45 = arith.constant 11360 : i32
    %dma_start3A_46 = tpu.memref_slice %arg17[%dma_start3A_45] : memref<11424xf32, #tpu.memory_space<vmem>> -> memref<32xf32, #tpu.memory_space<vmem>>
    %dma_start3A_47 = arith.constant 11360 : i32
    %dma_start3A_48 = tpu.memref_slice %arg17[%dma_start3A_47] : memref<11424xf32, #tpu.memory_space<vmem>> -> memref<32xf32, #tpu.memory_space<vmem>>
    tpu.enqueue_dma source(%arg13 : memref<32xf32, #tpu.memory_space<hbm>>) target(%dma_start3A_48 : memref<32xf32, #tpu.memory_space<vmem>>) target_semaphore(%arg24 : memref<!tpu.dma_semaphore, #tpu.memory_space<semaphore_mem>>)
    %dma_start3A_49 = arith.constant 11408 : i32
    %dma_start3A_50 = tpu.memref_slice %arg17[%dma_start3A_49] : memref<11424xf32, #tpu.memory_space<vmem>> -> memref<1xf32, #tpu.memory_space<vmem>>
    %dma_start3A_51 = arith.constant 11408 : i32
    %dma_start3A_52 = tpu.memref_slice %arg17[%dma_start3A_51] : memref<11424xf32, #tpu.memory_space<vmem>> -> memref<1xf32, #tpu.memory_space<vmem>>
    tpu.enqueue_dma source(%arg15 : memref<1xf32, #tpu.memory_space<hbm>>) target(%dma_start3A_52 : memref<1xf32, #tpu.memory_space<vmem>>) target_semaphore(%arg24 : memref<!tpu.dma_semaphore, #tpu.memory_space<semaphore_mem>>)
    %dma_start3A_53 = arith.constant 8864 : i32
    %dma_start3A_54 = tpu.memref_slice %arg17[%dma_start3A_53] : memref<11424xf32, #tpu.memory_space<vmem>> -> memref<2432xf32, #tpu.memory_space<vmem>>
    %dma_start3A_55 = arith.constant 0 : i32
    %dma_start3A_56 = tpu.memref_slice %arg14[%dma_start3A_55] : memref<2464xf32, #tpu.memory_space<hbm>> -> memref<2432xf32, #tpu.memory_space<hbm>>
    %dma_start3A_57 = arith.constant 8864 : i32
    %dma_start3A_58 = tpu.memref_slice %arg17[%dma_start3A_57] : memref<11424xf32, #tpu.memory_space<vmem>> -> memref<2432xf32, #tpu.memory_space<vmem>>
    %dma_start3A_59 = arith.constant 0 : i32
    %dma_start3A_60 = tpu.memref_slice %arg14[%dma_start3A_59] : memref<2464xf32, #tpu.memory_space<hbm>> -> memref<2432xf32, #tpu.memory_space<hbm>>
    tpu.enqueue_dma source(%dma_start3A_60 : memref<2432xf32, #tpu.memory_space<hbm>>) target(%dma_start3A_58 : memref<2432xf32, #tpu.memory_space<vmem>>) target_semaphore(%arg24 : memref<!tpu.dma_semaphore, #tpu.memory_space<semaphore_mem>>)
    %dma_start3A_61 = arith.constant 11296 : i32
    %dma_start3A_62 = tpu.memref_slice %arg17[%dma_start3A_61] : memref<11424xf32, #tpu.memory_space<vmem>> -> memref<32xf32, #tpu.memory_space<vmem>>
    %dma_start3A_63 = arith.constant 2432 : i32
    %dma_start3A_64 = tpu.memref_slice %arg14[%dma_start3A_63] : memref<2464xf32, #tpu.memory_space<hbm>> -> memref<32xf32, #tpu.memory_space<hbm>>
    %dma_start3A_65 = arith.constant 11296 : i32
    %dma_start3A_66 = tpu.memref_slice %arg17[%dma_start3A_65] : memref<11424xf32, #tpu.memory_space<vmem>> -> memref<32xf32, #tpu.memory_space<vmem>>
    %dma_start3A_67 = arith.constant 2432 : i32
    %dma_start3A_68 = tpu.memref_slice %arg14[%dma_start3A_67] : memref<2464xf32, #tpu.memory_space<hbm>> -> memref<32xf32, #tpu.memory_space<hbm>>
    tpu.enqueue_dma source(%dma_start3A_68 : memref<32xf32, #tpu.memory_space<hbm>>) target(%dma_start3A_66 : memref<32xf32, #tpu.memory_space<vmem>>) target_semaphore(%arg24 : memref<!tpu.dma_semaphore, #tpu.memory_space<semaphore_mem>>)
    %dma_wait3A = arith.constant 0 : i32
    %dma_wait3A_69 = tpu.memref_slice %arg17[%dma_wait3A] : memref<11424xf32, #tpu.memory_space<vmem>> -> memref<19xf32, #tpu.memory_space<vmem>>
    %dma_wait3A_70 = arith.constant 0 : i32
    %dma_wait3A_71 = tpu.memref_slice %arg17[%dma_wait3A_70] : memref<11424xf32, #tpu.memory_space<vmem>> -> memref<19xf32, #tpu.memory_space<vmem>>
    tpu.wait_dma2 semaphore(%arg24 : memref<!tpu.dma_semaphore, #tpu.memory_space<semaphore_mem>>) src(%arg2 : memref<19xf32, #tpu.memory_space<hbm>>) dst(%dma_wait3A_71 : memref<19xf32, #tpu.memory_space<vmem>>)
    %dma_wait3A_72 = arith.constant 11392 : i32
    %dma_wait3A_73 = tpu.memref_slice %arg17[%dma_wait3A_72] : memref<11424xf32, #tpu.memory_space<vmem>> -> memref<1xf32, #tpu.memory_space<vmem>>
    %dma_wait3A_74 = arith.constant 11392 : i32
    %dma_wait3A_75 = tpu.memref_slice %arg17[%dma_wait3A_74] : memref<11424xf32, #tpu.memory_space<vmem>> -> memref<1xf32, #tpu.memory_space<vmem>>
    tpu.wait_dma2 semaphore(%arg24 : memref<!tpu.dma_semaphore, #tpu.memory_space<semaphore_mem>>) src(%arg3 : memref<1xf32, #tpu.memory_space<hbm>>) dst(%dma_wait3A_75 : memref<1xf32, #tpu.memory_space<vmem>>)
    %dma_wait3A_76 = arith.constant 32 : i32
    %dma_wait3A_77 = tpu.memref_slice %arg17[%dma_wait3A_76] : memref<11424xf32, #tpu.memory_space<vmem>> -> memref<64xf32, #tpu.memory_space<vmem>>
    %dma_wait3A_78 = arith.constant 32 : i32
    %dma_wait3A_79 = tpu.memref_slice %arg17[%dma_wait3A_78] : memref<11424xf32, #tpu.memory_space<vmem>> -> memref<64xf32, #tpu.memory_space<vmem>>
    tpu.wait_dma2 semaphore(%arg24 : memref<!tpu.dma_semaphore, #tpu.memory_space<semaphore_mem>>) src(%arg4 : memref<64xf32, #tpu.memory_space<hbm>>) dst(%dma_wait3A_79 : memref<64xf32, #tpu.memory_space<vmem>>)
    %dma_wait3A_80 = arith.constant 96 : i32
    %dma_wait3A_81 = tpu.memref_slice %arg17[%dma_wait3A_80] : memref<11424xf32, #tpu.memory_space<vmem>> -> memref<64xf32, #tpu.memory_space<vmem>>
    %dma_wait3A_82 = arith.constant 96 : i32
    %dma_wait3A_83 = tpu.memref_slice %arg17[%dma_wait3A_82] : memref<11424xf32, #tpu.memory_space<vmem>> -> memref<64xf32, #tpu.memory_space<vmem>>
    tpu.wait_dma2 semaphore(%arg24 : memref<!tpu.dma_semaphore, #tpu.memory_space<semaphore_mem>>) src(%arg5 : memref<64xf32, #tpu.memory_space<hbm>>) dst(%dma_wait3A_83 : memref<64xf32, #tpu.memory_space<vmem>>)
    %dma_wait3A_84 = arith.constant 160 : i32
    %dma_wait3A_85 = tpu.memref_slice %arg17[%dma_wait3A_84] : memref<11424xf32, #tpu.memory_space<vmem>> -> memref<64xf32, #tpu.memory_space<vmem>>
    %dma_wait3A_86 = arith.constant 160 : i32
    %dma_wait3A_87 = tpu.memref_slice %arg17[%dma_wait3A_86] : memref<11424xf32, #tpu.memory_space<vmem>> -> memref<64xf32, #tpu.memory_space<vmem>>
    tpu.wait_dma2 semaphore(%arg24 : memref<!tpu.dma_semaphore, #tpu.memory_space<semaphore_mem>>) src(%arg6 : memref<64xf32, #tpu.memory_space<hbm>>) dst(%dma_wait3A_87 : memref<64xf32, #tpu.memory_space<vmem>>)
    %dma_wait3A_88 = arith.constant 224 : i32
    %dma_wait3A_89 = tpu.memref_slice %arg17[%dma_wait3A_88] : memref<11424xf32, #tpu.memory_space<vmem>> -> memref<64xf32, #tpu.memory_space<vmem>>
    %dma_wait3A_90 = arith.constant 224 : i32
    %dma_wait3A_91 = tpu.memref_slice %arg17[%dma_wait3A_90] : memref<11424xf32, #tpu.memory_space<vmem>> -> memref<64xf32, #tpu.memory_space<vmem>>
    tpu.wait_dma2 semaphore(%arg24 : memref<!tpu.dma_semaphore, #tpu.memory_space<semaphore_mem>>) src(%arg7 : memref<64xf32, #tpu.memory_space<hbm>>) dst(%dma_wait3A_91 : memref<64xf32, #tpu.memory_space<vmem>>)
    %dma_wait3A_92 = arith.constant 288 : i32
    %dma_wait3A_93 = tpu.memref_slice %arg17[%dma_wait3A_92] : memref<11424xf32, #tpu.memory_space<vmem>> -> memref<8192xf32, #tpu.memory_space<vmem>>
    %dma_wait3A_94 = arith.constant 288 : i32
    %dma_wait3A_95 = tpu.memref_slice %arg17[%dma_wait3A_94] : memref<11424xf32, #tpu.memory_space<vmem>> -> memref<8192xf32, #tpu.memory_space<vmem>>
    tpu.wait_dma2 semaphore(%arg24 : memref<!tpu.dma_semaphore, #tpu.memory_space<semaphore_mem>>) src(%arg8 : memref<8192xf32, #tpu.memory_space<hbm>>) dst(%dma_wait3A_95 : memref<8192xf32, #tpu.memory_space<vmem>>)
    %dma_wait3A_96 = arith.constant 8480 : i32
    %dma_wait3A_97 = tpu.memref_slice %arg17[%dma_wait3A_96] : memref<11424xf32, #tpu.memory_space<vmem>> -> memref<128xf32, #tpu.memory_space<vmem>>
    %dma_wait3A_98 = arith.constant 8480 : i32
    %dma_wait3A_99 = tpu.memref_slice %arg17[%dma_wait3A_98] : memref<11424xf32, #tpu.memory_space<vmem>> -> memref<128xf32, #tpu.memory_space<vmem>>
    tpu.wait_dma2 semaphore(%arg24 : memref<!tpu.dma_semaphore, #tpu.memory_space<semaphore_mem>>) src(%arg9 : memref<128xf32, #tpu.memory_space<hbm>>) dst(%dma_wait3A_99 : memref<128xf32, #tpu.memory_space<vmem>>)
    %dma_wait3A_100 = arith.constant 8608 : i32
    %dma_wait3A_101 = tpu.memref_slice %arg17[%dma_wait3A_100] : memref<11424xf32, #tpu.memory_space<vmem>> -> memref<128xf32, #tpu.memory_space<vmem>>
    %dma_wait3A_102 = arith.constant 8608 : i32
    %dma_wait3A_103 = tpu.memref_slice %arg17[%dma_wait3A_102] : memref<11424xf32, #tpu.memory_space<vmem>> -> memref<128xf32, #tpu.memory_space<vmem>>
    tpu.wait_dma2 semaphore(%arg24 : memref<!tpu.dma_semaphore, #tpu.memory_space<semaphore_mem>>) src(%arg10 : memref<128xf32, #tpu.memory_space<hbm>>) dst(%dma_wait3A_103 : memref<128xf32, #tpu.memory_space<vmem>>)
    %dma_wait3A_104 = arith.constant 8736 : i32
    %dma_wait3A_105 = tpu.memref_slice %arg17[%dma_wait3A_104] : memref<11424xf32, #tpu.memory_space<vmem>> -> memref<128xf32, #tpu.memory_space<vmem>>
    %dma_wait3A_106 = arith.constant 8736 : i32
    %dma_wait3A_107 = tpu.memref_slice %arg17[%dma_wait3A_106] : memref<11424xf32, #tpu.memory_space<vmem>> -> memref<128xf32, #tpu.memory_space<vmem>>
    tpu.wait_dma2 semaphore(%arg24 : memref<!tpu.dma_semaphore, #tpu.memory_space<semaphore_mem>>) src(%arg11 : memref<128xf32, #tpu.memory_space<hbm>>) dst(%dma_wait3A_107 : memref<128xf32, #tpu.memory_space<vmem>>)
    %dma_wait3A_108 = arith.constant 11328 : i32
    %dma_wait3A_109 = tpu.memref_slice %arg17[%dma_wait3A_108] : memref<11424xf32, #tpu.memory_space<vmem>> -> memref<32xf32, #tpu.memory_space<vmem>>
    %dma_wait3A_110 = arith.constant 11328 : i32
    %dma_wait3A_111 = tpu.memref_slice %arg17[%dma_wait3A_110] : memref<11424xf32, #tpu.memory_space<vmem>> -> memref<32xf32, #tpu.memory_space<vmem>>
    tpu.wait_dma2 semaphore(%arg24 : memref<!tpu.dma_semaphore, #tpu.memory_space<semaphore_mem>>) src(%arg12 : memref<32xf32, #tpu.memory_space<hbm>>) dst(%dma_wait3A_111 : memref<32xf32, #tpu.memory_space<vmem>>)
    %dma_wait3A_112 = arith.constant 11360 : i32
    %dma_wait3A_113 = tpu.memref_slice %arg17[%dma_wait3A_112] : memref<11424xf32, #tpu.memory_space<vmem>> -> memref<32xf32, #tpu.memory_space<vmem>>
    %dma_wait3A_114 = arith.constant 11360 : i32
    %dma_wait3A_115 = tpu.memref_slice %arg17[%dma_wait3A_114] : memref<11424xf32, #tpu.memory_space<vmem>> -> memref<32xf32, #tpu.memory_space<vmem>>
    tpu.wait_dma2 semaphore(%arg24 : memref<!tpu.dma_semaphore, #tpu.memory_space<semaphore_mem>>) src(%arg13 : memref<32xf32, #tpu.memory_space<hbm>>) dst(%dma_wait3A_115 : memref<32xf32, #tpu.memory_space<vmem>>)
    %dma_wait3A_116 = arith.constant 11408 : i32
    %dma_wait3A_117 = tpu.memref_slice %arg17[%dma_wait3A_116] : memref<11424xf32, #tpu.memory_space<vmem>> -> memref<1xf32, #tpu.memory_space<vmem>>
    %dma_wait3A_118 = arith.constant 11408 : i32
    %dma_wait3A_119 = tpu.memref_slice %arg17[%dma_wait3A_118] : memref<11424xf32, #tpu.memory_space<vmem>> -> memref<1xf32, #tpu.memory_space<vmem>>
    tpu.wait_dma2 semaphore(%arg24 : memref<!tpu.dma_semaphore, #tpu.memory_space<semaphore_mem>>) src(%arg15 : memref<1xf32, #tpu.memory_space<hbm>>) dst(%dma_wait3A_119 : memref<1xf32, #tpu.memory_space<vmem>>)
    %dma_wait3A_120 = arith.constant 8864 : i32
    %dma_wait3A_121 = tpu.memref_slice %arg17[%dma_wait3A_120] : memref<11424xf32, #tpu.memory_space<vmem>> -> memref<2432xf32, #tpu.memory_space<vmem>>
    %dma_wait3A_122 = arith.constant 0 : i32
    %dma_wait3A_123 = tpu.memref_slice %arg14[%dma_wait3A_122] : memref<2464xf32, #tpu.memory_space<hbm>> -> memref<2432xf32, #tpu.memory_space<hbm>>
    %dma_wait3A_124 = arith.constant 8864 : i32
    %dma_wait3A_125 = tpu.memref_slice %arg17[%dma_wait3A_124] : memref<11424xf32, #tpu.memory_space<vmem>> -> memref<2432xf32, #tpu.memory_space<vmem>>
    %dma_wait3A_126 = arith.constant 0 : i32
    %dma_wait3A_127 = tpu.memref_slice %arg14[%dma_wait3A_126] : memref<2464xf32, #tpu.memory_space<hbm>> -> memref<2432xf32, #tpu.memory_space<hbm>>
    tpu.wait_dma2 semaphore(%arg24 : memref<!tpu.dma_semaphore, #tpu.memory_space<semaphore_mem>>) src(%dma_wait3A_127 : memref<2432xf32, #tpu.memory_space<hbm>>) dst(%dma_wait3A_125 : memref<2432xf32, #tpu.memory_space<vmem>>)
    %dma_wait3A_128 = arith.constant 11296 : i32
    %dma_wait3A_129 = tpu.memref_slice %arg17[%dma_wait3A_128] : memref<11424xf32, #tpu.memory_space<vmem>> -> memref<32xf32, #tpu.memory_space<vmem>>
    %dma_wait3A_130 = arith.constant 2432 : i32
    %dma_wait3A_131 = tpu.memref_slice %arg14[%dma_wait3A_130] : memref<2464xf32, #tpu.memory_space<hbm>> -> memref<32xf32, #tpu.memory_space<hbm>>
    %dma_wait3A_132 = arith.constant 11296 : i32
    %dma_wait3A_133 = tpu.memref_slice %arg17[%dma_wait3A_132] : memref<11424xf32, #tpu.memory_space<vmem>> -> memref<32xf32, #tpu.memory_space<vmem>>
    %dma_wait3A_134 = arith.constant 2432 : i32
    %dma_wait3A_135 = tpu.memref_slice %arg14[%dma_wait3A_134] : memref<2464xf32, #tpu.memory_space<hbm>> -> memref<32xf32, #tpu.memory_space<hbm>>
    tpu.wait_dma2 semaphore(%arg24 : memref<!tpu.dma_semaphore, #tpu.memory_space<semaphore_mem>>) src(%dma_wait3A_135 : memref<32xf32, #tpu.memory_space<hbm>>) dst(%dma_wait3A_133 : memref<32xf32, #tpu.memory_space<vmem>>)
    %barrier3A = arith.constant 0 : index
    tpu.barrier barrier_id(%barrier3A)
    %broadcast_in_dim3A = arith.constant 0.000000e+00 : f32
    %broadcast_in_dim3A_136 = vector.broadcast %broadcast_in_dim3A : f32 to vector<16xf32>
    %eq3A = arith.constant 0 : i32
    %eq3A_137 = vector.broadcast %eq3A : i32 to vector<16xi32>
    %eq3A_138 = arith.cmpi eq, %iota3A, %eq3A_137 : vector<16xi32>
    %scan3A = arith.constant 0 : i32
    %scan3A_139 = arith.constant 128 : i32
    %scan3A_140 = arith.addi %scan3A, %scan3A_139 : i32
    %scan3A_141 = arith.constant 4 : i32
    %scan3A_142:4 = scf.for %scan3A_171 = %scan3A to %scan3A_140 step %scan3A_141 iter_args(%scan3A_172 = %broadcast_in_dim3A_136, %scan3A_173 = %broadcast_in_dim3A_136, %scan3A_174 = %broadcast_in_dim3A_136, %scan3A_175 = %broadcast_in_dim3A_136) -> (vector<16xf32>, vector<16xf32>, vector<16xf32>, vector<16xf32>)  : i32 {
      %mul3A_176 = arith.constant 64 : i32
      %mul3A_177 = arith.muli %scan3A_171, %mul3A_176 : i32
      %add3A = arith.constant 288 : i32
      %add3A_178 = arith.addi %add3A, %mul3A_177 : i32
      %mul3A_179 = arith.constant 128 : i32
      %mul3A_180 = arith.muli %arg1, %mul3A_179 : i32
      %add3A_181 = arith.constant 8864 : i32
      %add3A_182 = arith.addi %add3A_181, %mul3A_180 : i32
      %add3A_183 = arith.addi %add3A_182, %scan3A_171 : i32
      %broadcast_in_dim3A_184 = vector.broadcast %add3A_183 : i32 to vector<16xi32>
      %gather3A = tpu.vector_load_idx %arg17[%broadcast_in_dim3A_184] : memref<11424xf32, #tpu.memory_space<vmem>>[vector<16xi32>], vector<16xf32>,
      %add3A_185 = arith.constant 0 : i32
      %add3A_186 = arith.addi %add3A_178, %add3A_185 : i32
      %get3A = arith.index_cast %add3A_186 : i32 to index
      %get3A_187 = tpu.vector_load %arg17[%get3A] {strides = array<i32>} : memref<11424xf32, #tpu.memory_space<vmem>>, vector<16xf32>,
      %mul3A_188 = arith.mulf %gather3A, %get3A_187 : vector<16xf32>
      %add3A_189 = arith.addf %scan3A_172, %mul3A_188 : vector<16xf32>
      %add3A_190 = arith.constant 16 : i32
      %add3A_191 = arith.addi %add3A_178, %add3A_190 : i32
      %get3A_192 = arith.index_cast %add3A_191 : i32 to index
      %get3A_193 = tpu.vector_load %arg17[%get3A_192] {strides = array<i32>} : memref<11424xf32, #tpu.memory_space<vmem>>, vector<16xf32>,
      %mul3A_194 = arith.mulf %gather3A, %get3A_193 : vector<16xf32>
      %add3A_195 = arith.addf %scan3A_173, %mul3A_194 : vector<16xf32>
      %add3A_196 = arith.constant 32 : i32
      %add3A_197 = arith.addi %add3A_178, %add3A_196 : i32
      %get3A_198 = arith.index_cast %add3A_197 : i32 to index
      %get3A_199 = tpu.vector_load %arg17[%get3A_198] {strides = array<i32>} : memref<11424xf32, #tpu.memory_space<vmem>>, vector<16xf32>,
      %mul3A_200 = arith.mulf %gather3A, %get3A_199 : vector<16xf32>
      %add3A_201 = arith.addf %scan3A_174, %mul3A_200 : vector<16xf32>
      %add3A_202 = arith.constant 48 : i32
      %add3A_203 = arith.addi %add3A_178, %add3A_202 : i32
      %get3A_204 = arith.index_cast %add3A_203 : i32 to index
      %get3A_205 = tpu.vector_load %arg17[%get3A_204] {strides = array<i32>} : memref<11424xf32, #tpu.memory_space<vmem>>, vector<16xf32>,
      %mul3A_206 = arith.mulf %gather3A, %get3A_205 : vector<16xf32>
      %add3A_207 = arith.addf %scan3A_175, %mul3A_206 : vector<16xf32>
      %scan3A_208 = arith.constant 1 : i32
      %scan3A_209 = arith.addi %scan3A_171, %scan3A_208 : i32
      %mul3A_210 = arith.constant 64 : i32
      %mul3A_211 = arith.muli %scan3A_209, %mul3A_210 : i32
      %add3A_212 = arith.constant 288 : i32
      %add3A_213 = arith.addi %add3A_212, %mul3A_211 : i32
      %mul3A_214 = arith.constant 128 : i32
      %mul3A_215 = arith.muli %arg1, %mul3A_214 : i32
      %add3A_216 = arith.constant 8864 : i32
      %add3A_217 = arith.addi %add3A_216, %mul3A_215 : i32
      %add3A_218 = arith.addi %add3A_217, %scan3A_209 : i32
      %broadcast_in_dim3A_219 = vector.broadcast %add3A_218 : i32 to vector<16xi32>
      %gather3A_220 = tpu.vector_load_idx %arg17[%broadcast_in_dim3A_219] : memref<11424xf32, #tpu.memory_space<vmem>>[vector<16xi32>], vector<16xf32>,
      %add3A_221 = arith.constant 0 : i32
      %add3A_222 = arith.addi %add3A_213, %add3A_221 : i32
      %get3A_223 = arith.index_cast %add3A_222 : i32 to index
      %get3A_224 = tpu.vector_load %arg17[%get3A_223] {strides = array<i32>} : memref<11424xf32, #tpu.memory_space<vmem>>, vector<16xf32>,
      %mul3A_225 = arith.mulf %gather3A_220, %get3A_224 : vector<16xf32>
      %add3A_226 = arith.addf %add3A_189, %mul3A_225 : vector<16xf32>
      %add3A_227 = arith.constant 16 : i32
      %add3A_228 = arith.addi %add3A_213, %add3A_227 : i32
      %get3A_229 = arith.index_cast %add3A_228 : i32 to index
      %get3A_230 = tpu.vector_load %arg17[%get3A_229] {strides = array<i32>} : memref<11424xf32, #tpu.memory_space<vmem>>, vector<16xf32>,
      %mul3A_231 = arith.mulf %gather3A_220, %get3A_230 : vector<16xf32>
      %add3A_232 = arith.addf %add3A_195, %mul3A_231 : vector<16xf32>
      %add3A_233 = arith.constant 32 : i32
      %add3A_234 = arith.addi %add3A_213, %add3A_233 : i32
      %get3A_235 = arith.index_cast %add3A_234 : i32 to index
      %get3A_236 = tpu.vector_load %arg17[%get3A_235] {strides = array<i32>} : memref<11424xf32, #tpu.memory_space<vmem>>, vector<16xf32>,
      %mul3A_237 = arith.mulf %gather3A_220, %get3A_236 : vector<16xf32>
      %add3A_238 = arith.addf %add3A_201, %mul3A_237 : vector<16xf32>
      %add3A_239 = arith.constant 48 : i32
      %add3A_240 = arith.addi %add3A_213, %add3A_239 : i32
      %get3A_241 = arith.index_cast %add3A_240 : i32 to index
      %get3A_242 = tpu.vector_load %arg17[%get3A_241] {strides = array<i32>} : memref<11424xf32, #tpu.memory_space<vmem>>, vector<16xf32>,
      %mul3A_243 = arith.mulf %gather3A_220, %get3A_242 : vector<16xf32>
      %add3A_244 = arith.addf %add3A_207, %mul3A_243 : vector<16xf32>
      %scan3A_245 = arith.constant 2 : i32
      %scan3A_246 = arith.addi %scan3A_171, %scan3A_245 : i32
      %mul3A_247 = arith.constant 64 : i32
      %mul3A_248 = arith.muli %scan3A_246, %mul3A_247 : i32
      %add3A_249 = arith.constant 288 : i32
      %add3A_250 = arith.addi %add3A_249, %mul3A_248 : i32
      %mul3A_251 = arith.constant 128 : i32
      %mul3A_252 = arith.muli %arg1, %mul3A_251 : i32
      %add3A_253 = arith.constant 8864 : i32
      %add3A_254 = arith.addi %add3A_253, %mul3A_252 : i32
      %add3A_255 = arith.addi %add3A_254, %scan3A_246 : i32
      %broadcast_in_dim3A_256 = vector.broadcast %add3A_255 : i32 to vector<16xi32>
      %gather3A_257 = tpu.vector_load_idx %arg17[%broadcast_in_dim3A_256] : memref<11424xf32, #tpu.memory_space<vmem>>[vector<16xi32>], vector<16xf32>,
      %add3A_258 = arith.constant 0 : i32
      %add3A_259 = arith.addi %add3A_250, %add3A_258 : i32
      %get3A_260 = arith.index_cast %add3A_259 : i32 to index
      %get3A_261 = tpu.vector_load %arg17[%get3A_260] {strides = array<i32>} : memref<11424xf32, #tpu.memory_space<vmem>>, vector<16xf32>,
      %mul3A_262 = arith.mulf %gather3A_257, %get3A_261 : vector<16xf32>
      %add3A_263 = arith.addf %add3A_226, %mul3A_262 : vector<16xf32>
      %add3A_264 = arith.constant 16 : i32
      %add3A_265 = arith.addi %add3A_250, %add3A_264 : i32
      %get3A_266 = arith.index_cast %add3A_265 : i32 to index
      %get3A_267 = tpu.vector_load %arg17[%get3A_266] {strides = array<i32>} : memref<11424xf32, #tpu.memory_space<vmem>>, vector<16xf32>,
      %mul3A_268 = arith.mulf %gather3A_257, %get3A_267 : vector<16xf32>
      %add3A_269 = arith.addf %add3A_232, %mul3A_268 : vector<16xf32>
      %add3A_270 = arith.constant 32 : i32
      %add3A_271 = arith.addi %add3A_250, %add3A_270 : i32
      %get3A_272 = arith.index_cast %add3A_271 : i32 to index
      %get3A_273 = tpu.vector_load %arg17[%get3A_272] {strides = array<i32>} : memref<11424xf32, #tpu.memory_space<vmem>>, vector<16xf32>,
      %mul3A_274 = arith.mulf %gather3A_257, %get3A_273 : vector<16xf32>
      %add3A_275 = arith.addf %add3A_238, %mul3A_274 : vector<16xf32>
      %add3A_276 = arith.constant 48 : i32
      %add3A_277 = arith.addi %add3A_250, %add3A_276 : i32
      %get3A_278 = arith.index_cast %add3A_277 : i32 to index
      %get3A_279 = tpu.vector_load %arg17[%get3A_278] {strides = array<i32>} : memref<11424xf32, #tpu.memory_space<vmem>>, vector<16xf32>,
      %mul3A_280 = arith.mulf %gather3A_257, %get3A_279 : vector<16xf32>
      %add3A_281 = arith.addf %add3A_244, %mul3A_280 : vector<16xf32>
      %scan3A_282 = arith.constant 3 : i32
      %scan3A_283 = arith.addi %scan3A_171, %scan3A_282 : i32
      %mul3A_284 = arith.constant 64 : i32
      %mul3A_285 = arith.muli %scan3A_283, %mul3A_284 : i32
      %add3A_286 = arith.constant 288 : i32
      %add3A_287 = arith.addi %add3A_286, %mul3A_285 : i32
      %mul3A_288 = arith.constant 128 : i32
      %mul3A_289 = arith.muli %arg1, %mul3A_288 : i32
      %add3A_290 = arith.constant 8864 : i32
      %add3A_291 = arith.addi %add3A_290, %mul3A_289 : i32
      %add3A_292 = arith.addi %add3A_291, %scan3A_283 : i32
      %broadcast_in_dim3A_293 = vector.broadcast %add3A_292 : i32 to vector<16xi32>
      %gather3A_294 = tpu.vector_load_idx %arg17[%broadcast_in_dim3A_293] : memref<11424xf32, #tpu.memory_space<vmem>>[vector<16xi32>], vector<16xf32>,
      %add3A_295 = arith.constant 0 : i32
      %add3A_296 = arith.addi %add3A_287, %add3A_295 : i32
      %get3A_297 = arith.index_cast %add3A_296 : i32 to index
      %get3A_298 = tpu.vector_load %arg17[%get3A_297] {strides = array<i32>} : memref<11424xf32, #tpu.memory_space<vmem>>, vector<16xf32>,
      %mul3A_299 = arith.mulf %gather3A_294, %get3A_298 : vector<16xf32>
      %add3A_300 = arith.addf %add3A_263, %mul3A_299 : vector<16xf32>
      %add3A_301 = arith.constant 16 : i32
      %add3A_302 = arith.addi %add3A_287, %add3A_301 : i32
      %get3A_303 = arith.index_cast %add3A_302 : i32 to index
      %get3A_304 = tpu.vector_load %arg17[%get3A_303] {strides = array<i32>} : memref<11424xf32, #tpu.memory_space<vmem>>, vector<16xf32>,
      %mul3A_305 = arith.mulf %gather3A_294, %get3A_304 : vector<16xf32>
      %add3A_306 = arith.addf %add3A_269, %mul3A_305 : vector<16xf32>
      %add3A_307 = arith.constant 32 : i32
      %add3A_308 = arith.addi %add3A_287, %add3A_307 : i32
      %get3A_309 = arith.index_cast %add3A_308 : i32 to index
      %get3A_310 = tpu.vector_load %arg17[%get3A_309] {strides = array<i32>} : memref<11424xf32, #tpu.memory_space<vmem>>, vector<16xf32>,
      %mul3A_311 = arith.mulf %gather3A_294, %get3A_310 : vector<16xf32>
      %add3A_312 = arith.addf %add3A_275, %mul3A_311 : vector<16xf32>
      %add3A_313 = arith.constant 48 : i32
      %add3A_314 = arith.addi %add3A_287, %add3A_313 : i32
      %get3A_315 = arith.index_cast %add3A_314 : i32 to index
      %get3A_316 = tpu.vector_load %arg17[%get3A_315] {strides = array<i32>} : memref<11424xf32, #tpu.memory_space<vmem>>, vector<16xf32>,
      %mul3A_317 = arith.mulf %gather3A_294, %get3A_316 : vector<16xf32>
      %add3A_318 = arith.addf %add3A_281, %mul3A_317 : vector<16xf32>
      scf.yield %add3A_300, %add3A_306, %add3A_312, %add3A_318 : vector<16xf32>, vector<16xf32>, vector<16xf32>, vector<16xf32>
    }
    %scan3A_143 = arith.constant 128 : i32
    %swap3A = arith.constant 0 : index
    %swap3A_144 = tpu.vector_load %arg21[%swap3A] {strides = array<i32>} : memref<128xf32, #tpu.memory_space<vmem>>, vector<16xf32>,
    tpu.vector_store %arg21[%swap3A], %scan3A_142#0 {strides = array<i32>} : memref<128xf32, #tpu.memory_space<vmem>>, vector<16xf32>,
    %swap3A_145 = arith.constant 16 : index
    %swap3A_146 = tpu.vector_load %arg21[%swap3A_145] {strides = array<i32>} : memref<128xf32, #tpu.memory_space<vmem>>, vector<16xf32>,
    tpu.vector_store %arg21[%swap3A_145], %scan3A_142#1 {strides = array<i32>} : memref<128xf32, #tpu.memory_space<vmem>>, vector<16xf32>,
    %swap3A_147 = arith.constant 32 : index
    %swap3A_148 = tpu.vector_load %arg21[%swap3A_147] {strides = array<i32>} : memref<128xf32, #tpu.memory_space<vmem>>, vector<16xf32>,
    tpu.vector_store %arg21[%swap3A_147], %scan3A_142#2 {strides = array<i32>} : memref<128xf32, #tpu.memory_space<vmem>>, vector<16xf32>,
    %swap3A_149 = arith.constant 48 : index
    %swap3A_150 = tpu.vector_load %arg21[%swap3A_149] {strides = array<i32>} : memref<128xf32, #tpu.memory_space<vmem>>, vector<16xf32>,
    tpu.vector_store %arg21[%swap3A_149], %scan3A_142#3 {strides = array<i32>} : memref<128xf32, #tpu.memory_space<vmem>>, vector<16xf32>,
    %mul3A = arith.constant 64 : i32
    %mul3A_151 = arith.muli %arg1, %mul3A : i32
    "tpu.region"() ({
      %run_scoped3A = tpu.sem_alloc : memref<!tpu.dma_semaphore, #tpu.memory_space<semaphore_mem>>
      %dma_start3A_171 = arith.constant 0 : i32
      %dma_start3A_172 = tpu.memref_slice %arg21[%dma_start3A_171] : memref<128xf32, #tpu.memory_space<vmem>> -> memref<64xf32, #tpu.memory_space<vmem>>
      %dma_start3A_173 = tpu.memref_slice %arg23[%mul3A_151] : memref<1520xf32, #tpu.memory_space<vmem_shared>> -> memref<64xf32, #tpu.memory_space<vmem_shared>>
      %dma_start3A_174 = tpu.memref_slice %arg23[%mul3A_151] : memref<1520xf32, #tpu.memory_space<vmem_shared>> -> memref<64xf32, #tpu.memory_space<vmem_shared>>
      %dma_start3A_175 = arith.constant 0 : i32
      %dma_start3A_176 = tpu.memref_slice %arg21[%dma_start3A_175] : memref<128xf32, #tpu.memory_space<vmem>> -> memref<64xf32, #tpu.memory_space<vmem>>
      tpu.enqueue_dma source(%dma_start3A_176 : memref<64xf32, #tpu.memory_space<vmem>>) target(%dma_start3A_174 : memref<64xf32, #tpu.memory_space<vmem_shared>>) target_semaphore(%run_scoped3A : memref<!tpu.dma_semaphore, #tpu.memory_space<semaphore_mem>>)
      %dma_wait3A_177 = arith.constant 0 : i32
      %dma_wait3A_178 = tpu.memref_slice %arg21[%dma_wait3A_177] : memref<128xf32, #tpu.memory_space<vmem>> -> memref<64xf32, #tpu.memory_space<vmem>>
      %dma_wait3A_179 = tpu.memref_slice %arg23[%mul3A_151] : memref<1520xf32, #tpu.memory_space<vmem_shared>> -> memref<64xf32, #tpu.memory_space<vmem_shared>>
      %dma_wait3A_180 = tpu.memref_slice %arg23[%mul3A_151] : memref<1520xf32, #tpu.memory_space<vmem_shared>> -> memref<64xf32, #tpu.memory_space<vmem_shared>>
      %dma_wait3A_181 = arith.constant 0 : i32
      %dma_wait3A_182 = tpu.memref_slice %arg21[%dma_wait3A_181] : memref<128xf32, #tpu.memory_space<vmem>> -> memref<64xf32, #tpu.memory_space<vmem>>
      tpu.wait_dma2 semaphore(%run_scoped3A : memref<!tpu.dma_semaphore, #tpu.memory_space<semaphore_mem>>) src(%dma_wait3A_182 : memref<64xf32, #tpu.memory_space<vmem>>) dst(%dma_wait3A_180 : memref<64xf32, #tpu.memory_space<vmem_shared>>)
      tpu.yield
    }) : () -> ()
    %lt3A_152 = arith.constant 3 : i32
    %lt3A_153 = arith.cmpi slt, %arg1, %lt3A_152 : i32
    %convert_element_type3A = arith.extui %lt3A_153 : i1 to i32
    %cond3A = arith.constant 0 : i32
    %cond3A_154 = arith.cmpi ne, %convert_element_type3A, %cond3A : i32
    scf.if %cond3A_154 {
      %add3A = arith.constant 16 : i32
      %add3A_171 = arith.addi %arg1, %add3A : i32
      %scan3A_172 = arith.constant 0 : i32
      %scan3A_173 = arith.constant 128 : i32
      %scan3A_174 = arith.addi %scan3A_172, %scan3A_173 : i32
      %scan3A_175 = arith.constant 4 : i32
      %scan3A_176:4 = scf.for %scan3A_188 = %scan3A_172 to %scan3A_174 step %scan3A_175 iter_args(%scan3A_189 = %broadcast_in_dim3A_136, %scan3A_190 = %broadcast_in_dim3A_136, %scan3A_191 = %broadcast_in_dim3A_136, %scan3A_192 = %broadcast_in_dim3A_136) -> (vector<16xf32>, vector<16xf32>, vector<16xf32>, vector<16xf32>)  : i32 {
        %mul3A_193 = arith.constant 64 : i32
        %mul3A_194 = arith.muli %scan3A_188, %mul3A_193 : i32
        %add3A_195 = arith.constant 288 : i32
        %add3A_196 = arith.addi %add3A_195, %mul3A_194 : i32
        %mul3A_197 = arith.constant 128 : i32
        %mul3A_198 = arith.muli %add3A_171, %mul3A_197 : i32
        %add3A_199 = arith.constant 8864 : i32
        %add3A_200 = arith.addi %add3A_199, %mul3A_198 : i32
        %add3A_201 = arith.addi %add3A_200, %scan3A_188 : i32
        %broadcast_in_dim3A_202 = vector.broadcast %add3A_201 : i32 to vector<16xi32>
        %gather3A = tpu.vector_load_idx %arg17[%broadcast_in_dim3A_202] : memref<11424xf32, #tpu.memory_space<vmem>>[vector<16xi32>], vector<16xf32>,
        %add3A_203 = arith.constant 0 : i32
        %add3A_204 = arith.addi %add3A_196, %add3A_203 : i32
        %get3A = arith.index_cast %add3A_204 : i32 to index
        %get3A_205 = tpu.vector_load %arg17[%get3A] {strides = array<i32>} : memref<11424xf32, #tpu.memory_space<vmem>>, vector<16xf32>,
        %mul3A_206 = arith.mulf %gather3A, %get3A_205 : vector<16xf32>
        %add3A_207 = arith.addf %scan3A_189, %mul3A_206 : vector<16xf32>
        %add3A_208 = arith.constant 16 : i32
        %add3A_209 = arith.addi %add3A_196, %add3A_208 : i32
        %get3A_210 = arith.index_cast %add3A_209 : i32 to index
        %get3A_211 = tpu.vector_load %arg17[%get3A_210] {strides = array<i32>} : memref<11424xf32, #tpu.memory_space<vmem>>, vector<16xf32>,
        %mul3A_212 = arith.mulf %gather3A, %get3A_211 : vector<16xf32>
        %add3A_213 = arith.addf %scan3A_190, %mul3A_212 : vector<16xf32>
        %add3A_214 = arith.constant 32 : i32
        %add3A_215 = arith.addi %add3A_196, %add3A_214 : i32
        %get3A_216 = arith.index_cast %add3A_215 : i32 to index
        %get3A_217 = tpu.vector_load %arg17[%get3A_216] {strides = array<i32>} : memref<11424xf32, #tpu.memory_space<vmem>>, vector<16xf32>,
        %mul3A_218 = arith.mulf %gather3A, %get3A_217 : vector<16xf32>
        %add3A_219 = arith.addf %scan3A_191, %mul3A_218 : vector<16xf32>
        %add3A_220 = arith.constant 48 : i32
        %add3A_221 = arith.addi %add3A_196, %add3A_220 : i32
        %get3A_222 = arith.index_cast %add3A_221 : i32 to index
        %get3A_223 = tpu.vector_load %arg17[%get3A_222] {strides = array<i32>} : memref<11424xf32, #tpu.memory_space<vmem>>, vector<16xf32>,
        %mul3A_224 = arith.mulf %gather3A, %get3A_223 : vector<16xf32>
        %add3A_225 = arith.addf %scan3A_192, %mul3A_224 : vector<16xf32>
        %scan3A_226 = arith.constant 1 : i32
        %scan3A_227 = arith.addi %scan3A_188, %scan3A_226 : i32
        %mul3A_228 = arith.constant 64 : i32
        %mul3A_229 = arith.muli %scan3A_227, %mul3A_228 : i32
        %add3A_230 = arith.constant 288 : i32
        %add3A_231 = arith.addi %add3A_230, %mul3A_229 : i32
        %mul3A_232 = arith.constant 128 : i32
        %mul3A_233 = arith.muli %add3A_171, %mul3A_232 : i32
        %add3A_234 = arith.constant 8864 : i32
        %add3A_235 = arith.addi %add3A_234, %mul3A_233 : i32
        %add3A_236 = arith.addi %add3A_235, %scan3A_227 : i32
        %broadcast_in_dim3A_237 = vector.broadcast %add3A_236 : i32 to vector<16xi32>
        %gather3A_238 = tpu.vector_load_idx %arg17[%broadcast_in_dim3A_237] : memref<11424xf32, #tpu.memory_space<vmem>>[vector<16xi32>], vector<16xf32>,
        %add3A_239 = arith.constant 0 : i32
        %add3A_240 = arith.addi %add3A_231, %add3A_239 : i32
        %get3A_241 = arith.index_cast %add3A_240 : i32 to index
        %get3A_242 = tpu.vector_load %arg17[%get3A_241] {strides = array<i32>} : memref<11424xf32, #tpu.memory_space<vmem>>, vector<16xf32>,
        %mul3A_243 = arith.mulf %gather3A_238, %get3A_242 : vector<16xf32>
        %add3A_244 = arith.addf %add3A_207, %mul3A_243 : vector<16xf32>
        %add3A_245 = arith.constant 16 : i32
        %add3A_246 = arith.addi %add3A_231, %add3A_245 : i32
        %get3A_247 = arith.index_cast %add3A_246 : i32 to index
        %get3A_248 = tpu.vector_load %arg17[%get3A_247] {strides = array<i32>} : memref<11424xf32, #tpu.memory_space<vmem>>, vector<16xf32>,
        %mul3A_249 = arith.mulf %gather3A_238, %get3A_248 : vector<16xf32>
        %add3A_250 = arith.addf %add3A_213, %mul3A_249 : vector<16xf32>
        %add3A_251 = arith.constant 32 : i32
        %add3A_252 = arith.addi %add3A_231, %add3A_251 : i32
        %get3A_253 = arith.index_cast %add3A_252 : i32 to index
        %get3A_254 = tpu.vector_load %arg17[%get3A_253] {strides = array<i32>} : memref<11424xf32, #tpu.memory_space<vmem>>, vector<16xf32>,
        %mul3A_255 = arith.mulf %gather3A_238, %get3A_254 : vector<16xf32>
        %add3A_256 = arith.addf %add3A_219, %mul3A_255 : vector<16xf32>
        %add3A_257 = arith.constant 48 : i32
        %add3A_258 = arith.addi %add3A_231, %add3A_257 : i32
        %get3A_259 = arith.index_cast %add3A_258 : i32 to index
        %get3A_260 = tpu.vector_load %arg17[%get3A_259] {strides = array<i32>} : memref<11424xf32, #tpu.memory_space<vmem>>, vector<16xf32>,
        %mul3A_261 = arith.mulf %gather3A_238, %get3A_260 : vector<16xf32>
        %add3A_262 = arith.addf %add3A_225, %mul3A_261 : vector<16xf32>
        %scan3A_263 = arith.constant 2 : i32
        %scan3A_264 = arith.addi %scan3A_188, %scan3A_263 : i32
        %mul3A_265 = arith.constant 64 : i32
        %mul3A_266 = arith.muli %scan3A_264, %mul3A_265 : i32
        %add3A_267 = arith.constant 288 : i32
        %add3A_268 = arith.addi %add3A_267, %mul3A_266 : i32
        %mul3A_269 = arith.constant 128 : i32
        %mul3A_270 = arith.muli %add3A_171, %mul3A_269 : i32
        %add3A_271 = arith.constant 8864 : i32
        %add3A_272 = arith.addi %add3A_271, %mul3A_270 : i32
        %add3A_273 = arith.addi %add3A_272, %scan3A_264 : i32
        %broadcast_in_dim3A_274 = vector.broadcast %add3A_273 : i32 to vector<16xi32>
        %gather3A_275 = tpu.vector_load_idx %arg17[%broadcast_in_dim3A_274] : memref<11424xf32, #tpu.memory_space<vmem>>[vector<16xi32>], vector<16xf32>,
        %add3A_276 = arith.constant 0 : i32
        %add3A_277 = arith.addi %add3A_268, %add3A_276 : i32
        %get3A_278 = arith.index_cast %add3A_277 : i32 to index
        %get3A_279 = tpu.vector_load %arg17[%get3A_278] {strides = array<i32>} : memref<11424xf32, #tpu.memory_space<vmem>>, vector<16xf32>,
        %mul3A_280 = arith.mulf %gather3A_275, %get3A_279 : vector<16xf32>
        %add3A_281 = arith.addf %add3A_244, %mul3A_280 : vector<16xf32>
        %add3A_282 = arith.constant 16 : i32
        %add3A_283 = arith.addi %add3A_268, %add3A_282 : i32
        %get3A_284 = arith.index_cast %add3A_283 : i32 to index
        %get3A_285 = tpu.vector_load %arg17[%get3A_284] {strides = array<i32>} : memref<11424xf32, #tpu.memory_space<vmem>>, vector<16xf32>,
        %mul3A_286 = arith.mulf %gather3A_275, %get3A_285 : vector<16xf32>
        %add3A_287 = arith.addf %add3A_250, %mul3A_286 : vector<16xf32>
        %add3A_288 = arith.constant 32 : i32
        %add3A_289 = arith.addi %add3A_268, %add3A_288 : i32
        %get3A_290 = arith.index_cast %add3A_289 : i32 to index
        %get3A_291 = tpu.vector_load %arg17[%get3A_290] {strides = array<i32>} : memref<11424xf32, #tpu.memory_space<vmem>>, vector<16xf32>,
        %mul3A_292 = arith.mulf %gather3A_275, %get3A_291 : vector<16xf32>
        %add3A_293 = arith.addf %add3A_256, %mul3A_292 : vector<16xf32>
        %add3A_294 = arith.constant 48 : i32
        %add3A_295 = arith.addi %add3A_268, %add3A_294 : i32
        %get3A_296 = arith.index_cast %add3A_295 : i32 to index
        %get3A_297 = tpu.vector_load %arg17[%get3A_296] {strides = array<i32>} : memref<11424xf32, #tpu.memory_space<vmem>>, vector<16xf32>,
        %mul3A_298 = arith.mulf %gather3A_275, %get3A_297 : vector<16xf32>
        %add3A_299 = arith.addf %add3A_262, %mul3A_298 : vector<16xf32>
        %scan3A_300 = arith.constant 3 : i32
        %scan3A_301 = arith.addi %scan3A_188, %scan3A_300 : i32
        %mul3A_302 = arith.constant 64 : i32
        %mul3A_303 = arith.muli %scan3A_301, %mul3A_302 : i32
        %add3A_304 = arith.constant 288 : i32
        %add3A_305 = arith.addi %add3A_304, %mul3A_303 : i32
        %mul3A_306 = arith.constant 128 : i32
        %mul3A_307 = arith.muli %add3A_171, %mul3A_306 : i32
        %add3A_308 = arith.constant 8864 : i32
        %add3A_309 = arith.addi %add3A_308, %mul3A_307 : i32
        %add3A_310 = arith.addi %add3A_309, %scan3A_301 : i32
        %broadcast_in_dim3A_311 = vector.broadcast %add3A_310 : i32 to vector<16xi32>
        %gather3A_312 = tpu.vector_load_idx %arg17[%broadcast_in_dim3A_311] : memref<11424xf32, #tpu.memory_space<vmem>>[vector<16xi32>], vector<16xf32>,
        %add3A_313 = arith.constant 0 : i32
        %add3A_314 = arith.addi %add3A_305, %add3A_313 : i32
        %get3A_315 = arith.index_cast %add3A_314 : i32 to index
        %get3A_316 = tpu.vector_load %arg17[%get3A_315] {strides = array<i32>} : memref<11424xf32, #tpu.memory_space<vmem>>, vector<16xf32>,
        %mul3A_317 = arith.mulf %gather3A_312, %get3A_316 : vector<16xf32>
        %add3A_318 = arith.addf %add3A_281, %mul3A_317 : vector<16xf32>
        %add3A_319 = arith.constant 16 : i32
        %add3A_320 = arith.addi %add3A_305, %add3A_319 : i32
        %get3A_321 = arith.index_cast %add3A_320 : i32 to index
        %get3A_322 = tpu.vector_load %arg17[%get3A_321] {strides = array<i32>} : memref<11424xf32, #tpu.memory_space<vmem>>, vector<16xf32>,
        %mul3A_323 = arith.mulf %gather3A_312, %get3A_322 : vector<16xf32>
        %add3A_324 = arith.addf %add3A_287, %mul3A_323 : vector<16xf32>
        %add3A_325 = arith.constant 32 : i32
        %add3A_326 = arith.addi %add3A_305, %add3A_325 : i32
        %get3A_327 = arith.index_cast %add3A_326 : i32 to index
        %get3A_328 = tpu.vector_load %arg17[%get3A_327] {strides = array<i32>} : memref<11424xf32, #tpu.memory_space<vmem>>, vector<16xf32>,
        %mul3A_329 = arith.mulf %gather3A_312, %get3A_328 : vector<16xf32>
        %add3A_330 = arith.addf %add3A_293, %mul3A_329 : vector<16xf32>
        %add3A_331 = arith.constant 48 : i32
        %add3A_332 = arith.addi %add3A_305, %add3A_331 : i32
        %get3A_333 = arith.index_cast %add3A_332 : i32 to index
        %get3A_334 = tpu.vector_load %arg17[%get3A_333] {strides = array<i32>} : memref<11424xf32, #tpu.memory_space<vmem>>, vector<16xf32>,
        %mul3A_335 = arith.mulf %gather3A_312, %get3A_334 : vector<16xf32>
        %add3A_336 = arith.addf %add3A_299, %mul3A_335 : vector<16xf32>
        scf.yield %add3A_318, %add3A_324, %add3A_330, %add3A_336 : vector<16xf32>, vector<16xf32>, vector<16xf32>, vector<16xf32>
      }
      %scan3A_177 = arith.constant 128 : i32
      %swap3A_178 = arith.constant 0 : index
      %swap3A_179 = tpu.vector_load %arg21[%swap3A_178] {strides = array<i32>} : memref<128xf32, #tpu.memory_space<vmem>>, vector<16xf32>,
      tpu.vector_store %arg21[%swap3A_178], %scan3A_176#0 {strides = array<i32>} : memref<128xf32, #tpu.memory_space<vmem>>, vector<16xf32>,
      %swap3A_180 = arith.constant 16 : index
      %swap3A_181 = tpu.vector_load %arg21[%swap3A_180] {strides = array<i32>} : memref<128xf32, #tpu.memory_space<vmem>>, vector<16xf32>,
      tpu.vector_store %arg21[%swap3A_180], %scan3A_176#1 {strides = array<i32>} : memref<128xf32, #tpu.memory_space<vmem>>, vector<16xf32>,
      %swap3A_182 = arith.constant 32 : index
      %swap3A_183 = tpu.vector_load %arg21[%swap3A_182] {strides = array<i32>} : memref<128xf32, #tpu.memory_space<vmem>>, vector<16xf32>,
      tpu.vector_store %arg21[%swap3A_182], %scan3A_176#2 {strides = array<i32>} : memref<128xf32, #tpu.memory_space<vmem>>, vector<16xf32>,
      %swap3A_184 = arith.constant 48 : index
      %swap3A_185 = tpu.vector_load %arg21[%swap3A_184] {strides = array<i32>} : memref<128xf32, #tpu.memory_space<vmem>>, vector<16xf32>,
      tpu.vector_store %arg21[%swap3A_184], %scan3A_176#3 {strides = array<i32>} : memref<128xf32, #tpu.memory_space<vmem>>, vector<16xf32>,
      %mul3A_186 = arith.constant 64 : i32
      %mul3A_187 = arith.muli %add3A_171, %mul3A_186 : i32
      "tpu.region"() ({
        %run_scoped3A = tpu.sem_alloc : memref<!tpu.dma_semaphore, #tpu.memory_space<semaphore_mem>>
        %dma_start3A_188 = arith.constant 0 : i32
        %dma_start3A_189 = tpu.memref_slice %arg21[%dma_start3A_188] : memref<128xf32, #tpu.memory_space<vmem>> -> memref<64xf32, #tpu.memory_space<vmem>>
        %dma_start3A_190 = tpu.memref_slice %arg23[%mul3A_187] : memref<1520xf32, #tpu.memory_space<vmem_shared>> -> memref<64xf32, #tpu.memory_space<vmem_shared>>
        %dma_start3A_191 = tpu.memref_slice %arg23[%mul3A_187] : memref<1520xf32, #tpu.memory_space<vmem_shared>> -> memref<64xf32, #tpu.memory_space<vmem_shared>>
        %dma_start3A_192 = arith.constant 0 : i32
        %dma_start3A_193 = tpu.memref_slice %arg21[%dma_start3A_192] : memref<128xf32, #tpu.memory_space<vmem>> -> memref<64xf32, #tpu.memory_space<vmem>>
        tpu.enqueue_dma source(%dma_start3A_193 : memref<64xf32, #tpu.memory_space<vmem>>) target(%dma_start3A_191 : memref<64xf32, #tpu.memory_space<vmem_shared>>) target_semaphore(%run_scoped3A : memref<!tpu.dma_semaphore, #tpu.memory_space<semaphore_mem>>)
        %dma_wait3A_194 = arith.constant 0 : i32
        %dma_wait3A_195 = tpu.memref_slice %arg21[%dma_wait3A_194] : memref<128xf32, #tpu.memory_space<vmem>> -> memref<64xf32, #tpu.memory_space<vmem>>
        %dma_wait3A_196 = tpu.memref_slice %arg23[%mul3A_187] : memref<1520xf32, #tpu.memory_space<vmem_shared>> -> memref<64xf32, #tpu.memory_space<vmem_shared>>
        %dma_wait3A_197 = tpu.memref_slice %arg23[%mul3A_187] : memref<1520xf32, #tpu.memory_space<vmem_shared>> -> memref<64xf32, #tpu.memory_space<vmem_shared>>
        %dma_wait3A_198 = arith.constant 0 : i32
        %dma_wait3A_199 = tpu.memref_slice %arg21[%dma_wait3A_198] : memref<128xf32, #tpu.memory_space<vmem>> -> memref<64xf32, #tpu.memory_space<vmem>>
        tpu.wait_dma2 semaphore(%run_scoped3A : memref<!tpu.dma_semaphore, #tpu.memory_space<semaphore_mem>>) src(%dma_wait3A_199 : memref<64xf32, #tpu.memory_space<vmem>>) dst(%dma_wait3A_197 : memref<64xf32, #tpu.memory_space<vmem_shared>>)
        tpu.yield
      }) : () -> ()
    } else {
    }
    %eq3A_155 = arith.constant 3 : i32
    %eq3A_156 = arith.cmpi eq, %arg1, %eq3A_155 : i32
    %convert_element_type3A_157 = arith.extui %eq3A_156 : i1 to i32
    %cond3A_158 = arith.constant 0 : i32
    %cond3A_159 = arith.cmpi ne, %convert_element_type3A_157, %cond3A_158 : i32
    scf.if %cond3A_159 {
      %scan3A_171 = arith.constant 0 : i32
      %scan3A_172 = arith.constant 128 : i32
      %scan3A_173 = arith.addi %scan3A_171, %scan3A_172 : i32
      %scan3A_174 = arith.constant 2 : i32
      %scan3A_175:8 = scf.for %scan3A_193 = %scan3A_171 to %scan3A_173 step %scan3A_174 iter_args(%scan3A_194 = %broadcast_in_dim3A_136, %scan3A_195 = %broadcast_in_dim3A_136, %scan3A_196 = %broadcast_in_dim3A_136, %scan3A_197 = %broadcast_in_dim3A_136, %scan3A_198 = %broadcast_in_dim3A_136, %scan3A_199 = %broadcast_in_dim3A_136, %scan3A_200 = %broadcast_in_dim3A_136, %scan3A_201 = %broadcast_in_dim3A_136) -> (vector<16xf32>, vector<16xf32>, vector<16xf32>, vector<16xf32>, vector<16xf32>, vector<16xf32>, vector<16xf32>, vector<16xf32>)  : i32 {
        %mul3A_202 = arith.constant 64 : i32
        %mul3A_203 = arith.muli %scan3A_193, %mul3A_202 : i32
        %add3A = arith.constant 288 : i32
        %add3A_204 = arith.addi %add3A, %mul3A_203 : i32
        %add3A_205 = arith.constant 8480 : i32
        %add3A_206 = arith.addi %add3A_205, %scan3A_193 : i32
        %broadcast_in_dim3A_207 = vector.broadcast %add3A_206 : i32 to vector<16xi32>
        %gather3A = tpu.vector_load_idx %arg17[%broadcast_in_dim3A_207] : memref<11424xf32, #tpu.memory_space<vmem>>[vector<16xi32>], vector<16xf32>,
        %add3A_208 = arith.constant 8608 : i32
        %add3A_209 = arith.addi %add3A_208, %scan3A_193 : i32
        %broadcast_in_dim3A_210 = vector.broadcast %add3A_209 : i32 to vector<16xi32>
        %gather3A_211 = tpu.vector_load_idx %arg17[%broadcast_in_dim3A_210] : memref<11424xf32, #tpu.memory_space<vmem>>[vector<16xi32>], vector<16xf32>,
        %add3A_212 = arith.constant 0 : i32
        %add3A_213 = arith.addi %add3A_204, %add3A_212 : i32
        %get3A = arith.index_cast %add3A_213 : i32 to index
        %get3A_214 = tpu.vector_load %arg17[%get3A] {strides = array<i32>} : memref<11424xf32, #tpu.memory_space<vmem>>, vector<16xf32>,
        %mul3A_215 = arith.mulf %gather3A, %get3A_214 : vector<16xf32>
        %add3A_216 = arith.addf %scan3A_194, %mul3A_215 : vector<16xf32>
        %mul3A_217 = arith.mulf %gather3A_211, %get3A_214 : vector<16xf32>
        %add3A_218 = arith.addf %scan3A_198, %mul3A_217 : vector<16xf32>
        %add3A_219 = arith.constant 16 : i32
        %add3A_220 = arith.addi %add3A_204, %add3A_219 : i32
        %get3A_221 = arith.index_cast %add3A_220 : i32 to index
        %get3A_222 = tpu.vector_load %arg17[%get3A_221] {strides = array<i32>} : memref<11424xf32, #tpu.memory_space<vmem>>, vector<16xf32>,
        %mul3A_223 = arith.mulf %gather3A, %get3A_222 : vector<16xf32>
        %add3A_224 = arith.addf %scan3A_195, %mul3A_223 : vector<16xf32>
        %mul3A_225 = arith.mulf %gather3A_211, %get3A_222 : vector<16xf32>
        %add3A_226 = arith.addf %scan3A_199, %mul3A_225 : vector<16xf32>
        %add3A_227 = arith.constant 32 : i32
        %add3A_228 = arith.addi %add3A_204, %add3A_227 : i32
        %get3A_229 = arith.index_cast %add3A_228 : i32 to index
        %get3A_230 = tpu.vector_load %arg17[%get3A_229] {strides = array<i32>} : memref<11424xf32, #tpu.memory_space<vmem>>, vector<16xf32>,
        %mul3A_231 = arith.mulf %gather3A, %get3A_230 : vector<16xf32>
        %add3A_232 = arith.addf %scan3A_196, %mul3A_231 : vector<16xf32>
        %mul3A_233 = arith.mulf %gather3A_211, %get3A_230 : vector<16xf32>
        %add3A_234 = arith.addf %scan3A_200, %mul3A_233 : vector<16xf32>
        %add3A_235 = arith.constant 48 : i32
        %add3A_236 = arith.addi %add3A_204, %add3A_235 : i32
        %get3A_237 = arith.index_cast %add3A_236 : i32 to index
        %get3A_238 = tpu.vector_load %arg17[%get3A_237] {strides = array<i32>} : memref<11424xf32, #tpu.memory_space<vmem>>, vector<16xf32>,
        %mul3A_239 = arith.mulf %gather3A, %get3A_238 : vector<16xf32>
        %add3A_240 = arith.addf %scan3A_197, %mul3A_239 : vector<16xf32>
        %mul3A_241 = arith.mulf %gather3A_211, %get3A_238 : vector<16xf32>
        %add3A_242 = arith.addf %scan3A_201, %mul3A_241 : vector<16xf32>
        %scan3A_243 = arith.constant 1 : i32
        %scan3A_244 = arith.addi %scan3A_193, %scan3A_243 : i32
        %mul3A_245 = arith.constant 64 : i32
        %mul3A_246 = arith.muli %scan3A_244, %mul3A_245 : i32
        %add3A_247 = arith.constant 288 : i32
        %add3A_248 = arith.addi %add3A_247, %mul3A_246 : i32
        %add3A_249 = arith.constant 8480 : i32
        %add3A_250 = arith.addi %add3A_249, %scan3A_244 : i32
        %broadcast_in_dim3A_251 = vector.broadcast %add3A_250 : i32 to vector<16xi32>
        %gather3A_252 = tpu.vector_load_idx %arg17[%broadcast_in_dim3A_251] : memref<11424xf32, #tpu.memory_space<vmem>>[vector<16xi32>], vector<16xf32>,
        %add3A_253 = arith.constant 8608 : i32
        %add3A_254 = arith.addi %add3A_253, %scan3A_244 : i32
        %broadcast_in_dim3A_255 = vector.broadcast %add3A_254 : i32 to vector<16xi32>
        %gather3A_256 = tpu.vector_load_idx %arg17[%broadcast_in_dim3A_255] : memref<11424xf32, #tpu.memory_space<vmem>>[vector<16xi32>], vector<16xf32>,
        %add3A_257 = arith.constant 0 : i32
        %add3A_258 = arith.addi %add3A_248, %add3A_257 : i32
        %get3A_259 = arith.index_cast %add3A_258 : i32 to index
        %get3A_260 = tpu.vector_load %arg17[%get3A_259] {strides = array<i32>} : memref<11424xf32, #tpu.memory_space<vmem>>, vector<16xf32>,
        %mul3A_261 = arith.mulf %gather3A_252, %get3A_260 : vector<16xf32>
        %add3A_262 = arith.addf %add3A_216, %mul3A_261 : vector<16xf32>
        %mul3A_263 = arith.mulf %gather3A_256, %get3A_260 : vector<16xf32>
        %add3A_264 = arith.addf %add3A_218, %mul3A_263 : vector<16xf32>
        %add3A_265 = arith.constant 16 : i32
        %add3A_266 = arith.addi %add3A_248, %add3A_265 : i32
        %get3A_267 = arith.index_cast %add3A_266 : i32 to index
        %get3A_268 = tpu.vector_load %arg17[%get3A_267] {strides = array<i32>} : memref<11424xf32, #tpu.memory_space<vmem>>, vector<16xf32>,
        %mul3A_269 = arith.mulf %gather3A_252, %get3A_268 : vector<16xf32>
        %add3A_270 = arith.addf %add3A_224, %mul3A_269 : vector<16xf32>
        %mul3A_271 = arith.mulf %gather3A_256, %get3A_268 : vector<16xf32>
        %add3A_272 = arith.addf %add3A_226, %mul3A_271 : vector<16xf32>
        %add3A_273 = arith.constant 32 : i32
        %add3A_274 = arith.addi %add3A_248, %add3A_273 : i32
        %get3A_275 = arith.index_cast %add3A_274 : i32 to index
        %get3A_276 = tpu.vector_load %arg17[%get3A_275] {strides = array<i32>} : memref<11424xf32, #tpu.memory_space<vmem>>, vector<16xf32>,
        %mul3A_277 = arith.mulf %gather3A_252, %get3A_276 : vector<16xf32>
        %add3A_278 = arith.addf %add3A_232, %mul3A_277 : vector<16xf32>
        %mul3A_279 = arith.mulf %gather3A_256, %get3A_276 : vector<16xf32>
        %add3A_280 = arith.addf %add3A_234, %mul3A_279 : vector<16xf32>
        %add3A_281 = arith.constant 48 : i32
        %add3A_282 = arith.addi %add3A_248, %add3A_281 : i32
        %get3A_283 = arith.index_cast %add3A_282 : i32 to index
        %get3A_284 = tpu.vector_load %arg17[%get3A_283] {strides = array<i32>} : memref<11424xf32, #tpu.memory_space<vmem>>, vector<16xf32>,
        %mul3A_285 = arith.mulf %gather3A_252, %get3A_284 : vector<16xf32>
        %add3A_286 = arith.addf %add3A_240, %mul3A_285 : vector<16xf32>
        %mul3A_287 = arith.mulf %gather3A_256, %get3A_284 : vector<16xf32>
        %add3A_288 = arith.addf %add3A_242, %mul3A_287 : vector<16xf32>
        scf.yield %add3A_262, %add3A_270, %add3A_278, %add3A_286, %add3A_264, %add3A_272, %add3A_280, %add3A_288 : vector<16xf32>, vector<16xf32>, vector<16xf32>, vector<16xf32>, vector<16xf32>, vector<16xf32>, vector<16xf32>, vector<16xf32>
      }
      %scan3A_176 = arith.constant 128 : i32
      %swap3A_177 = arith.constant 0 : index
      %swap3A_178 = tpu.vector_load %arg21[%swap3A_177] {strides = array<i32>} : memref<128xf32, #tpu.memory_space<vmem>>, vector<16xf32>,
      tpu.vector_store %arg21[%swap3A_177], %scan3A_175#0 {strides = array<i32>} : memref<128xf32, #tpu.memory_space<vmem>>, vector<16xf32>,
      %swap3A_179 = arith.constant 16 : index
      %swap3A_180 = tpu.vector_load %arg21[%swap3A_179] {strides = array<i32>} : memref<128xf32, #tpu.memory_space<vmem>>, vector<16xf32>,
      tpu.vector_store %arg21[%swap3A_179], %scan3A_175#1 {strides = array<i32>} : memref<128xf32, #tpu.memory_space<vmem>>, vector<16xf32>,
      %swap3A_181 = arith.constant 32 : index
      %swap3A_182 = tpu.vector_load %arg21[%swap3A_181] {strides = array<i32>} : memref<128xf32, #tpu.memory_space<vmem>>, vector<16xf32>,
      tpu.vector_store %arg21[%swap3A_181], %scan3A_175#2 {strides = array<i32>} : memref<128xf32, #tpu.memory_space<vmem>>, vector<16xf32>,
      %swap3A_183 = arith.constant 48 : index
      %swap3A_184 = tpu.vector_load %arg21[%swap3A_183] {strides = array<i32>} : memref<128xf32, #tpu.memory_space<vmem>>, vector<16xf32>,
      tpu.vector_store %arg21[%swap3A_183], %scan3A_175#3 {strides = array<i32>} : memref<128xf32, #tpu.memory_space<vmem>>, vector<16xf32>,
      %swap3A_185 = arith.constant 64 : index
      %swap3A_186 = tpu.vector_load %arg21[%swap3A_185] {strides = array<i32>} : memref<128xf32, #tpu.memory_space<vmem>>, vector<16xf32>,
      tpu.vector_store %arg21[%swap3A_185], %scan3A_175#4 {strides = array<i32>} : memref<128xf32, #tpu.memory_space<vmem>>, vector<16xf32>,
      %swap3A_187 = arith.constant 80 : index
      %swap3A_188 = tpu.vector_load %arg21[%swap3A_187] {strides = array<i32>} : memref<128xf32, #tpu.memory_space<vmem>>, vector<16xf32>,
      tpu.vector_store %arg21[%swap3A_187], %scan3A_175#5 {strides = array<i32>} : memref<128xf32, #tpu.memory_space<vmem>>, vector<16xf32>,
      %swap3A_189 = arith.constant 96 : index
      %swap3A_190 = tpu.vector_load %arg21[%swap3A_189] {strides = array<i32>} : memref<128xf32, #tpu.memory_space<vmem>>, vector<16xf32>,
      tpu.vector_store %arg21[%swap3A_189], %scan3A_175#6 {strides = array<i32>} : memref<128xf32, #tpu.memory_space<vmem>>, vector<16xf32>,
      %swap3A_191 = arith.constant 112 : index
      %swap3A_192 = tpu.vector_load %arg21[%swap3A_191] {strides = array<i32>} : memref<128xf32, #tpu.memory_space<vmem>>, vector<16xf32>,
      tpu.vector_store %arg21[%swap3A_191], %scan3A_175#7 {strides = array<i32>} : memref<128xf32, #tpu.memory_space<vmem>>, vector<16xf32>,
      "tpu.region"() ({
        %run_scoped3A = tpu.sem_alloc : memref<!tpu.dma_semaphore, #tpu.memory_space<semaphore_mem>>
        %dma_start3A_193 = arith.constant 1264 : i32
        %dma_start3A_194 = tpu.memref_slice %arg23[%dma_start3A_193] : memref<1520xf32, #tpu.memory_space<vmem_shared>> -> memref<128xf32, #tpu.memory_space<vmem_shared>>
        %dma_start3A_195 = arith.constant 1264 : i32
        %dma_start3A_196 = tpu.memref_slice %arg23[%dma_start3A_195] : memref<1520xf32, #tpu.memory_space<vmem_shared>> -> memref<128xf32, #tpu.memory_space<vmem_shared>>
        tpu.enqueue_dma source(%arg21 : memref<128xf32, #tpu.memory_space<vmem>>) target(%dma_start3A_196 : memref<128xf32, #tpu.memory_space<vmem_shared>>) target_semaphore(%run_scoped3A : memref<!tpu.dma_semaphore, #tpu.memory_space<semaphore_mem>>)
        %dma_wait3A_197 = arith.constant 1264 : i32
        %dma_wait3A_198 = tpu.memref_slice %arg23[%dma_wait3A_197] : memref<1520xf32, #tpu.memory_space<vmem_shared>> -> memref<128xf32, #tpu.memory_space<vmem_shared>>
        %dma_wait3A_199 = arith.constant 1264 : i32
        %dma_wait3A_200 = tpu.memref_slice %arg23[%dma_wait3A_199] : memref<1520xf32, #tpu.memory_space<vmem_shared>> -> memref<128xf32, #tpu.memory_space<vmem_shared>>
        tpu.wait_dma2 semaphore(%run_scoped3A : memref<!tpu.dma_semaphore, #tpu.memory_space<semaphore_mem>>) src(%arg21 : memref<128xf32, #tpu.memory_space<vmem>>) dst(%dma_wait3A_200 : memref<128xf32, #tpu.memory_space<vmem_shared>>)
        tpu.yield
      }) : () -> ()
    } else {
    }
    %eq3A_160 = arith.constant 4 : i32
    %eq3A_161 = arith.cmpi eq, %arg1, %eq3A_160 : i32
    %convert_element_type3A_162 = arith.extui %eq3A_161 : i1 to i32
    %cond3A_163 = arith.constant 0 : i32
    %cond3A_164 = arith.cmpi ne, %convert_element_type3A_162, %cond3A_163 : i32
    scf.if %cond3A_164 {
      %scan3A_171 = arith.constant 0 : i32
      %scan3A_172 = arith.constant 19 : i32
      %scan3A_173 = arith.addi %scan3A_171, %scan3A_172 : i32
      %scan3A_174 = arith.constant 1 : i32
      %scan3A_175:8 = scf.for %scan3A_193 = %scan3A_171 to %scan3A_173 step %scan3A_174 iter_args(%scan3A_194 = %broadcast_in_dim3A_136, %scan3A_195 = %broadcast_in_dim3A_136, %scan3A_196 = %broadcast_in_dim3A_136, %scan3A_197 = %broadcast_in_dim3A_136, %scan3A_198 = %broadcast_in_dim3A_136, %scan3A_199 = %broadcast_in_dim3A_136, %scan3A_200 = %broadcast_in_dim3A_136, %scan3A_201 = %broadcast_in_dim3A_136) -> (vector<16xf32>, vector<16xf32>, vector<16xf32>, vector<16xf32>, vector<16xf32>, vector<16xf32>, vector<16xf32>, vector<16xf32>)  : i32 {
        %mul3A_202 = arith.constant 128 : i32
        %mul3A_203 = arith.muli %scan3A_193, %mul3A_202 : i32
        %add3A = arith.constant 8864 : i32
        %add3A_204 = arith.addi %add3A, %mul3A_203 : i32
        %add3A_205 = arith.constant 0 : i32
        %add3A_206 = arith.addi %add3A_204, %add3A_205 : i32
        %get3A = arith.index_cast %add3A_206 : i32 to index
        %get3A_207 = tpu.vector_load %arg17[%get3A] {strides = array<i32>} : memref<11424xf32, #tpu.memory_space<vmem>>, vector<16xf32>,
        %add3A_208 = arith.addf %scan3A_194, %get3A_207 : vector<16xf32>
        %mul3A_209 = arith.constant 128 : i32
        %mul3A_210 = arith.muli %scan3A_193, %mul3A_209 : i32
        %add3A_211 = arith.constant 8864 : i32
        %add3A_212 = arith.addi %add3A_211, %mul3A_210 : i32
        %add3A_213 = arith.constant 16 : i32
        %add3A_214 = arith.addi %add3A_212, %add3A_213 : i32
        %get3A_215 = arith.index_cast %add3A_214 : i32 to index
        %get3A_216 = tpu.vector_load %arg17[%get3A_215] {strides = array<i32>} : memref<11424xf32, #tpu.memory_space<vmem>>, vector<16xf32>,
        %add3A_217 = arith.addf %scan3A_195, %get3A_216 : vector<16xf32>
        %mul3A_218 = arith.constant 128 : i32
        %mul3A_219 = arith.muli %scan3A_193, %mul3A_218 : i32
        %add3A_220 = arith.constant 8864 : i32
        %add3A_221 = arith.addi %add3A_220, %mul3A_219 : i32
        %add3A_222 = arith.constant 32 : i32
        %add3A_223 = arith.addi %add3A_221, %add3A_222 : i32
        %get3A_224 = arith.index_cast %add3A_223 : i32 to index
        %get3A_225 = tpu.vector_load %arg17[%get3A_224] {strides = array<i32>} : memref<11424xf32, #tpu.memory_space<vmem>>, vector<16xf32>,
        %add3A_226 = arith.addf %scan3A_196, %get3A_225 : vector<16xf32>
        %mul3A_227 = arith.constant 128 : i32
        %mul3A_228 = arith.muli %scan3A_193, %mul3A_227 : i32
        %add3A_229 = arith.constant 8864 : i32
        %add3A_230 = arith.addi %add3A_229, %mul3A_228 : i32
        %add3A_231 = arith.constant 48 : i32
        %add3A_232 = arith.addi %add3A_230, %add3A_231 : i32
        %get3A_233 = arith.index_cast %add3A_232 : i32 to index
        %get3A_234 = tpu.vector_load %arg17[%get3A_233] {strides = array<i32>} : memref<11424xf32, #tpu.memory_space<vmem>>, vector<16xf32>,
        %add3A_235 = arith.addf %scan3A_197, %get3A_234 : vector<16xf32>
        %mul3A_236 = arith.constant 128 : i32
        %mul3A_237 = arith.muli %scan3A_193, %mul3A_236 : i32
        %add3A_238 = arith.constant 8864 : i32
        %add3A_239 = arith.addi %add3A_238, %mul3A_237 : i32
        %add3A_240 = arith.constant 64 : i32
        %add3A_241 = arith.addi %add3A_239, %add3A_240 : i32
        %get3A_242 = arith.index_cast %add3A_241 : i32 to index
        %get3A_243 = tpu.vector_load %arg17[%get3A_242] {strides = array<i32>} : memref<11424xf32, #tpu.memory_space<vmem>>, vector<16xf32>,
        %add3A_244 = arith.addf %scan3A_198, %get3A_243 : vector<16xf32>
        %mul3A_245 = arith.constant 128 : i32
        %mul3A_246 = arith.muli %scan3A_193, %mul3A_245 : i32
        %add3A_247 = arith.constant 8864 : i32
        %add3A_248 = arith.addi %add3A_247, %mul3A_246 : i32
        %add3A_249 = arith.constant 80 : i32
        %add3A_250 = arith.addi %add3A_248, %add3A_249 : i32
        %get3A_251 = arith.index_cast %add3A_250 : i32 to index
        %get3A_252 = tpu.vector_load %arg17[%get3A_251] {strides = array<i32>} : memref<11424xf32, #tpu.memory_space<vmem>>, vector<16xf32>,
        %add3A_253 = arith.addf %scan3A_199, %get3A_252 : vector<16xf32>
        %mul3A_254 = arith.constant 128 : i32
        %mul3A_255 = arith.muli %scan3A_193, %mul3A_254 : i32
        %add3A_256 = arith.constant 8864 : i32
        %add3A_257 = arith.addi %add3A_256, %mul3A_255 : i32
        %add3A_258 = arith.constant 96 : i32
        %add3A_259 = arith.addi %add3A_257, %add3A_258 : i32
        %get3A_260 = arith.index_cast %add3A_259 : i32 to index
        %get3A_261 = tpu.vector_load %arg17[%get3A_260] {strides = array<i32>} : memref<11424xf32, #tpu.memory_space<vmem>>, vector<16xf32>,
        %add3A_262 = arith.addf %scan3A_200, %get3A_261 : vector<16xf32>
        %mul3A_263 = arith.constant 128 : i32
        %mul3A_264 = arith.muli %scan3A_193, %mul3A_263 : i32
        %add3A_265 = arith.constant 8864 : i32
        %add3A_266 = arith.addi %add3A_265, %mul3A_264 : i32
        %add3A_267 = arith.constant 112 : i32
        %add3A_268 = arith.addi %add3A_266, %add3A_267 : i32
        %get3A_269 = arith.index_cast %add3A_268 : i32 to index
        %get3A_270 = tpu.vector_load %arg17[%get3A_269] {strides = array<i32>} : memref<11424xf32, #tpu.memory_space<vmem>>, vector<16xf32>,
        %add3A_271 = arith.addf %scan3A_201, %get3A_270 : vector<16xf32>
        scf.yield %add3A_208, %add3A_217, %add3A_226, %add3A_235, %add3A_244, %add3A_253, %add3A_262, %add3A_271 : vector<16xf32>, vector<16xf32>, vector<16xf32>, vector<16xf32>, vector<16xf32>, vector<16xf32>, vector<16xf32>, vector<16xf32>
      }
      %scan3A_176 = arith.constant 19 : i32
      %swap3A_177 = arith.constant 0 : index
      %swap3A_178 = tpu.vector_load %arg21[%swap3A_177] {strides = array<i32>} : memref<128xf32, #tpu.memory_space<vmem>>, vector<16xf32>,
      tpu.vector_store %arg21[%swap3A_177], %scan3A_175#0 {strides = array<i32>} : memref<128xf32, #tpu.memory_space<vmem>>, vector<16xf32>,
      %swap3A_179 = arith.constant 16 : index
      %swap3A_180 = tpu.vector_load %arg21[%swap3A_179] {strides = array<i32>} : memref<128xf32, #tpu.memory_space<vmem>>, vector<16xf32>,
      tpu.vector_store %arg21[%swap3A_179], %scan3A_175#1 {strides = array<i32>} : memref<128xf32, #tpu.memory_space<vmem>>, vector<16xf32>,
      %swap3A_181 = arith.constant 32 : index
      %swap3A_182 = tpu.vector_load %arg21[%swap3A_181] {strides = array<i32>} : memref<128xf32, #tpu.memory_space<vmem>>, vector<16xf32>,
      tpu.vector_store %arg21[%swap3A_181], %scan3A_175#2 {strides = array<i32>} : memref<128xf32, #tpu.memory_space<vmem>>, vector<16xf32>,
      %swap3A_183 = arith.constant 48 : index
      %swap3A_184 = tpu.vector_load %arg21[%swap3A_183] {strides = array<i32>} : memref<128xf32, #tpu.memory_space<vmem>>, vector<16xf32>,
      tpu.vector_store %arg21[%swap3A_183], %scan3A_175#3 {strides = array<i32>} : memref<128xf32, #tpu.memory_space<vmem>>, vector<16xf32>,
      %swap3A_185 = arith.constant 64 : index
      %swap3A_186 = tpu.vector_load %arg21[%swap3A_185] {strides = array<i32>} : memref<128xf32, #tpu.memory_space<vmem>>, vector<16xf32>,
      tpu.vector_store %arg21[%swap3A_185], %scan3A_175#4 {strides = array<i32>} : memref<128xf32, #tpu.memory_space<vmem>>, vector<16xf32>,
      %swap3A_187 = arith.constant 80 : index
      %swap3A_188 = tpu.vector_load %arg21[%swap3A_187] {strides = array<i32>} : memref<128xf32, #tpu.memory_space<vmem>>, vector<16xf32>,
      tpu.vector_store %arg21[%swap3A_187], %scan3A_175#5 {strides = array<i32>} : memref<128xf32, #tpu.memory_space<vmem>>, vector<16xf32>,
      %swap3A_189 = arith.constant 96 : index
      %swap3A_190 = tpu.vector_load %arg21[%swap3A_189] {strides = array<i32>} : memref<128xf32, #tpu.memory_space<vmem>>, vector<16xf32>,
      tpu.vector_store %arg21[%swap3A_189], %scan3A_175#6 {strides = array<i32>} : memref<128xf32, #tpu.memory_space<vmem>>, vector<16xf32>,
      %swap3A_191 = arith.constant 112 : index
      %swap3A_192 = tpu.vector_load %arg21[%swap3A_191] {strides = array<i32>} : memref<128xf32, #tpu.memory_space<vmem>>, vector<16xf32>,
      tpu.vector_store %arg21[%swap3A_191], %scan3A_175#7 {strides = array<i32>} : memref<128xf32, #tpu.memory_space<vmem>>, vector<16xf32>,
      "tpu.region"() ({
        %run_scoped3A = tpu.sem_alloc : memref<!tpu.dma_semaphore, #tpu.memory_space<semaphore_mem>>
        %dma_start3A_193 = arith.constant 1392 : i32
        %dma_start3A_194 = tpu.memref_slice %arg23[%dma_start3A_193] : memref<1520xf32, #tpu.memory_space<vmem_shared>> -> memref<128xf32, #tpu.memory_space<vmem_shared>>
        %dma_start3A_195 = arith.constant 1392 : i32
        %dma_start3A_196 = tpu.memref_slice %arg23[%dma_start3A_195] : memref<1520xf32, #tpu.memory_space<vmem_shared>> -> memref<128xf32, #tpu.memory_space<vmem_shared>>
        tpu.enqueue_dma source(%arg21 : memref<128xf32, #tpu.memory_space<vmem>>) target(%dma_start3A_196 : memref<128xf32, #tpu.memory_space<vmem_shared>>) target_semaphore(%run_scoped3A : memref<!tpu.dma_semaphore, #tpu.memory_space<semaphore_mem>>)
        %dma_wait3A_197 = arith.constant 1392 : i32
        %dma_wait3A_198 = tpu.memref_slice %arg23[%dma_wait3A_197] : memref<1520xf32, #tpu.memory_space<vmem_shared>> -> memref<128xf32, #tpu.memory_space<vmem_shared>>
        %dma_wait3A_199 = arith.constant 1392 : i32
        %dma_wait3A_200 = tpu.memref_slice %arg23[%dma_wait3A_199] : memref<1520xf32, #tpu.memory_space<vmem_shared>> -> memref<128xf32, #tpu.memory_space<vmem_shared>>
        tpu.wait_dma2 semaphore(%run_scoped3A : memref<!tpu.dma_semaphore, #tpu.memory_space<semaphore_mem>>) src(%arg21 : memref<128xf32, #tpu.memory_space<vmem>>) dst(%dma_wait3A_200 : memref<128xf32, #tpu.memory_space<vmem_shared>>)
        tpu.yield
      }) : () -> ()
    } else {
    }
    %barrier3A_165 = arith.constant 0 : index
    tpu.barrier barrier_id(%barrier3A_165)
    %eq3A_166 = arith.constant 0 : i32
    %eq3A_167 = arith.cmpi eq, %arg1, %eq3A_166 : i32
    %convert_element_type3A_168 = arith.extui %eq3A_167 : i1 to i32
    %cond3A_169 = arith.constant 0 : i32
    %cond3A_170 = arith.cmpi ne, %convert_element_type3A_168, %cond3A_169 : i32
    scf.if %cond3A_170 {
      "tpu.region"() ({
        %run_scoped3A = tpu.sem_alloc : memref<!tpu.dma_semaphore, #tpu.memory_space<semaphore_mem>>
        tpu.enqueue_dma source(%arg23 : memref<1520xf32, #tpu.memory_space<vmem_shared>>) target(%arg19 : memref<1520xf32, #tpu.memory_space<vmem>>) target_semaphore(%run_scoped3A : memref<!tpu.dma_semaphore, #tpu.memory_space<semaphore_mem>>)
        tpu.wait_dma2 semaphore(%run_scoped3A : memref<!tpu.dma_semaphore, #tpu.memory_space<semaphore_mem>>) src(%arg23 : memref<1520xf32, #tpu.memory_space<vmem_shared>>) dst(%arg19 : memref<1520xf32, #tpu.memory_space<vmem>>)
        tpu.yield
      }) : () -> ()
      %get3A = arith.constant 0 : index
      %get3A_171 = tpu.vector_load %arg17[%get3A] {strides = array<i32>} : memref<11424xf32, #tpu.memory_space<vmem>>, vector<16xf32>,
      %get3A_172 = arith.constant 16 : index
      %get3A_173 = tpu.vector_load %arg17[%get3A_172] {strides = array<i32>} : memref<11424xf32, #tpu.memory_space<vmem>>, vector<16xf32>,
      %jit3A = arith.constant 0.000000e+00 : f32
      %broadcast_in_dim3A_174 = vector.broadcast %jit3A : f32 to vector<16xf32>
      %select_n3A = arith.select %lt3A_1, %get3A_173, %broadcast_in_dim3A_174 : vector<16xi1>, vector<16xf32>
      %get3A_175 = arith.constant 32 : index
      %get3A_176 = tpu.vector_load %arg17[%get3A_175] {strides = array<i32>} : memref<11424xf32, #tpu.memory_space<vmem>>, vector<16xf32>,
      %get3A_177 = arith.constant 96 : index
      %get3A_178 = tpu.vector_load %arg17[%get3A_177] {strides = array<i32>} : memref<11424xf32, #tpu.memory_space<vmem>>, vector<16xf32>,
      %mul3A_179 = arith.mulf %get3A_176, %get3A_178 : vector<16xf32>
      %get3A_180 = arith.constant 32 : index
      %get3A_181 = tpu.vector_load %arg17[%get3A_180] {strides = array<i32>} : memref<11424xf32, #tpu.memory_space<vmem>>, vector<16xf32>,
      %get3A_182 = arith.constant 160 : index
      %get3A_183 = tpu.vector_load %arg17[%get3A_182] {strides = array<i32>} : memref<11424xf32, #tpu.memory_space<vmem>>, vector<16xf32>,
      %mul3A_184 = arith.mulf %get3A_181, %get3A_183 : vector<16xf32>
      %get3A_185 = arith.constant 48 : index
      %get3A_186 = tpu.vector_load %arg17[%get3A_185] {strides = array<i32>} : memref<11424xf32, #tpu.memory_space<vmem>>, vector<16xf32>,
      %get3A_187 = arith.constant 112 : index
      %get3A_188 = tpu.vector_load %arg17[%get3A_187] {strides = array<i32>} : memref<11424xf32, #tpu.memory_space<vmem>>, vector<16xf32>,
      %mul3A_189 = arith.mulf %get3A_186, %get3A_188 : vector<16xf32>
      %add3A = arith.addf %mul3A_179, %mul3A_189 : vector<16xf32>
      %get3A_190 = arith.constant 48 : index
      %get3A_191 = tpu.vector_load %arg17[%get3A_190] {strides = array<i32>} : memref<11424xf32, #tpu.memory_space<vmem>>, vector<16xf32>,
      %get3A_192 = arith.constant 176 : index
      %get3A_193 = tpu.vector_load %arg17[%get3A_192] {strides = array<i32>} : memref<11424xf32, #tpu.memory_space<vmem>>, vector<16xf32>,
      %mul3A_194 = arith.mulf %get3A_191, %get3A_193 : vector<16xf32>
      %add3A_195 = arith.addf %mul3A_184, %mul3A_194 : vector<16xf32>
      %get3A_196 = arith.constant 64 : index
      %get3A_197 = tpu.vector_load %arg17[%get3A_196] {strides = array<i32>} : memref<11424xf32, #tpu.memory_space<vmem>>, vector<16xf32>,
      %get3A_198 = arith.constant 128 : index
      %get3A_199 = tpu.vector_load %arg17[%get3A_198] {strides = array<i32>} : memref<11424xf32, #tpu.memory_space<vmem>>, vector<16xf32>,
      %mul3A_200 = arith.mulf %get3A_197, %get3A_199 : vector<16xf32>
      %add3A_201 = arith.addf %add3A, %mul3A_200 : vector<16xf32>
      %get3A_202 = arith.constant 64 : index
      %get3A_203 = tpu.vector_load %arg17[%get3A_202] {strides = array<i32>} : memref<11424xf32, #tpu.memory_space<vmem>>, vector<16xf32>,
      %get3A_204 = arith.constant 192 : index
      %get3A_205 = tpu.vector_load %arg17[%get3A_204] {strides = array<i32>} : memref<11424xf32, #tpu.memory_space<vmem>>, vector<16xf32>,
      %mul3A_206 = arith.mulf %get3A_203, %get3A_205 : vector<16xf32>
      %add3A_207 = arith.addf %add3A_195, %mul3A_206 : vector<16xf32>
      %get3A_208 = arith.constant 80 : index
      %get3A_209 = tpu.vector_load %arg17[%get3A_208] {strides = array<i32>} : memref<11424xf32, #tpu.memory_space<vmem>>, vector<16xf32>,
      %get3A_210 = arith.constant 144 : index
      %get3A_211 = tpu.vector_load %arg17[%get3A_210] {strides = array<i32>} : memref<11424xf32, #tpu.memory_space<vmem>>, vector<16xf32>,
      %mul3A_212 = arith.mulf %get3A_209, %get3A_211 : vector<16xf32>
      %add3A_213 = arith.addf %add3A_201, %mul3A_212 : vector<16xf32>
      %get3A_214 = arith.constant 80 : index
      %get3A_215 = tpu.vector_load %arg17[%get3A_214] {strides = array<i32>} : memref<11424xf32, #tpu.memory_space<vmem>>, vector<16xf32>,
      %get3A_216 = arith.constant 208 : index
      %get3A_217 = tpu.vector_load %arg17[%get3A_216] {strides = array<i32>} : memref<11424xf32, #tpu.memory_space<vmem>>, vector<16xf32>,
      %mul3A_218 = arith.mulf %get3A_215, %get3A_217 : vector<16xf32>
      %add3A_219 = arith.addf %add3A_207, %mul3A_218 : vector<16xf32>
      %reduce_sum3A = arith.constant true
      %reduce_sum3A_220 = vector.broadcast %reduce_sum3A : i1 to vector<16xi1>
      %reduce_sum3A_221 = tpu.scan <sum>, %add3A_213 masked %reduce_sum3A_220 : vector<16xf32>, vector<16xi1> -> vector<16xf32>
      %reduce_sum3A_222 = vector.extract %reduce_sum3A_221[15] : f32 from vector<16xf32>
      %reduce_sum3A_223 = arith.constant true
      %reduce_sum3A_224 = vector.broadcast %reduce_sum3A_223 : i1 to vector<16xi1>
      %reduce_sum3A_225 = tpu.scan <sum>, %add3A_219 masked %reduce_sum3A_224 : vector<16xf32>, vector<16xi1> -> vector<16xf32>
      %reduce_sum3A_226 = vector.extract %reduce_sum3A_225[15] : f32 from vector<16xf32>
      %mul3A_227 = vector.broadcast %reduce_sum3A_226 : f32 to vector<16xf32>
      %mul3A_228 = arith.mulf %get3A_171, %mul3A_227 : vector<16xf32>
      %mul3A_229 = vector.broadcast %reduce_sum3A_226 : f32 to vector<16xf32>
      %mul3A_230 = arith.mulf %select_n3A, %mul3A_229 : vector<16xf32>
      %broadcast_in_dim3A_231 = arith.constant -1.000000e+30 : f32
      %broadcast_in_dim3A_232 = vector.broadcast %broadcast_in_dim3A_231 : f32 to vector<16xf32>
      %scan3A_233 = arith.constant 0 : i32
      %scan3A_234 = arith.constant 19 : i32
      %scan3A_235 = arith.addi %scan3A_233, %scan3A_234 : i32
      %scan3A_236 = arith.constant 1 : i32
      %scan3A_237:2 = scf.for %scan3A_510 = %scan3A_233 to %scan3A_235 step %scan3A_236 iter_args(%scan3A_511 = %broadcast_in_dim3A_232, %scan3A_512 = %broadcast_in_dim3A_232) -> (vector<16xf32>, vector<16xf32>)  : i32 {
        %add3A_513 = arith.constant 0 : i32
        %add3A_514 = arith.addi %add3A_513, %scan3A_510 : i32
        %broadcast_in_dim3A_515 = vector.broadcast %add3A_514 : i32 to vector<16xi32>
        %gather3A_516 = tpu.vector_load_idx %arg17[%broadcast_in_dim3A_515] : memref<11424xf32, #tpu.memory_space<vmem>>[vector<16xi32>], vector<16xf32>,
        %mul3A_517 = vector.broadcast %reduce_sum3A_222 : f32 to vector<16xf32>
        %mul3A_518 = arith.mulf %gather3A_516, %mul3A_517 : vector<16xf32>
        %add3A_519 = arith.addf %mul3A_228, %mul3A_518 : vector<16xf32>
        %ge3A_520 = arith.constant 0.000000e+00 : f32
        %ge3A_521 = vector.broadcast %ge3A_520 : f32 to vector<16xf32>
        %ge3A_522 = arith.cmpf oge, %add3A_519, %ge3A_521 : vector<16xf32>
        %mul3A_523 = arith.constant 2.000000e-01 : f32
        %mul3A_524 = vector.broadcast %mul3A_523 : f32 to vector<16xf32>
        %mul3A_525 = arith.mulf %mul3A_524, %add3A_519 : vector<16xf32>
        %select_n3A_526 = arith.select %ge3A_522, %add3A_519, %mul3A_525 : vector<16xi1>, vector<16xf32>
        %max3A_527 = arith.maximumf %scan3A_511, %select_n3A_526 : vector<16xf32>
        %add3A_528 = arith.addf %mul3A_230, %mul3A_518 : vector<16xf32>
        %ge3A_529 = arith.constant 0.000000e+00 : f32
        %ge3A_530 = vector.broadcast %ge3A_529 : f32 to vector<16xf32>
        %ge3A_531 = arith.cmpf oge, %add3A_528, %ge3A_530 : vector<16xf32>
        %mul3A_532 = arith.constant 2.000000e-01 : f32
        %mul3A_533 = vector.broadcast %mul3A_532 : f32 to vector<16xf32>
        %mul3A_534 = arith.mulf %mul3A_533, %add3A_528 : vector<16xf32>
        %select_n3A_535 = arith.select %ge3A_531, %add3A_528, %mul3A_534 : vector<16xi1>, vector<16xf32>
        %max3A_536 = arith.maximumf %scan3A_512, %select_n3A_535 : vector<16xf32>
        scf.yield %max3A_527, %max3A_536 : vector<16xf32>, vector<16xf32>
      }
      %scan3A_238 = arith.constant 19 : i32
      %scan3A_239 = arith.constant 0 : i32
      %scan3A_240 = arith.constant 19 : i32
      %scan3A_241 = arith.addi %scan3A_239, %scan3A_240 : i32
      %scan3A_242 = arith.constant 1 : i32
      %scan3A_243:4 = scf.for %scan3A_510 = %scan3A_239 to %scan3A_241 step %scan3A_242 iter_args(%scan3A_511 = %broadcast_in_dim3A_136, %scan3A_512 = %broadcast_in_dim3A_136, %scan3A_513 = %broadcast_in_dim3A_136, %scan3A_514 = %broadcast_in_dim3A_136) -> (vector<16xf32>, vector<16xf32>, vector<16xf32>, vector<16xf32>)  : i32 {
        %add3A_515 = arith.constant 0 : i32
        %add3A_516 = arith.addi %add3A_515, %scan3A_510 : i32
        %broadcast_in_dim3A_517 = vector.broadcast %add3A_516 : i32 to vector<16xi32>
        %gather3A_518 = tpu.vector_load_idx %arg17[%broadcast_in_dim3A_517] : memref<11424xf32, #tpu.memory_space<vmem>>[vector<16xi32>], vector<16xf32>,
        %mul3A_519 = vector.broadcast %reduce_sum3A_222 : f32 to vector<16xf32>
        %mul3A_520 = arith.mulf %gather3A_518, %mul3A_519 : vector<16xf32>
        %add3A_521 = arith.addf %mul3A_228, %mul3A_520 : vector<16xf32>
        %ge3A_522 = arith.constant 0.000000e+00 : f32
        %ge3A_523 = vector.broadcast %ge3A_522 : f32 to vector<16xf32>
        %ge3A_524 = arith.cmpf oge, %add3A_521, %ge3A_523 : vector<16xf32>
        %mul3A_525 = arith.constant 2.000000e-01 : f32
        %mul3A_526 = vector.broadcast %mul3A_525 : f32 to vector<16xf32>
        %mul3A_527 = arith.mulf %mul3A_526, %add3A_521 : vector<16xf32>
        %select_n3A_528 = arith.select %ge3A_524, %add3A_521, %mul3A_527 : vector<16xi1>, vector<16xf32>
        %sub3A_529 = arith.subf %select_n3A_528, %scan3A_237#0 : vector<16xf32>
        %exp3A_530 = math.exp %sub3A_529 : vector<16xf32>
        %add3A_531 = arith.addf %mul3A_230, %mul3A_520 : vector<16xf32>
        %ge3A_532 = arith.constant 0.000000e+00 : f32
        %ge3A_533 = vector.broadcast %ge3A_532 : f32 to vector<16xf32>
        %ge3A_534 = arith.cmpf oge, %add3A_531, %ge3A_533 : vector<16xf32>
        %mul3A_535 = arith.constant 2.000000e-01 : f32
        %mul3A_536 = vector.broadcast %mul3A_535 : f32 to vector<16xf32>
        %mul3A_537 = arith.mulf %mul3A_536, %add3A_531 : vector<16xf32>
        %select_n3A_538 = arith.select %ge3A_534, %add3A_531, %mul3A_537 : vector<16xi1>, vector<16xf32>
        %sub3A_539 = arith.subf %select_n3A_538, %scan3A_237#1 : vector<16xf32>
        %exp3A_540 = math.exp %sub3A_539 : vector<16xf32>
        %add3A_541 = arith.addf %scan3A_511, %exp3A_530 : vector<16xf32>
        %add3A_542 = arith.addf %scan3A_512, %exp3A_540 : vector<16xf32>
        %mul3A_543 = arith.mulf %exp3A_530, %gather3A_518 : vector<16xf32>
        %add3A_544 = arith.addf %scan3A_513, %mul3A_543 : vector<16xf32>
        %mul3A_545 = arith.mulf %exp3A_540, %gather3A_518 : vector<16xf32>
        %add3A_546 = arith.addf %scan3A_514, %mul3A_545 : vector<16xf32>
        scf.yield %add3A_541, %add3A_542, %add3A_544, %add3A_546 : vector<16xf32>, vector<16xf32>, vector<16xf32>, vector<16xf32>
      }
      %scan3A_244 = arith.constant 19 : i32
      %div3A = arith.divf %scan3A_243#2, %scan3A_243#0 : vector<16xf32>
      %swap3A_245 = arith.constant 96 : index
      %swap3A_246 = tpu.vector_load %arg20[%swap3A_245] {strides = array<i32>} : memref<192xf32, #tpu.memory_space<vmem>>, vector<16xf32>,
      tpu.vector_store %arg20[%swap3A_245], %div3A {strides = array<i32>} : memref<192xf32, #tpu.memory_space<vmem>>, vector<16xf32>,
      %div3A_247 = arith.divf %scan3A_243#3, %scan3A_243#1 : vector<16xf32>
      %swap3A_248 = arith.constant 112 : index
      %swap3A_249 = tpu.vector_load %arg20[%swap3A_248] {strides = array<i32>} : memref<192xf32, #tpu.memory_space<vmem>>, vector<16xf32>,
      tpu.vector_store %arg20[%swap3A_248], %div3A_247 {strides = array<i32>} : memref<192xf32, #tpu.memory_space<vmem>>, vector<16xf32>,
      %get3A_250 = arith.constant 32 : index
      %get3A_251 = tpu.vector_load %arg17[%get3A_250] {strides = array<i32>} : memref<11424xf32, #tpu.memory_space<vmem>>, vector<16xf32>,
      %get3A_252 = arith.constant 48 : index
      %get3A_253 = tpu.vector_load %arg17[%get3A_252] {strides = array<i32>} : memref<11424xf32, #tpu.memory_space<vmem>>, vector<16xf32>,
      %get3A_254 = arith.constant 64 : index
      %get3A_255 = tpu.vector_load %arg17[%get3A_254] {strides = array<i32>} : memref<11424xf32, #tpu.memory_space<vmem>>, vector<16xf32>,
      %get3A_256 = arith.constant 80 : index
      %get3A_257 = tpu.vector_load %arg17[%get3A_256] {strides = array<i32>} : memref<11424xf32, #tpu.memory_space<vmem>>, vector<16xf32>,
      %get3A_258 = arith.constant 224 : index
      %get3A_259 = tpu.vector_load %arg17[%get3A_258] {strides = array<i32>} : memref<11424xf32, #tpu.memory_space<vmem>>, vector<16xf32>,
      %get3A_260 = arith.constant 240 : index
      %get3A_261 = tpu.vector_load %arg17[%get3A_260] {strides = array<i32>} : memref<11424xf32, #tpu.memory_space<vmem>>, vector<16xf32>,
      %get3A_262 = arith.constant 256 : index
      %get3A_263 = tpu.vector_load %arg17[%get3A_262] {strides = array<i32>} : memref<11424xf32, #tpu.memory_space<vmem>>, vector<16xf32>,
      %get3A_264 = arith.constant 272 : index
      %get3A_265 = tpu.vector_load %arg17[%get3A_264] {strides = array<i32>} : memref<11424xf32, #tpu.memory_space<vmem>>, vector<16xf32>,
      %scan3A_266 = arith.constant 0 : i32
      %scan3A_267 = arith.constant 0 : i32
      %scan3A_268 = arith.constant 19 : i32
      %scan3A_269 = arith.addi %scan3A_267, %scan3A_268 : i32
      %scan3A_270 = arith.constant 1 : i32
      scf.for %scan3A_510 = %scan3A_267 to %scan3A_269 step %scan3A_270  : i32 {
        %add3A_511 = arith.constant 96 : i32
        %add3A_512 = arith.addi %add3A_511, %scan3A_510 : i32
        %broadcast_in_dim3A_513 = vector.broadcast %add3A_512 : i32 to vector<16xi32>
        %gather3A_514 = tpu.vector_load_idx %arg20[%broadcast_in_dim3A_513] : memref<192xf32, #tpu.memory_space<vmem>>[vector<16xi32>], vector<16xf32>,
        %mul3A_515 = arith.mulf %gather3A_514, %get3A_251 : vector<16xf32>
        %add3A_516 = arith.addf %mul3A_515, %get3A_259 : vector<16xf32>
        %max3A_517 = arith.constant 0.000000e+00 : f32
        %max3A_518 = vector.broadcast %max3A_517 : f32 to vector<16xf32>
        %max3A_519 = arith.maximumf %add3A_516, %max3A_518 : vector<16xf32>
        %mul3A_520 = arith.constant 64 : i32
        %mul3A_521 = arith.muli %scan3A_510, %mul3A_520 : i32
        %add3A_522 = arith.constant 0 : i32
        %add3A_523 = arith.addi %mul3A_521, %add3A_522 : i32
        %swap3A_524 = arith.index_cast %add3A_523 : i32 to index
        %swap3A_525 = tpu.vector_load %arg18[%swap3A_524] {strides = array<i32>} : memref<1216xf32, #tpu.memory_space<vmem>>, vector<16xf32>,
        tpu.vector_store %arg18[%swap3A_524], %max3A_519 {strides = array<i32>} : memref<1216xf32, #tpu.memory_space<vmem>>, vector<16xf32>,
        %mul3A_526 = arith.mulf %gather3A_514, %get3A_253 : vector<16xf32>
        %add3A_527 = arith.addf %mul3A_526, %get3A_261 : vector<16xf32>
        %max3A_528 = arith.constant 0.000000e+00 : f32
        %max3A_529 = vector.broadcast %max3A_528 : f32 to vector<16xf32>
        %max3A_530 = arith.maximumf %add3A_527, %max3A_529 : vector<16xf32>
        %mul3A_531 = arith.constant 64 : i32
        %mul3A_532 = arith.muli %scan3A_510, %mul3A_531 : i32
        %add3A_533 = arith.constant 16 : i32
        %add3A_534 = arith.addi %mul3A_532, %add3A_533 : i32
        %swap3A_535 = arith.index_cast %add3A_534 : i32 to index
        %swap3A_536 = tpu.vector_load %arg18[%swap3A_535] {strides = array<i32>} : memref<1216xf32, #tpu.memory_space<vmem>>, vector<16xf32>,
        tpu.vector_store %arg18[%swap3A_535], %max3A_530 {strides = array<i32>} : memref<1216xf32, #tpu.memory_space<vmem>>, vector<16xf32>,
        %mul3A_537 = arith.mulf %gather3A_514, %get3A_255 : vector<16xf32>
        %add3A_538 = arith.addf %mul3A_537, %get3A_263 : vector<16xf32>
        %max3A_539 = arith.constant 0.000000e+00 : f32
        %max3A_540 = vector.broadcast %max3A_539 : f32 to vector<16xf32>
        %max3A_541 = arith.maximumf %add3A_538, %max3A_540 : vector<16xf32>
        %mul3A_542 = arith.constant 64 : i32
        %mul3A_543 = arith.muli %scan3A_510, %mul3A_542 : i32
        %add3A_544 = arith.constant 32 : i32
        %add3A_545 = arith.addi %mul3A_543, %add3A_544 : i32
        %swap3A_546 = arith.index_cast %add3A_545 : i32 to index
        %swap3A_547 = tpu.vector_load %arg18[%swap3A_546] {strides = array<i32>} : memref<1216xf32, #tpu.memory_space<vmem>>, vector<16xf32>,
        tpu.vector_store %arg18[%swap3A_546], %max3A_541 {strides = array<i32>} : memref<1216xf32, #tpu.memory_space<vmem>>, vector<16xf32>,
        %mul3A_548 = arith.mulf %gather3A_514, %get3A_257 : vector<16xf32>
        %add3A_549 = arith.addf %mul3A_548, %get3A_265 : vector<16xf32>
        %max3A_550 = arith.constant 0.000000e+00 : f32
        %max3A_551 = vector.broadcast %max3A_550 : f32 to vector<16xf32>
        %max3A_552 = arith.maximumf %add3A_549, %max3A_551 : vector<16xf32>
        %mul3A_553 = arith.constant 64 : i32
        %mul3A_554 = arith.muli %scan3A_510, %mul3A_553 : i32
        %add3A_555 = arith.constant 48 : i32
        %add3A_556 = arith.addi %mul3A_554, %add3A_555 : i32
        %swap3A_557 = arith.index_cast %add3A_556 : i32 to index
        %swap3A_558 = tpu.vector_load %arg18[%swap3A_557] {strides = array<i32>} : memref<1216xf32, #tpu.memory_space<vmem>>, vector<16xf32>,
        tpu.vector_store %arg18[%swap3A_557], %max3A_552 {strides = array<i32>} : memref<1216xf32, #tpu.memory_space<vmem>>, vector<16xf32>,
      }
      %scan3A_271 = arith.constant 19 : i32
      %get3A_272 = arith.constant 1264 : index
      %get3A_273 = tpu.vector_load %arg19[%get3A_272] {strides = array<i32>} : memref<1520xf32, #tpu.memory_space<vmem>>, vector<16xf32>,
      %get3A_274 = arith.constant 1280 : index
      %get3A_275 = tpu.vector_load %arg19[%get3A_274] {strides = array<i32>} : memref<1520xf32, #tpu.memory_space<vmem>>, vector<16xf32>,
      %get3A_276 = arith.constant 1296 : index
      %get3A_277 = tpu.vector_load %arg19[%get3A_276] {strides = array<i32>} : memref<1520xf32, #tpu.memory_space<vmem>>, vector<16xf32>,
      %get3A_278 = arith.constant 1312 : index
      %get3A_279 = tpu.vector_load %arg19[%get3A_278] {strides = array<i32>} : memref<1520xf32, #tpu.memory_space<vmem>>, vector<16xf32>,
      %get3A_280 = arith.constant 1328 : index
      %get3A_281 = tpu.vector_load %arg19[%get3A_280] {strides = array<i32>} : memref<1520xf32, #tpu.memory_space<vmem>>, vector<16xf32>,
      %get3A_282 = arith.constant 1344 : index
      %get3A_283 = tpu.vector_load %arg19[%get3A_282] {strides = array<i32>} : memref<1520xf32, #tpu.memory_space<vmem>>, vector<16xf32>,
      %get3A_284 = arith.constant 1360 : index
      %get3A_285 = tpu.vector_load %arg19[%get3A_284] {strides = array<i32>} : memref<1520xf32, #tpu.memory_space<vmem>>, vector<16xf32>,
      %get3A_286 = arith.constant 1376 : index
      %get3A_287 = tpu.vector_load %arg19[%get3A_286] {strides = array<i32>} : memref<1520xf32, #tpu.memory_space<vmem>>, vector<16xf32>,
      %broadcast_in_dim3A_288 = arith.constant -1.000000e+30 : f32
      %broadcast_in_dim3A_289 = vector.broadcast %broadcast_in_dim3A_288 : f32 to vector<16xf32>
      %swap3A_290 = arith.constant 16 : index
      %swap3A_291 = tpu.vector_load %arg20[%swap3A_290] {strides = array<i32>} : memref<192xf32, #tpu.memory_space<vmem>>, vector<16xf32>,
      tpu.vector_store %arg20[%swap3A_290], %broadcast_in_dim3A_289 {strides = array<i32>} : memref<192xf32, #tpu.memory_space<vmem>>, vector<16xf32>,
      %scan3A_292 = arith.constant 0 : i32
      %scan3A_293 = arith.constant 0 : i32
      %scan3A_294 = arith.constant 19 : i32
      %scan3A_295 = arith.addi %scan3A_293, %scan3A_294 : i32
      %scan3A_296 = arith.constant 1 : i32
      scf.for %scan3A_510 = %scan3A_293 to %scan3A_295 step %scan3A_296  : i32 {
        %mul3A_511 = arith.constant 64 : i32
        %mul3A_512 = arith.muli %scan3A_510, %mul3A_511 : i32
        %add3A_513 = arith.constant 0 : i32
        %add3A_514 = arith.addi %mul3A_512, %add3A_513 : i32
        %get3A_515 = arith.index_cast %add3A_514 : i32 to index
        %get3A_516 = tpu.vector_load %arg18[%get3A_515] {strides = array<i32>} : memref<1216xf32, #tpu.memory_space<vmem>>, vector<16xf32>,
        %mul3A_517 = arith.constant 64 : i32
        %mul3A_518 = arith.muli %scan3A_510, %mul3A_517 : i32
        %add3A_519 = arith.constant 16 : i32
        %add3A_520 = arith.addi %mul3A_518, %add3A_519 : i32
        %get3A_521 = arith.index_cast %add3A_520 : i32 to index
        %get3A_522 = tpu.vector_load %arg18[%get3A_521] {strides = array<i32>} : memref<1216xf32, #tpu.memory_space<vmem>>, vector<16xf32>,
        %mul3A_523 = arith.constant 64 : i32
        %mul3A_524 = arith.muli %scan3A_510, %mul3A_523 : i32
        %add3A_525 = arith.constant 32 : i32
        %add3A_526 = arith.addi %mul3A_524, %add3A_525 : i32
        %get3A_527 = arith.index_cast %add3A_526 : i32 to index
        %get3A_528 = tpu.vector_load %arg18[%get3A_527] {strides = array<i32>} : memref<1216xf32, #tpu.memory_space<vmem>>, vector<16xf32>,
        %mul3A_529 = arith.constant 64 : i32
        %mul3A_530 = arith.muli %scan3A_510, %mul3A_529 : i32
        %add3A_531 = arith.constant 48 : i32
        %add3A_532 = arith.addi %mul3A_530, %add3A_531 : i32
        %get3A_533 = arith.index_cast %add3A_532 : i32 to index
        %get3A_534 = tpu.vector_load %arg18[%get3A_533] {strides = array<i32>} : memref<1216xf32, #tpu.memory_space<vmem>>, vector<16xf32>,
        %mul3A_535 = arith.mulf %get3A_516, %get3A_273 : vector<16xf32>
        %mul3A_536 = arith.mulf %get3A_516, %get3A_281 : vector<16xf32>
        %mul3A_537 = arith.mulf %get3A_522, %get3A_275 : vector<16xf32>
        %add3A_538 = arith.addf %mul3A_535, %mul3A_537 : vector<16xf32>
        %mul3A_539 = arith.mulf %get3A_522, %get3A_283 : vector<16xf32>
        %add3A_540 = arith.addf %mul3A_536, %mul3A_539 : vector<16xf32>
        %mul3A_541 = arith.mulf %get3A_528, %get3A_277 : vector<16xf32>
        %add3A_542 = arith.addf %add3A_538, %mul3A_541 : vector<16xf32>
        %mul3A_543 = arith.mulf %get3A_528, %get3A_285 : vector<16xf32>
        %add3A_544 = arith.addf %add3A_540, %mul3A_543 : vector<16xf32>
        %mul3A_545 = arith.mulf %get3A_534, %get3A_279 : vector<16xf32>
        %add3A_546 = arith.addf %add3A_542, %mul3A_545 : vector<16xf32>
        %mul3A_547 = arith.mulf %get3A_534, %get3A_287 : vector<16xf32>
        %add3A_548 = arith.addf %add3A_544, %mul3A_547 : vector<16xf32>
        %add3A_549 = arith.constant 0 : i32
        %add3A_550 = arith.addi %add3A_549, %scan3A_510 : i32
        %broadcast_in_dim3A_551 = vector.broadcast %add3A_550 : i32 to vector<16xi32>
        %reduce_sum3A_552 = arith.constant true
        %reduce_sum3A_553 = vector.broadcast %reduce_sum3A_552 : i1 to vector<16xi1>
        %reduce_sum3A_554 = tpu.scan <sum>, %add3A_546 masked %reduce_sum3A_553 : vector<16xf32>, vector<16xi1> -> vector<16xf32>
        %reduce_sum3A_555 = vector.extract %reduce_sum3A_554[15] : f32 from vector<16xf32>
        %broadcast_in_dim3A_556 = vector.broadcast %reduce_sum3A_555 : f32 to vector<16xf32>
        tpu.vector_store_idx %arg20[%broadcast_in_dim3A_551], %broadcast_in_dim3A_556 masked %eq3A_138 : memref<192xf32, #tpu.memory_space<vmem>>[vector<16xi32>], vector<16xf32>, vector<16xi1>
        %add3A_557 = arith.constant 32 : i32
        %add3A_558 = arith.addi %add3A_557, %scan3A_510 : i32
        %broadcast_in_dim3A_559 = vector.broadcast %add3A_558 : i32 to vector<16xi32>
        %reduce_sum3A_560 = arith.constant true
        %reduce_sum3A_561 = vector.broadcast %reduce_sum3A_560 : i1 to vector<16xi1>
        %reduce_sum3A_562 = tpu.scan <sum>, %add3A_548 masked %reduce_sum3A_561 : vector<16xf32>, vector<16xi1> -> vector<16xf32>
        %reduce_sum3A_563 = vector.extract %reduce_sum3A_562[15] : f32 from vector<16xf32>
        %broadcast_in_dim3A_564 = vector.broadcast %reduce_sum3A_563 : f32 to vector<16xf32>
        tpu.vector_store_idx %arg20[%broadcast_in_dim3A_559], %broadcast_in_dim3A_564 masked %eq3A_138 : memref<192xf32, #tpu.memory_space<vmem>>[vector<16xi32>], vector<16xf32>, vector<16xi1>
      }
      %scan3A_297 = arith.constant 19 : i32
      %get3A_298 = arith.constant 0 : index
      %get3A_299 = tpu.vector_load %arg20[%get3A_298] {strides = array<i32>} : memref<192xf32, #tpu.memory_space<vmem>>, vector<16xf32>,
      %get3A_300 = arith.constant 16 : index
      %get3A_301 = tpu.vector_load %arg20[%get3A_300] {strides = array<i32>} : memref<192xf32, #tpu.memory_space<vmem>>, vector<16xf32>,
      %scan3A_302 = arith.constant 0 : i32
      %scan3A_303 = arith.constant 9 : i32
      %scan3A_304 = arith.addi %scan3A_302, %scan3A_303 : i32
      %scan3A_305 = arith.constant 1 : i32
      %scan3A_306 = scf.for %scan3A_510 = %scan3A_302 to %scan3A_304 step %scan3A_305 iter_args(%scan3A_511 = %broadcast_in_dim3A_136) -> (vector<16xf32>)  : i32 {
        %mul3A_512 = arith.constant 2 : i32
        %mul3A_513 = arith.muli %mul3A_512, %scan3A_510 : i32
        %add3A_514 = arith.constant 1 : i32
        %add3A_515 = arith.addi %mul3A_513, %add3A_514 : i32
        %add3A_516 = arith.constant 32 : i32
        %add3A_517 = arith.addi %add3A_516, %mul3A_513 : i32
        %broadcast_in_dim3A_518 = vector.broadcast %add3A_517 : i32 to vector<16xi32>
        %gather3A_519 = tpu.vector_load_idx %arg20[%broadcast_in_dim3A_518] : memref<192xf32, #tpu.memory_space<vmem>>[vector<16xi32>], vector<16xf32>,
        %add3A_520 = arith.addf %get3A_299, %gather3A_519 : vector<16xf32>
        %ge3A_521 = arith.constant 0.000000e+00 : f32
        %ge3A_522 = vector.broadcast %ge3A_521 : f32 to vector<16xf32>
        %ge3A_523 = arith.cmpf oge, %add3A_520, %ge3A_522 : vector<16xf32>
        %mul3A_524 = arith.constant 2.000000e-01 : f32
        %mul3A_525 = vector.broadcast %mul3A_524 : f32 to vector<16xf32>
        %mul3A_526 = arith.mulf %mul3A_525, %add3A_520 : vector<16xf32>
        %select_n3A_527 = arith.select %ge3A_523, %add3A_520, %mul3A_526 : vector<16xi1>, vector<16xf32>
        %add3A_528 = arith.addf %get3A_301, %gather3A_519 : vector<16xf32>
        %ge3A_529 = arith.constant 0.000000e+00 : f32
        %ge3A_530 = vector.broadcast %ge3A_529 : f32 to vector<16xf32>
        %ge3A_531 = arith.cmpf oge, %add3A_528, %ge3A_530 : vector<16xf32>
        %mul3A_532 = arith.constant 2.000000e-01 : f32
        %mul3A_533 = vector.broadcast %mul3A_532 : f32 to vector<16xf32>
        %mul3A_534 = arith.mulf %mul3A_533, %add3A_528 : vector<16xf32>
        %select_n3A_535 = arith.select %ge3A_531, %add3A_528, %mul3A_534 : vector<16xi1>, vector<16xf32>
        %reduce_max3A_536 = arith.constant true
        %reduce_max3A_537 = vector.broadcast %reduce_max3A_536 : i1 to vector<16xi1>
        %reduce_max3A_538 = tpu.scan <max>, %select_n3A_527 masked %reduce_max3A_537 : vector<16xf32>, vector<16xi1> -> vector<16xf32>
        %reduce_max3A_539 = vector.extract %reduce_max3A_538[15] : f32 from vector<16xf32>
        %reduce_max3A_540 = arith.constant true
        %reduce_max3A_541 = vector.broadcast %reduce_max3A_540 : i1 to vector<16xi1>
        %reduce_max3A_542 = tpu.scan <max>, %select_n3A_535 masked %reduce_max3A_541 : vector<16xf32>, vector<16xi1> -> vector<16xf32>
        %reduce_max3A_543 = vector.extract %reduce_max3A_542[15] : f32 from vector<16xf32>
        %max3A_544 = arith.maximumf %reduce_max3A_539, %reduce_max3A_543 : f32
        %sub3A_545 = vector.broadcast %max3A_544 : f32 to vector<16xf32>
        %sub3A_546 = arith.subf %select_n3A_527, %sub3A_545 : vector<16xf32>
        %exp3A_547 = math.exp %sub3A_546 : vector<16xf32>
        %sub3A_548 = vector.broadcast %max3A_544 : f32 to vector<16xf32>
        %sub3A_549 = arith.subf %select_n3A_535, %sub3A_548 : vector<16xf32>
        %exp3A_550 = math.exp %sub3A_549 : vector<16xf32>
        %reduce_sum3A_551 = arith.constant true
        %reduce_sum3A_552 = vector.broadcast %reduce_sum3A_551 : i1 to vector<16xi1>
        %reduce_sum3A_553 = tpu.scan <sum>, %exp3A_547 masked %reduce_sum3A_552 : vector<16xf32>, vector<16xi1> -> vector<16xf32>
        %reduce_sum3A_554 = vector.extract %reduce_sum3A_553[15] : f32 from vector<16xf32>
        %reduce_sum3A_555 = arith.constant true
        %reduce_sum3A_556 = vector.broadcast %reduce_sum3A_555 : i1 to vector<16xi1>
        %reduce_sum3A_557 = tpu.scan <sum>, %exp3A_550 masked %reduce_sum3A_556 : vector<16xf32>, vector<16xi1> -> vector<16xf32>
        %reduce_sum3A_558 = vector.extract %reduce_sum3A_557[15] : f32 from vector<16xf32>
        %add3A_559 = arith.addf %reduce_sum3A_554, %reduce_sum3A_558 : f32
        %broadcast_in_dim3A_560 = vector.broadcast %add3A_559 : f32 to vector<16xf32>
        %div3A_561 = arith.constant 1.000000e+00 : f32
        %div3A_562 = vector.broadcast %div3A_561 : f32 to vector<16xf32>
        %div3A_563 = arith.divf %div3A_562, %broadcast_in_dim3A_560 : vector<16xf32>
        %swap3A_564 = arith.constant 64 : index
        %swap3A_565 = tpu.vector_load %arg20[%swap3A_564] {strides = array<i32>} : memref<192xf32, #tpu.memory_space<vmem>>, vector<16xf32>,
        tpu.vector_store %arg20[%swap3A_564], %exp3A_547 {strides = array<i32>} : memref<192xf32, #tpu.memory_space<vmem>>, vector<16xf32>,
        %swap3A_566 = arith.constant 80 : index
        %swap3A_567 = tpu.vector_load %arg20[%swap3A_566] {strides = array<i32>} : memref<192xf32, #tpu.memory_space<vmem>>, vector<16xf32>,
        tpu.vector_store %arg20[%swap3A_566], %exp3A_550 {strides = array<i32>} : memref<192xf32, #tpu.memory_space<vmem>>, vector<16xf32>,
        %add3A_568 = arith.constant 32 : i32
        %add3A_569 = arith.addi %add3A_568, %add3A_515 : i32
        %broadcast_in_dim3A_570 = vector.broadcast %add3A_569 : i32 to vector<16xi32>
        %gather3A_571 = tpu.vector_load_idx %arg20[%broadcast_in_dim3A_570] : memref<192xf32, #tpu.memory_space<vmem>>[vector<16xi32>], vector<16xf32>,
        %add3A_572 = arith.addf %get3A_299, %gather3A_571 : vector<16xf32>
        %ge3A_573 = arith.constant 0.000000e+00 : f32
        %ge3A_574 = vector.broadcast %ge3A_573 : f32 to vector<16xf32>
        %ge3A_575 = arith.cmpf oge, %add3A_572, %ge3A_574 : vector<16xf32>
        %mul3A_576 = arith.constant 2.000000e-01 : f32
        %mul3A_577 = vector.broadcast %mul3A_576 : f32 to vector<16xf32>
        %mul3A_578 = arith.mulf %mul3A_577, %add3A_572 : vector<16xf32>
        %select_n3A_579 = arith.select %ge3A_575, %add3A_572, %mul3A_578 : vector<16xi1>, vector<16xf32>
        %add3A_580 = arith.addf %get3A_301, %gather3A_571 : vector<16xf32>
        %ge3A_581 = arith.constant 0.000000e+00 : f32
        %ge3A_582 = vector.broadcast %ge3A_581 : f32 to vector<16xf32>
        %ge3A_583 = arith.cmpf oge, %add3A_580, %ge3A_582 : vector<16xf32>
        %mul3A_584 = arith.constant 2.000000e-01 : f32
        %mul3A_585 = vector.broadcast %mul3A_584 : f32 to vector<16xf32>
        %mul3A_586 = arith.mulf %mul3A_585, %add3A_580 : vector<16xf32>
        %select_n3A_587 = arith.select %ge3A_583, %add3A_580, %mul3A_586 : vector<16xi1>, vector<16xf32>
        %reduce_max3A_588 = arith.constant true
        %reduce_max3A_589 = vector.broadcast %reduce_max3A_588 : i1 to vector<16xi1>
        %reduce_max3A_590 = tpu.scan <max>, %select_n3A_579 masked %reduce_max3A_589 : vector<16xf32>, vector<16xi1> -> vector<16xf32>
        %reduce_max3A_591 = vector.extract %reduce_max3A_590[15] : f32 from vector<16xf32>
        %reduce_max3A_592 = arith.constant true
        %reduce_max3A_593 = vector.broadcast %reduce_max3A_592 : i1 to vector<16xi1>
        %reduce_max3A_594 = tpu.scan <max>, %select_n3A_587 masked %reduce_max3A_593 : vector<16xf32>, vector<16xi1> -> vector<16xf32>
        %reduce_max3A_595 = vector.extract %reduce_max3A_594[15] : f32 from vector<16xf32>
        %max3A_596 = arith.maximumf %reduce_max3A_591, %reduce_max3A_595 : f32
        %sub3A_597 = vector.broadcast %max3A_596 : f32 to vector<16xf32>
        %sub3A_598 = arith.subf %select_n3A_579, %sub3A_597 : vector<16xf32>
        %exp3A_599 = math.exp %sub3A_598 : vector<16xf32>
        %sub3A_600 = vector.broadcast %max3A_596 : f32 to vector<16xf32>
        %sub3A_601 = arith.subf %select_n3A_587, %sub3A_600 : vector<16xf32>
        %exp3A_602 = math.exp %sub3A_601 : vector<16xf32>
        %reduce_sum3A_603 = arith.constant true
        %reduce_sum3A_604 = vector.broadcast %reduce_sum3A_603 : i1 to vector<16xi1>
        %reduce_sum3A_605 = tpu.scan <sum>, %exp3A_599 masked %reduce_sum3A_604 : vector<16xf32>, vector<16xi1> -> vector<16xf32>
        %reduce_sum3A_606 = vector.extract %reduce_sum3A_605[15] : f32 from vector<16xf32>
        %reduce_sum3A_607 = arith.constant true
        %reduce_sum3A_608 = vector.broadcast %reduce_sum3A_607 : i1 to vector<16xi1>
        %reduce_sum3A_609 = tpu.scan <sum>, %exp3A_602 masked %reduce_sum3A_608 : vector<16xf32>, vector<16xi1> -> vector<16xf32>
        %reduce_sum3A_610 = vector.extract %reduce_sum3A_609[15] : f32 from vector<16xf32>
        %add3A_611 = arith.addf %reduce_sum3A_606, %reduce_sum3A_610 : f32
        %broadcast_in_dim3A_612 = vector.broadcast %add3A_611 : f32 to vector<16xf32>
        %div3A_613 = arith.constant 1.000000e+00 : f32
        %div3A_614 = vector.broadcast %div3A_613 : f32 to vector<16xf32>
        %div3A_615 = arith.divf %div3A_614, %broadcast_in_dim3A_612 : vector<16xf32>
        %swap3A_616 = arith.constant 128 : index
        %swap3A_617 = tpu.vector_load %arg20[%swap3A_616] {strides = array<i32>} : memref<192xf32, #tpu.memory_space<vmem>>, vector<16xf32>,
        tpu.vector_store %arg20[%swap3A_616], %exp3A_599 {strides = array<i32>} : memref<192xf32, #tpu.memory_space<vmem>>, vector<16xf32>,
        %swap3A_618 = arith.constant 144 : index
        %swap3A_619 = tpu.vector_load %arg20[%swap3A_618] {strides = array<i32>} : memref<192xf32, #tpu.memory_space<vmem>>, vector<16xf32>,
        tpu.vector_store %arg20[%swap3A_618], %exp3A_602 {strides = array<i32>} : memref<192xf32, #tpu.memory_space<vmem>>, vector<16xf32>,
        %scan3A_620 = arith.constant 0 : i32
        %scan3A_621 = arith.constant 18 : i32
        %scan3A_622 = arith.addi %scan3A_620, %scan3A_621 : i32
        %scan3A_623 = arith.constant 2 : i32
        %scan3A_624:8 = scf.for %scan3A_748 = %scan3A_620 to %scan3A_622 step %scan3A_623 iter_args(%scan3A_749 = %broadcast_in_dim3A_136, %scan3A_750 = %broadcast_in_dim3A_136, %scan3A_751 = %broadcast_in_dim3A_136, %scan3A_752 = %broadcast_in_dim3A_136, %scan3A_753 = %broadcast_in_dim3A_136, %scan3A_754 = %broadcast_in_dim3A_136, %scan3A_755 = %broadcast_in_dim3A_136, %scan3A_756 = %broadcast_in_dim3A_136) -> (vector<16xf32>, vector<16xf32>, vector<16xf32>, vector<16xf32>, vector<16xf32>, vector<16xf32>, vector<16xf32>, vector<16xf32>)  : i32 {
          %mul3A_757 = arith.constant 64 : i32
          %mul3A_758 = arith.muli %scan3A_748, %mul3A_757 : i32
          %add3A_759 = arith.constant 0 : i32
          %add3A_760 = arith.addi %mul3A_758, %add3A_759 : i32
          %get3A_761 = arith.index_cast %add3A_760 : i32 to index
          %get3A_762 = tpu.vector_load %arg18[%get3A_761] {strides = array<i32>} : memref<1216xf32, #tpu.memory_space<vmem>>, vector<16xf32>,
          %mul3A_763 = arith.constant 64 : i32
          %mul3A_764 = arith.muli %scan3A_748, %mul3A_763 : i32
          %add3A_765 = arith.constant 16 : i32
          %add3A_766 = arith.addi %mul3A_764, %add3A_765 : i32
          %get3A_767 = arith.index_cast %add3A_766 : i32 to index
          %get3A_768 = tpu.vector_load %arg18[%get3A_767] {strides = array<i32>} : memref<1216xf32, #tpu.memory_space<vmem>>, vector<16xf32>,
          %mul3A_769 = arith.constant 64 : i32
          %mul3A_770 = arith.muli %scan3A_748, %mul3A_769 : i32
          %add3A_771 = arith.constant 32 : i32
          %add3A_772 = arith.addi %mul3A_770, %add3A_771 : i32
          %get3A_773 = arith.index_cast %add3A_772 : i32 to index
          %get3A_774 = tpu.vector_load %arg18[%get3A_773] {strides = array<i32>} : memref<1216xf32, #tpu.memory_space<vmem>>, vector<16xf32>,
          %mul3A_775 = arith.constant 64 : i32
          %mul3A_776 = arith.muli %scan3A_748, %mul3A_775 : i32
          %add3A_777 = arith.constant 48 : i32
          %add3A_778 = arith.addi %mul3A_776, %add3A_777 : i32
          %get3A_779 = arith.index_cast %add3A_778 : i32 to index
          %get3A_780 = tpu.vector_load %arg18[%get3A_779] {strides = array<i32>} : memref<1216xf32, #tpu.memory_space<vmem>>, vector<16xf32>,
          %add3A_781 = arith.constant 64 : i32
          %add3A_782 = arith.addi %add3A_781, %scan3A_748 : i32
          %broadcast_in_dim3A_783 = vector.broadcast %add3A_782 : i32 to vector<16xi32>
          %gather3A_784 = tpu.vector_load_idx %arg20[%broadcast_in_dim3A_783] : memref<192xf32, #tpu.memory_space<vmem>>[vector<16xi32>], vector<16xf32>,
          %add3A_785 = arith.constant 128 : i32
          %add3A_786 = arith.addi %add3A_785, %scan3A_748 : i32
          %broadcast_in_dim3A_787 = vector.broadcast %add3A_786 : i32 to vector<16xi32>
          %gather3A_788 = tpu.vector_load_idx %arg20[%broadcast_in_dim3A_787] : memref<192xf32, #tpu.memory_space<vmem>>[vector<16xi32>], vector<16xf32>,
          %mul3A_789 = arith.mulf %gather3A_784, %get3A_762 : vector<16xf32>
          %add3A_790 = arith.addf %scan3A_749, %mul3A_789 : vector<16xf32>
          %mul3A_791 = arith.mulf %gather3A_784, %get3A_768 : vector<16xf32>
          %add3A_792 = arith.addf %scan3A_750, %mul3A_791 : vector<16xf32>
          %mul3A_793 = arith.mulf %gather3A_784, %get3A_774 : vector<16xf32>
          %add3A_794 = arith.addf %scan3A_751, %mul3A_793 : vector<16xf32>
          %mul3A_795 = arith.mulf %gather3A_784, %get3A_780 : vector<16xf32>
          %add3A_796 = arith.addf %scan3A_752, %mul3A_795 : vector<16xf32>
          %mul3A_797 = arith.mulf %gather3A_788, %get3A_762 : vector<16xf32>
          %add3A_798 = arith.addf %scan3A_753, %mul3A_797 : vector<16xf32>
          %mul3A_799 = arith.mulf %gather3A_788, %get3A_768 : vector<16xf32>
          %add3A_800 = arith.addf %scan3A_754, %mul3A_799 : vector<16xf32>
          %mul3A_801 = arith.mulf %gather3A_788, %get3A_774 : vector<16xf32>
          %add3A_802 = arith.addf %scan3A_755, %mul3A_801 : vector<16xf32>
          %mul3A_803 = arith.mulf %gather3A_788, %get3A_780 : vector<16xf32>
          %add3A_804 = arith.addf %scan3A_756, %mul3A_803 : vector<16xf32>
          %scan3A_805 = arith.constant 1 : i32
          %scan3A_806 = arith.addi %scan3A_748, %scan3A_805 : i32
          %mul3A_807 = arith.constant 64 : i32
          %mul3A_808 = arith.muli %scan3A_806, %mul3A_807 : i32
          %add3A_809 = arith.constant 0 : i32
          %add3A_810 = arith.addi %mul3A_808, %add3A_809 : i32
          %get3A_811 = arith.index_cast %add3A_810 : i32 to index
          %get3A_812 = tpu.vector_load %arg18[%get3A_811] {strides = array<i32>} : memref<1216xf32, #tpu.memory_space<vmem>>, vector<16xf32>,
          %mul3A_813 = arith.constant 64 : i32
          %mul3A_814 = arith.muli %scan3A_806, %mul3A_813 : i32
          %add3A_815 = arith.constant 16 : i32
          %add3A_816 = arith.addi %mul3A_814, %add3A_815 : i32
          %get3A_817 = arith.index_cast %add3A_816 : i32 to index
          %get3A_818 = tpu.vector_load %arg18[%get3A_817] {strides = array<i32>} : memref<1216xf32, #tpu.memory_space<vmem>>, vector<16xf32>,
          %mul3A_819 = arith.constant 64 : i32
          %mul3A_820 = arith.muli %scan3A_806, %mul3A_819 : i32
          %add3A_821 = arith.constant 32 : i32
          %add3A_822 = arith.addi %mul3A_820, %add3A_821 : i32
          %get3A_823 = arith.index_cast %add3A_822 : i32 to index
          %get3A_824 = tpu.vector_load %arg18[%get3A_823] {strides = array<i32>} : memref<1216xf32, #tpu.memory_space<vmem>>, vector<16xf32>,
          %mul3A_825 = arith.constant 64 : i32
          %mul3A_826 = arith.muli %scan3A_806, %mul3A_825 : i32
          %add3A_827 = arith.constant 48 : i32
          %add3A_828 = arith.addi %mul3A_826, %add3A_827 : i32
          %get3A_829 = arith.index_cast %add3A_828 : i32 to index
          %get3A_830 = tpu.vector_load %arg18[%get3A_829] {strides = array<i32>} : memref<1216xf32, #tpu.memory_space<vmem>>, vector<16xf32>,
          %add3A_831 = arith.constant 64 : i32
          %add3A_832 = arith.addi %add3A_831, %scan3A_806 : i32
          %broadcast_in_dim3A_833 = vector.broadcast %add3A_832 : i32 to vector<16xi32>
          %gather3A_834 = tpu.vector_load_idx %arg20[%broadcast_in_dim3A_833] : memref<192xf32, #tpu.memory_space<vmem>>[vector<16xi32>], vector<16xf32>,
          %add3A_835 = arith.constant 128 : i32
          %add3A_836 = arith.addi %add3A_835, %scan3A_806 : i32
          %broadcast_in_dim3A_837 = vector.broadcast %add3A_836 : i32 to vector<16xi32>
          %gather3A_838 = tpu.vector_load_idx %arg20[%broadcast_in_dim3A_837] : memref<192xf32, #tpu.memory_space<vmem>>[vector<16xi32>], vector<16xf32>,
          %mul3A_839 = arith.mulf %gather3A_834, %get3A_812 : vector<16xf32>
          %add3A_840 = arith.addf %add3A_790, %mul3A_839 : vector<16xf32>
          %mul3A_841 = arith.mulf %gather3A_834, %get3A_818 : vector<16xf32>
          %add3A_842 = arith.addf %add3A_792, %mul3A_841 : vector<16xf32>
          %mul3A_843 = arith.mulf %gather3A_834, %get3A_824 : vector<16xf32>
          %add3A_844 = arith.addf %add3A_794, %mul3A_843 : vector<16xf32>
          %mul3A_845 = arith.mulf %gather3A_834, %get3A_830 : vector<16xf32>
          %add3A_846 = arith.addf %add3A_796, %mul3A_845 : vector<16xf32>
          %mul3A_847 = arith.mulf %gather3A_838, %get3A_812 : vector<16xf32>
          %add3A_848 = arith.addf %add3A_798, %mul3A_847 : vector<16xf32>
          %mul3A_849 = arith.mulf %gather3A_838, %get3A_818 : vector<16xf32>
          %add3A_850 = arith.addf %add3A_800, %mul3A_849 : vector<16xf32>
          %mul3A_851 = arith.mulf %gather3A_838, %get3A_824 : vector<16xf32>
          %add3A_852 = arith.addf %add3A_802, %mul3A_851 : vector<16xf32>
          %mul3A_853 = arith.mulf %gather3A_838, %get3A_830 : vector<16xf32>
          %add3A_854 = arith.addf %add3A_804, %mul3A_853 : vector<16xf32>
          scf.yield %add3A_840, %add3A_842, %add3A_844, %add3A_846, %add3A_848, %add3A_850, %add3A_852, %add3A_854 : vector<16xf32>, vector<16xf32>, vector<16xf32>, vector<16xf32>, vector<16xf32>, vector<16xf32>, vector<16xf32>, vector<16xf32>
        }
        %scan3A_625 = arith.constant 18 : i32
        %scan3A_626 = arith.addi %scan3A_620, %scan3A_625 : i32
        %mul3A_627 = arith.constant 64 : i32
        %mul3A_628 = arith.muli %scan3A_626, %mul3A_627 : i32
        %add3A_629 = arith.constant 0 : i32
        %add3A_630 = arith.addi %mul3A_628, %add3A_629 : i32
        %get3A_631 = arith.index_cast %add3A_630 : i32 to index
        %get3A_632 = tpu.vector_load %arg18[%get3A_631] {strides = array<i32>} : memref<1216xf32, #tpu.memory_space<vmem>>, vector<16xf32>,
        %mul3A_633 = arith.constant 64 : i32
        %mul3A_634 = arith.muli %scan3A_626, %mul3A_633 : i32
        %add3A_635 = arith.constant 16 : i32
        %add3A_636 = arith.addi %mul3A_634, %add3A_635 : i32
        %get3A_637 = arith.index_cast %add3A_636 : i32 to index
        %get3A_638 = tpu.vector_load %arg18[%get3A_637] {strides = array<i32>} : memref<1216xf32, #tpu.memory_space<vmem>>, vector<16xf32>,
        %mul3A_639 = arith.constant 64 : i32
        %mul3A_640 = arith.muli %scan3A_626, %mul3A_639 : i32
        %add3A_641 = arith.constant 32 : i32
        %add3A_642 = arith.addi %mul3A_640, %add3A_641 : i32
        %get3A_643 = arith.index_cast %add3A_642 : i32 to index
        %get3A_644 = tpu.vector_load %arg18[%get3A_643] {strides = array<i32>} : memref<1216xf32, #tpu.memory_space<vmem>>, vector<16xf32>,
        %mul3A_645 = arith.constant 64 : i32
        %mul3A_646 = arith.muli %scan3A_626, %mul3A_645 : i32
        %add3A_647 = arith.constant 48 : i32
        %add3A_648 = arith.addi %mul3A_646, %add3A_647 : i32
        %get3A_649 = arith.index_cast %add3A_648 : i32 to index
        %get3A_650 = tpu.vector_load %arg18[%get3A_649] {strides = array<i32>} : memref<1216xf32, #tpu.memory_space<vmem>>, vector<16xf32>,
        %add3A_651 = arith.constant 64 : i32
        %add3A_652 = arith.addi %add3A_651, %scan3A_626 : i32
        %broadcast_in_dim3A_653 = vector.broadcast %add3A_652 : i32 to vector<16xi32>
        %gather3A_654 = tpu.vector_load_idx %arg20[%broadcast_in_dim3A_653] : memref<192xf32, #tpu.memory_space<vmem>>[vector<16xi32>], vector<16xf32>,
        %add3A_655 = arith.constant 128 : i32
        %add3A_656 = arith.addi %add3A_655, %scan3A_626 : i32
        %broadcast_in_dim3A_657 = vector.broadcast %add3A_656 : i32 to vector<16xi32>
        %gather3A_658 = tpu.vector_load_idx %arg20[%broadcast_in_dim3A_657] : memref<192xf32, #tpu.memory_space<vmem>>[vector<16xi32>], vector<16xf32>,
        %mul3A_659 = arith.mulf %gather3A_654, %get3A_632 : vector<16xf32>
        %add3A_660 = arith.addf %scan3A_624#0, %mul3A_659 : vector<16xf32>
        %mul3A_661 = arith.mulf %gather3A_654, %get3A_638 : vector<16xf32>
        %add3A_662 = arith.addf %scan3A_624#1, %mul3A_661 : vector<16xf32>
        %mul3A_663 = arith.mulf %gather3A_654, %get3A_644 : vector<16xf32>
        %add3A_664 = arith.addf %scan3A_624#2, %mul3A_663 : vector<16xf32>
        %mul3A_665 = arith.mulf %gather3A_654, %get3A_650 : vector<16xf32>
        %add3A_666 = arith.addf %scan3A_624#3, %mul3A_665 : vector<16xf32>
        %mul3A_667 = arith.mulf %gather3A_658, %get3A_632 : vector<16xf32>
        %add3A_668 = arith.addf %scan3A_624#4, %mul3A_667 : vector<16xf32>
        %mul3A_669 = arith.mulf %gather3A_658, %get3A_638 : vector<16xf32>
        %add3A_670 = arith.addf %scan3A_624#5, %mul3A_669 : vector<16xf32>
        %mul3A_671 = arith.mulf %gather3A_658, %get3A_644 : vector<16xf32>
        %add3A_672 = arith.addf %scan3A_624#6, %mul3A_671 : vector<16xf32>
        %mul3A_673 = arith.mulf %gather3A_658, %get3A_650 : vector<16xf32>
        %add3A_674 = arith.addf %scan3A_624#7, %mul3A_673 : vector<16xf32>
        %scan3A_675 = arith.constant 19 : i32
        %mul3A_676 = arith.mulf %add3A_660, %div3A_563 : vector<16xf32>
        %mul3A_677 = arith.constant 64 : i32
        %mul3A_678 = arith.muli %mul3A_513, %mul3A_677 : i32
        %add3A_679 = arith.constant 0 : i32
        %add3A_680 = arith.addi %mul3A_678, %add3A_679 : i32
        %get3A_681 = arith.index_cast %add3A_680 : i32 to index
        %get3A_682 = tpu.vector_load %arg19[%get3A_681] {strides = array<i32>} : memref<1520xf32, #tpu.memory_space<vmem>>, vector<16xf32>,
        %mul3A_683 = arith.mulf %mul3A_676, %get3A_682 : vector<16xf32>
        %add3A_684 = arith.addf %scan3A_511, %mul3A_683 : vector<16xf32>
        %mul3A_685 = arith.mulf %add3A_668, %div3A_615 : vector<16xf32>
        %mul3A_686 = arith.constant 64 : i32
        %mul3A_687 = arith.muli %add3A_515, %mul3A_686 : i32
        %add3A_688 = arith.constant 0 : i32
        %add3A_689 = arith.addi %mul3A_687, %add3A_688 : i32
        %get3A_690 = arith.index_cast %add3A_689 : i32 to index
        %get3A_691 = tpu.vector_load %arg19[%get3A_690] {strides = array<i32>} : memref<1520xf32, #tpu.memory_space<vmem>>, vector<16xf32>,
        %mul3A_692 = arith.mulf %mul3A_685, %get3A_691 : vector<16xf32>
        %add3A_693 = arith.addf %add3A_684, %mul3A_692 : vector<16xf32>
        %mul3A_694 = arith.mulf %add3A_662, %div3A_563 : vector<16xf32>
        %mul3A_695 = arith.constant 64 : i32
        %mul3A_696 = arith.muli %mul3A_513, %mul3A_695 : i32
        %add3A_697 = arith.constant 16 : i32
        %add3A_698 = arith.addi %mul3A_696, %add3A_697 : i32
        %get3A_699 = arith.index_cast %add3A_698 : i32 to index
        %get3A_700 = tpu.vector_load %arg19[%get3A_699] {strides = array<i32>} : memref<1520xf32, #tpu.memory_space<vmem>>, vector<16xf32>,
        %mul3A_701 = arith.mulf %mul3A_694, %get3A_700 : vector<16xf32>
        %add3A_702 = arith.addf %add3A_693, %mul3A_701 : vector<16xf32>
        %mul3A_703 = arith.mulf %add3A_670, %div3A_615 : vector<16xf32>
        %mul3A_704 = arith.constant 64 : i32
        %mul3A_705 = arith.muli %add3A_515, %mul3A_704 : i32
        %add3A_706 = arith.constant 16 : i32
        %add3A_707 = arith.addi %mul3A_705, %add3A_706 : i32
        %get3A_708 = arith.index_cast %add3A_707 : i32 to index
        %get3A_709 = tpu.vector_load %arg19[%get3A_708] {strides = array<i32>} : memref<1520xf32, #tpu.memory_space<vmem>>, vector<16xf32>,
        %mul3A_710 = arith.mulf %mul3A_703, %get3A_709 : vector<16xf32>
        %add3A_711 = arith.addf %add3A_702, %mul3A_710 : vector<16xf32>
        %mul3A_712 = arith.mulf %add3A_664, %div3A_563 : vector<16xf32>
        %mul3A_713 = arith.constant 64 : i32
        %mul3A_714 = arith.muli %mul3A_513, %mul3A_713 : i32
        %add3A_715 = arith.constant 32 : i32
        %add3A_716 = arith.addi %mul3A_714, %add3A_715 : i32
        %get3A_717 = arith.index_cast %add3A_716 : i32 to index
        %get3A_718 = tpu.vector_load %arg19[%get3A_717] {strides = array<i32>} : memref<1520xf32, #tpu.memory_space<vmem>>, vector<16xf32>,
        %mul3A_719 = arith.mulf %mul3A_712, %get3A_718 : vector<16xf32>
        %add3A_720 = arith.addf %add3A_711, %mul3A_719 : vector<16xf32>
        %mul3A_721 = arith.mulf %add3A_672, %div3A_615 : vector<16xf32>
        %mul3A_722 = arith.constant 64 : i32
        %mul3A_723 = arith.muli %add3A_515, %mul3A_722 : i32
        %add3A_724 = arith.constant 32 : i32
        %add3A_725 = arith.addi %mul3A_723, %add3A_724 : i32
        %get3A_726 = arith.index_cast %add3A_725 : i32 to index
        %get3A_727 = tpu.vector_load %arg19[%get3A_726] {strides = array<i32>} : memref<1520xf32, #tpu.memory_space<vmem>>, vector<16xf32>,
        %mul3A_728 = arith.mulf %mul3A_721, %get3A_727 : vector<16xf32>
        %add3A_729 = arith.addf %add3A_720, %mul3A_728 : vector<16xf32>
        %mul3A_730 = arith.mulf %add3A_666, %div3A_563 : vector<16xf32>
        %mul3A_731 = arith.constant 64 : i32
        %mul3A_732 = arith.muli %mul3A_513, %mul3A_731 : i32
        %add3A_733 = arith.constant 48 : i32
        %add3A_734 = arith.addi %mul3A_732, %add3A_733 : i32
        %get3A_735 = arith.index_cast %add3A_734 : i32 to index
        %get3A_736 = tpu.vector_load %arg19[%get3A_735] {strides = array<i32>} : memref<1520xf32, #tpu.memory_space<vmem>>, vector<16xf32>,
        %mul3A_737 = arith.mulf %mul3A_730, %get3A_736 : vector<16xf32>
        %add3A_738 = arith.addf %add3A_729, %mul3A_737 : vector<16xf32>
        %mul3A_739 = arith.mulf %add3A_674, %div3A_615 : vector<16xf32>
        %mul3A_740 = arith.constant 64 : i32
        %mul3A_741 = arith.muli %add3A_515, %mul3A_740 : i32
        %add3A_742 = arith.constant 48 : i32
        %add3A_743 = arith.addi %mul3A_741, %add3A_742 : i32
        %get3A_744 = arith.index_cast %add3A_743 : i32 to index
        %get3A_745 = tpu.vector_load %arg19[%get3A_744] {strides = array<i32>} : memref<1520xf32, #tpu.memory_space<vmem>>, vector<16xf32>,
        %mul3A_746 = arith.mulf %mul3A_739, %get3A_745 : vector<16xf32>
        %add3A_747 = arith.addf %add3A_738, %mul3A_746 : vector<16xf32>
        scf.yield %add3A_747 : vector<16xf32>
      }
      %scan3A_307 = arith.constant 9 : i32
      %broadcast_in_dim3A_308 = arith.constant 50 : i32
      %broadcast_in_dim3A_309 = vector.broadcast %broadcast_in_dim3A_308 : i32 to vector<16xi32>
      %gather3A = tpu.vector_load_idx %arg20[%broadcast_in_dim3A_309] : memref<192xf32, #tpu.memory_space<vmem>>[vector<16xi32>], vector<16xf32>,
      %add3A_310 = arith.addf %get3A_299, %gather3A : vector<16xf32>
      %ge3A = arith.constant 0.000000e+00 : f32
      %ge3A_311 = vector.broadcast %ge3A : f32 to vector<16xf32>
      %ge3A_312 = arith.cmpf oge, %add3A_310, %ge3A_311 : vector<16xf32>
      %mul3A_313 = arith.constant 2.000000e-01 : f32
      %mul3A_314 = vector.broadcast %mul3A_313 : f32 to vector<16xf32>
      %mul3A_315 = arith.mulf %mul3A_314, %add3A_310 : vector<16xf32>
      %select_n3A_316 = arith.select %ge3A_312, %add3A_310, %mul3A_315 : vector<16xi1>, vector<16xf32>
      %add3A_317 = arith.addf %get3A_301, %gather3A : vector<16xf32>
      %ge3A_318 = arith.constant 0.000000e+00 : f32
      %ge3A_319 = vector.broadcast %ge3A_318 : f32 to vector<16xf32>
      %ge3A_320 = arith.cmpf oge, %add3A_317, %ge3A_319 : vector<16xf32>
      %mul3A_321 = arith.constant 2.000000e-01 : f32
      %mul3A_322 = vector.broadcast %mul3A_321 : f32 to vector<16xf32>
      %mul3A_323 = arith.mulf %mul3A_322, %add3A_317 : vector<16xf32>
      %select_n3A_324 = arith.select %ge3A_320, %add3A_317, %mul3A_323 : vector<16xi1>, vector<16xf32>
      %reduce_max3A = arith.constant true
      %reduce_max3A_325 = vector.broadcast %reduce_max3A : i1 to vector<16xi1>
      %reduce_max3A_326 = tpu.scan <max>, %select_n3A_316 masked %reduce_max3A_325 : vector<16xf32>, vector<16xi1> -> vector<16xf32>
      %reduce_max3A_327 = vector.extract %reduce_max3A_326[15] : f32 from vector<16xf32>
      %reduce_max3A_328 = arith.constant true
      %reduce_max3A_329 = vector.broadcast %reduce_max3A_328 : i1 to vector<16xi1>
      %reduce_max3A_330 = tpu.scan <max>, %select_n3A_324 masked %reduce_max3A_329 : vector<16xf32>, vector<16xi1> -> vector<16xf32>
      %reduce_max3A_331 = vector.extract %reduce_max3A_330[15] : f32 from vector<16xf32>
      %max3A = arith.maximumf %reduce_max3A_327, %reduce_max3A_331 : f32
      %sub3A = vector.broadcast %max3A : f32 to vector<16xf32>
      %sub3A_332 = arith.subf %select_n3A_316, %sub3A : vector<16xf32>
      %exp3A = math.exp %sub3A_332 : vector<16xf32>
      %sub3A_333 = vector.broadcast %max3A : f32 to vector<16xf32>
      %sub3A_334 = arith.subf %select_n3A_324, %sub3A_333 : vector<16xf32>
      %exp3A_335 = math.exp %sub3A_334 : vector<16xf32>
      %reduce_sum3A_336 = arith.constant true
      %reduce_sum3A_337 = vector.broadcast %reduce_sum3A_336 : i1 to vector<16xi1>
      %reduce_sum3A_338 = tpu.scan <sum>, %exp3A masked %reduce_sum3A_337 : vector<16xf32>, vector<16xi1> -> vector<16xf32>
      %reduce_sum3A_339 = vector.extract %reduce_sum3A_338[15] : f32 from vector<16xf32>
      %reduce_sum3A_340 = arith.constant true
      %reduce_sum3A_341 = vector.broadcast %reduce_sum3A_340 : i1 to vector<16xi1>
      %reduce_sum3A_342 = tpu.scan <sum>, %exp3A_335 masked %reduce_sum3A_341 : vector<16xf32>, vector<16xi1> -> vector<16xf32>
      %reduce_sum3A_343 = vector.extract %reduce_sum3A_342[15] : f32 from vector<16xf32>
      %add3A_344 = arith.addf %reduce_sum3A_339, %reduce_sum3A_343 : f32
      %broadcast_in_dim3A_345 = vector.broadcast %add3A_344 : f32 to vector<16xf32>
      %div3A_346 = arith.constant 1.000000e+00 : f32
      %div3A_347 = vector.broadcast %div3A_346 : f32 to vector<16xf32>
      %div3A_348 = arith.divf %div3A_347, %broadcast_in_dim3A_345 : vector<16xf32>
      %swap3A_349 = arith.constant 64 : index
      %swap3A_350 = tpu.vector_load %arg20[%swap3A_349] {strides = array<i32>} : memref<192xf32, #tpu.memory_space<vmem>>, vector<16xf32>,
      tpu.vector_store %arg20[%swap3A_349], %exp3A {strides = array<i32>} : memref<192xf32, #tpu.memory_space<vmem>>, vector<16xf32>,
      %swap3A_351 = arith.constant 80 : index
      %swap3A_352 = tpu.vector_load %arg20[%swap3A_351] {strides = array<i32>} : memref<192xf32, #tpu.memory_space<vmem>>, vector<16xf32>,
      tpu.vector_store %arg20[%swap3A_351], %exp3A_335 {strides = array<i32>} : memref<192xf32, #tpu.memory_space<vmem>>, vector<16xf32>,
      %scan3A_353 = arith.constant 0 : i32
      %scan3A_354 = arith.constant 18 : i32
      %scan3A_355 = arith.addi %scan3A_353, %scan3A_354 : i32
      %scan3A_356 = arith.constant 2 : i32
      %scan3A_357:4 = scf.for %scan3A_510 = %scan3A_353 to %scan3A_355 step %scan3A_356 iter_args(%scan3A_511 = %broadcast_in_dim3A_136, %scan3A_512 = %broadcast_in_dim3A_136, %scan3A_513 = %broadcast_in_dim3A_136, %scan3A_514 = %broadcast_in_dim3A_136) -> (vector<16xf32>, vector<16xf32>, vector<16xf32>, vector<16xf32>)  : i32 {
        %add3A_515 = arith.constant 64 : i32
        %add3A_516 = arith.addi %add3A_515, %scan3A_510 : i32
        %broadcast_in_dim3A_517 = vector.broadcast %add3A_516 : i32 to vector<16xi32>
        %gather3A_518 = tpu.vector_load_idx %arg20[%broadcast_in_dim3A_517] : memref<192xf32, #tpu.memory_space<vmem>>[vector<16xi32>], vector<16xf32>,
        %mul3A_519 = arith.constant 64 : i32
        %mul3A_520 = arith.muli %scan3A_510, %mul3A_519 : i32
        %add3A_521 = arith.constant 0 : i32
        %add3A_522 = arith.addi %mul3A_520, %add3A_521 : i32
        %get3A_523 = arith.index_cast %add3A_522 : i32 to index
        %get3A_524 = tpu.vector_load %arg18[%get3A_523] {strides = array<i32>} : memref<1216xf32, #tpu.memory_space<vmem>>, vector<16xf32>,
        %mul3A_525 = arith.mulf %gather3A_518, %get3A_524 : vector<16xf32>
        %add3A_526 = arith.addf %scan3A_511, %mul3A_525 : vector<16xf32>
        %mul3A_527 = arith.constant 64 : i32
        %mul3A_528 = arith.muli %scan3A_510, %mul3A_527 : i32
        %add3A_529 = arith.constant 16 : i32
        %add3A_530 = arith.addi %mul3A_528, %add3A_529 : i32
        %get3A_531 = arith.index_cast %add3A_530 : i32 to index
        %get3A_532 = tpu.vector_load %arg18[%get3A_531] {strides = array<i32>} : memref<1216xf32, #tpu.memory_space<vmem>>, vector<16xf32>,
        %mul3A_533 = arith.mulf %gather3A_518, %get3A_532 : vector<16xf32>
        %add3A_534 = arith.addf %scan3A_512, %mul3A_533 : vector<16xf32>
        %mul3A_535 = arith.constant 64 : i32
        %mul3A_536 = arith.muli %scan3A_510, %mul3A_535 : i32
        %add3A_537 = arith.constant 32 : i32
        %add3A_538 = arith.addi %mul3A_536, %add3A_537 : i32
        %get3A_539 = arith.index_cast %add3A_538 : i32 to index
        %get3A_540 = tpu.vector_load %arg18[%get3A_539] {strides = array<i32>} : memref<1216xf32, #tpu.memory_space<vmem>>, vector<16xf32>,
        %mul3A_541 = arith.mulf %gather3A_518, %get3A_540 : vector<16xf32>
        %add3A_542 = arith.addf %scan3A_513, %mul3A_541 : vector<16xf32>
        %mul3A_543 = arith.constant 64 : i32
        %mul3A_544 = arith.muli %scan3A_510, %mul3A_543 : i32
        %add3A_545 = arith.constant 48 : i32
        %add3A_546 = arith.addi %mul3A_544, %add3A_545 : i32
        %get3A_547 = arith.index_cast %add3A_546 : i32 to index
        %get3A_548 = tpu.vector_load %arg18[%get3A_547] {strides = array<i32>} : memref<1216xf32, #tpu.memory_space<vmem>>, vector<16xf32>,
        %mul3A_549 = arith.mulf %gather3A_518, %get3A_548 : vector<16xf32>
        %add3A_550 = arith.addf %scan3A_514, %mul3A_549 : vector<16xf32>
        %scan3A_551 = arith.constant 1 : i32
        %scan3A_552 = arith.addi %scan3A_510, %scan3A_551 : i32
        %add3A_553 = arith.constant 64 : i32
        %add3A_554 = arith.addi %add3A_553, %scan3A_552 : i32
        %broadcast_in_dim3A_555 = vector.broadcast %add3A_554 : i32 to vector<16xi32>
        %gather3A_556 = tpu.vector_load_idx %arg20[%broadcast_in_dim3A_555] : memref<192xf32, #tpu.memory_space<vmem>>[vector<16xi32>], vector<16xf32>,
        %mul3A_557 = arith.constant 64 : i32
        %mul3A_558 = arith.muli %scan3A_552, %mul3A_557 : i32
        %add3A_559 = arith.constant 0 : i32
        %add3A_560 = arith.addi %mul3A_558, %add3A_559 : i32
        %get3A_561 = arith.index_cast %add3A_560 : i32 to index
        %get3A_562 = tpu.vector_load %arg18[%get3A_561] {strides = array<i32>} : memref<1216xf32, #tpu.memory_space<vmem>>, vector<16xf32>,
        %mul3A_563 = arith.mulf %gather3A_556, %get3A_562 : vector<16xf32>
        %add3A_564 = arith.addf %add3A_526, %mul3A_563 : vector<16xf32>
        %mul3A_565 = arith.constant 64 : i32
        %mul3A_566 = arith.muli %scan3A_552, %mul3A_565 : i32
        %add3A_567 = arith.constant 16 : i32
        %add3A_568 = arith.addi %mul3A_566, %add3A_567 : i32
        %get3A_569 = arith.index_cast %add3A_568 : i32 to index
        %get3A_570 = tpu.vector_load %arg18[%get3A_569] {strides = array<i32>} : memref<1216xf32, #tpu.memory_space<vmem>>, vector<16xf32>,
        %mul3A_571 = arith.mulf %gather3A_556, %get3A_570 : vector<16xf32>
        %add3A_572 = arith.addf %add3A_534, %mul3A_571 : vector<16xf32>
        %mul3A_573 = arith.constant 64 : i32
        %mul3A_574 = arith.muli %scan3A_552, %mul3A_573 : i32
        %add3A_575 = arith.constant 32 : i32
        %add3A_576 = arith.addi %mul3A_574, %add3A_575 : i32
        %get3A_577 = arith.index_cast %add3A_576 : i32 to index
        %get3A_578 = tpu.vector_load %arg18[%get3A_577] {strides = array<i32>} : memref<1216xf32, #tpu.memory_space<vmem>>, vector<16xf32>,
        %mul3A_579 = arith.mulf %gather3A_556, %get3A_578 : vector<16xf32>
        %add3A_580 = arith.addf %add3A_542, %mul3A_579 : vector<16xf32>
        %mul3A_581 = arith.constant 64 : i32
        %mul3A_582 = arith.muli %scan3A_552, %mul3A_581 : i32
        %add3A_583 = arith.constant 48 : i32
        %add3A_584 = arith.addi %mul3A_582, %add3A_583 : i32
        %get3A_585 = arith.index_cast %add3A_584 : i32 to index
        %get3A_586 = tpu.vector_load %arg18[%get3A_585] {strides = array<i32>} : memref<1216xf32, #tpu.memory_space<vmem>>, vector<16xf32>,
        %mul3A_587 = arith.mulf %gather3A_556, %get3A_586 : vector<16xf32>
        %add3A_588 = arith.addf %add3A_550, %mul3A_587 : vector<16xf32>
        scf.yield %add3A_564, %add3A_572, %add3A_580, %add3A_588 : vector<16xf32>, vector<16xf32>, vector<16xf32>, vector<16xf32>
      }
      %scan3A_358 = arith.constant 18 : i32
      %scan3A_359 = arith.addi %scan3A_353, %scan3A_358 : i32
      %add3A_360 = arith.constant 64 : i32
      %add3A_361 = arith.addi %add3A_360, %scan3A_359 : i32
      %broadcast_in_dim3A_362 = vector.broadcast %add3A_361 : i32 to vector<16xi32>
      %gather3A_363 = tpu.vector_load_idx %arg20[%broadcast_in_dim3A_362] : memref<192xf32, #tpu.memory_space<vmem>>[vector<16xi32>], vector<16xf32>,
      %mul3A_364 = arith.constant 64 : i32
      %mul3A_365 = arith.muli %scan3A_359, %mul3A_364 : i32
      %add3A_366 = arith.constant 0 : i32
      %add3A_367 = arith.addi %mul3A_365, %add3A_366 : i32
      %get3A_368 = arith.index_cast %add3A_367 : i32 to index
      %get3A_369 = tpu.vector_load %arg18[%get3A_368] {strides = array<i32>} : memref<1216xf32, #tpu.memory_space<vmem>>, vector<16xf32>,
      %mul3A_370 = arith.mulf %gather3A_363, %get3A_369 : vector<16xf32>
      %add3A_371 = arith.addf %scan3A_357#0, %mul3A_370 : vector<16xf32>
      %mul3A_372 = arith.constant 64 : i32
      %mul3A_373 = arith.muli %scan3A_359, %mul3A_372 : i32
      %add3A_374 = arith.constant 16 : i32
      %add3A_375 = arith.addi %mul3A_373, %add3A_374 : i32
      %get3A_376 = arith.index_cast %add3A_375 : i32 to index
      %get3A_377 = tpu.vector_load %arg18[%get3A_376] {strides = array<i32>} : memref<1216xf32, #tpu.memory_space<vmem>>, vector<16xf32>,
      %mul3A_378 = arith.mulf %gather3A_363, %get3A_377 : vector<16xf32>
      %add3A_379 = arith.addf %scan3A_357#1, %mul3A_378 : vector<16xf32>
      %mul3A_380 = arith.constant 64 : i32
      %mul3A_381 = arith.muli %scan3A_359, %mul3A_380 : i32
      %add3A_382 = arith.constant 32 : i32
      %add3A_383 = arith.addi %mul3A_381, %add3A_382 : i32
      %get3A_384 = arith.index_cast %add3A_383 : i32 to index
      %get3A_385 = tpu.vector_load %arg18[%get3A_384] {strides = array<i32>} : memref<1216xf32, #tpu.memory_space<vmem>>, vector<16xf32>,
      %mul3A_386 = arith.mulf %gather3A_363, %get3A_385 : vector<16xf32>
      %add3A_387 = arith.addf %scan3A_357#2, %mul3A_386 : vector<16xf32>
      %mul3A_388 = arith.constant 64 : i32
      %mul3A_389 = arith.muli %scan3A_359, %mul3A_388 : i32
      %add3A_390 = arith.constant 48 : i32
      %add3A_391 = arith.addi %mul3A_389, %add3A_390 : i32
      %get3A_392 = arith.index_cast %add3A_391 : i32 to index
      %get3A_393 = tpu.vector_load %arg18[%get3A_392] {strides = array<i32>} : memref<1216xf32, #tpu.memory_space<vmem>>, vector<16xf32>,
      %mul3A_394 = arith.mulf %gather3A_363, %get3A_393 : vector<16xf32>
      %add3A_395 = arith.addf %scan3A_357#3, %mul3A_394 : vector<16xf32>
      %scan3A_396 = arith.constant 19 : i32
      %mul3A_397 = arith.mulf %add3A_371, %div3A_348 : vector<16xf32>
      %get3A_398 = arith.constant 1152 : index
      %get3A_399 = tpu.vector_load %arg19[%get3A_398] {strides = array<i32>} : memref<1520xf32, #tpu.memory_space<vmem>>, vector<16xf32>,
      %mul3A_400 = arith.mulf %mul3A_397, %get3A_399 : vector<16xf32>
      %add3A_401 = arith.addf %scan3A_306, %mul3A_400 : vector<16xf32>
      %mul3A_402 = arith.mulf %add3A_379, %div3A_348 : vector<16xf32>
      %get3A_403 = arith.constant 1168 : index
      %get3A_404 = tpu.vector_load %arg19[%get3A_403] {strides = array<i32>} : memref<1520xf32, #tpu.memory_space<vmem>>, vector<16xf32>,
      %mul3A_405 = arith.mulf %mul3A_402, %get3A_404 : vector<16xf32>
      %add3A_406 = arith.addf %add3A_401, %mul3A_405 : vector<16xf32>
      %mul3A_407 = arith.mulf %add3A_387, %div3A_348 : vector<16xf32>
      %get3A_408 = arith.constant 1184 : index
      %get3A_409 = tpu.vector_load %arg19[%get3A_408] {strides = array<i32>} : memref<1520xf32, #tpu.memory_space<vmem>>, vector<16xf32>,
      %mul3A_410 = arith.mulf %mul3A_407, %get3A_409 : vector<16xf32>
      %add3A_411 = arith.addf %add3A_406, %mul3A_410 : vector<16xf32>
      %mul3A_412 = arith.mulf %add3A_395, %div3A_348 : vector<16xf32>
      %get3A_413 = arith.constant 1200 : index
      %get3A_414 = tpu.vector_load %arg19[%get3A_413] {strides = array<i32>} : memref<1520xf32, #tpu.memory_space<vmem>>, vector<16xf32>,
      %mul3A_415 = arith.mulf %mul3A_412, %get3A_414 : vector<16xf32>
      %add3A_416 = arith.addf %add3A_411, %mul3A_415 : vector<16xf32>
      %get3A_417 = arith.constant 1392 : index
      %get3A_418 = tpu.vector_load %arg19[%get3A_417] {strides = array<i32>} : memref<1520xf32, #tpu.memory_space<vmem>>, vector<16xf32>,
      %get3A_419 = arith.constant 8736 : index
      %get3A_420 = tpu.vector_load %arg17[%get3A_419] {strides = array<i32>} : memref<11424xf32, #tpu.memory_space<vmem>>, vector<16xf32>,
      %mul3A_421 = arith.mulf %get3A_418, %get3A_420 : vector<16xf32>
      %add3A_422 = arith.addf %add3A_416, %mul3A_421 : vector<16xf32>
      %get3A_423 = arith.constant 1408 : index
      %get3A_424 = tpu.vector_load %arg19[%get3A_423] {strides = array<i32>} : memref<1520xf32, #tpu.memory_space<vmem>>, vector<16xf32>,
      %get3A_425 = arith.constant 8752 : index
      %get3A_426 = tpu.vector_load %arg17[%get3A_425] {strides = array<i32>} : memref<11424xf32, #tpu.memory_space<vmem>>, vector<16xf32>,
      %mul3A_427 = arith.mulf %get3A_424, %get3A_426 : vector<16xf32>
      %add3A_428 = arith.addf %add3A_422, %mul3A_427 : vector<16xf32>
      %get3A_429 = arith.constant 1424 : index
      %get3A_430 = tpu.vector_load %arg19[%get3A_429] {strides = array<i32>} : memref<1520xf32, #tpu.memory_space<vmem>>, vector<16xf32>,
      %get3A_431 = arith.constant 8768 : index
      %get3A_432 = tpu.vector_load %arg17[%get3A_431] {strides = array<i32>} : memref<11424xf32, #tpu.memory_space<vmem>>, vector<16xf32>,
      %mul3A_433 = arith.mulf %get3A_430, %get3A_432 : vector<16xf32>
      %add3A_434 = arith.addf %add3A_428, %mul3A_433 : vector<16xf32>
      %get3A_435 = arith.constant 1440 : index
      %get3A_436 = tpu.vector_load %arg19[%get3A_435] {strides = array<i32>} : memref<1520xf32, #tpu.memory_space<vmem>>, vector<16xf32>,
      %get3A_437 = arith.constant 8784 : index
      %get3A_438 = tpu.vector_load %arg17[%get3A_437] {strides = array<i32>} : memref<11424xf32, #tpu.memory_space<vmem>>, vector<16xf32>,
      %mul3A_439 = arith.mulf %get3A_436, %get3A_438 : vector<16xf32>
      %add3A_440 = arith.addf %add3A_434, %mul3A_439 : vector<16xf32>
      %get3A_441 = arith.constant 1456 : index
      %get3A_442 = tpu.vector_load %arg19[%get3A_441] {strides = array<i32>} : memref<1520xf32, #tpu.memory_space<vmem>>, vector<16xf32>,
      %get3A_443 = arith.constant 8800 : index
      %get3A_444 = tpu.vector_load %arg17[%get3A_443] {strides = array<i32>} : memref<11424xf32, #tpu.memory_space<vmem>>, vector<16xf32>,
      %mul3A_445 = arith.mulf %get3A_442, %get3A_444 : vector<16xf32>
      %add3A_446 = arith.addf %add3A_440, %mul3A_445 : vector<16xf32>
      %get3A_447 = arith.constant 1472 : index
      %get3A_448 = tpu.vector_load %arg19[%get3A_447] {strides = array<i32>} : memref<1520xf32, #tpu.memory_space<vmem>>, vector<16xf32>,
      %get3A_449 = arith.constant 8816 : index
      %get3A_450 = tpu.vector_load %arg17[%get3A_449] {strides = array<i32>} : memref<11424xf32, #tpu.memory_space<vmem>>, vector<16xf32>,
      %mul3A_451 = arith.mulf %get3A_448, %get3A_450 : vector<16xf32>
      %add3A_452 = arith.addf %add3A_446, %mul3A_451 : vector<16xf32>
      %get3A_453 = arith.constant 1488 : index
      %get3A_454 = tpu.vector_load %arg19[%get3A_453] {strides = array<i32>} : memref<1520xf32, #tpu.memory_space<vmem>>, vector<16xf32>,
      %get3A_455 = arith.constant 8832 : index
      %get3A_456 = tpu.vector_load %arg17[%get3A_455] {strides = array<i32>} : memref<11424xf32, #tpu.memory_space<vmem>>, vector<16xf32>,
      %mul3A_457 = arith.mulf %get3A_454, %get3A_456 : vector<16xf32>
      %add3A_458 = arith.addf %add3A_452, %mul3A_457 : vector<16xf32>
      %get3A_459 = arith.constant 1504 : index
      %get3A_460 = tpu.vector_load %arg19[%get3A_459] {strides = array<i32>} : memref<1520xf32, #tpu.memory_space<vmem>>, vector<16xf32>,
      %get3A_461 = arith.constant 8848 : index
      %get3A_462 = tpu.vector_load %arg17[%get3A_461] {strides = array<i32>} : memref<11424xf32, #tpu.memory_space<vmem>>, vector<16xf32>,
      %mul3A_463 = arith.mulf %get3A_460, %get3A_462 : vector<16xf32>
      %add3A_464 = arith.addf %add3A_458, %mul3A_463 : vector<16xf32>
      %get3A_465 = arith.constant 11392 : index
      %get3A_466 = tpu.vector_load %arg17[%get3A_465] {strides = array<i32>} : memref<11424xf32, #tpu.memory_space<vmem>>, vector<16xf32>,
      %slice3A = vector.extract_strided_slice %get3A_466 {offsets = [0], sizes = [1], strides = [1]} : vector<16xf32> to vector<1xf32>
      %squeeze3A = vector.extract %slice3A[0] : f32 from vector<1xf32>
      %get3A_467 = arith.constant 11328 : index
      %get3A_468 = tpu.vector_load %arg17[%get3A_467] {strides = array<i32>} : memref<11424xf32, #tpu.memory_space<vmem>>, vector<16xf32>,
      %mul3A_469 = vector.broadcast %squeeze3A : f32 to vector<16xf32>
      %mul3A_470 = arith.mulf %mul3A_469, %get3A_468 : vector<16xf32>
      %get3A_471 = arith.constant 11360 : index
      %get3A_472 = tpu.vector_load %arg17[%get3A_471] {strides = array<i32>} : memref<11424xf32, #tpu.memory_space<vmem>>, vector<16xf32>,
      %add3A_473 = arith.addf %mul3A_470, %get3A_472 : vector<16xf32>
      %get3A_474 = arith.constant 11296 : index
      %get3A_475 = tpu.vector_load %arg17[%get3A_474] {strides = array<i32>} : memref<11424xf32, #tpu.memory_space<vmem>>, vector<16xf32>,
      %mul3A_476 = arith.mulf %add3A_473, %get3A_475 : vector<16xf32>
      %add3A_477 = arith.addf %add3A_464, %mul3A_476 : vector<16xf32>
      %get3A_478 = arith.constant 11344 : index
      %get3A_479 = tpu.vector_load %arg17[%get3A_478] {strides = array<i32>} : memref<11424xf32, #tpu.memory_space<vmem>>, vector<16xf32>,
      %mul3A_480 = vector.broadcast %squeeze3A : f32 to vector<16xf32>
      %mul3A_481 = arith.mulf %mul3A_480, %get3A_479 : vector<16xf32>
      %get3A_482 = arith.constant 11376 : index
      %get3A_483 = tpu.vector_load %arg17[%get3A_482] {strides = array<i32>} : memref<11424xf32, #tpu.memory_space<vmem>>, vector<16xf32>,
      %add3A_484 = arith.addf %mul3A_481, %get3A_483 : vector<16xf32>
      %get3A_485 = arith.constant 11312 : index
      %get3A_486 = tpu.vector_load %arg17[%get3A_485] {strides = array<i32>} : memref<11424xf32, #tpu.memory_space<vmem>>, vector<16xf32>,
      %mul3A_487 = arith.mulf %add3A_484, %get3A_486 : vector<16xf32>
      %add3A_488 = arith.addf %add3A_477, %mul3A_487 : vector<16xf32>
      %reduce_sum3A_489 = arith.constant true
      %reduce_sum3A_490 = vector.broadcast %reduce_sum3A_489 : i1 to vector<16xi1>
      %reduce_sum3A_491 = tpu.scan <sum>, %add3A_488 masked %reduce_sum3A_490 : vector<16xf32>, vector<16xi1> -> vector<16xf32>
      %reduce_sum3A_492 = vector.extract %reduce_sum3A_491[15] : f32 from vector<16xf32>
      %get3A_493 = arith.constant 11408 : index
      %get3A_494 = tpu.vector_load %arg17[%get3A_493] {strides = array<i32>} : memref<11424xf32, #tpu.memory_space<vmem>>, vector<16xf32>,
      %slice3A_495 = vector.extract_strided_slice %get3A_494 {offsets = [0], sizes = [1], strides = [1]} : vector<16xf32> to vector<1xf32>
      %squeeze3A_496 = vector.extract %slice3A_495[0] : f32 from vector<1xf32>
      %add3A_497 = arith.addf %reduce_sum3A_492, %squeeze3A_496 : f32
      %broadcast_in_dim3A_498 = vector.broadcast %add3A_497 : f32 to vector<16xf32>
      %neg3A = arith.constant 0.000000e+00 : f32
      %neg3A_499 = vector.broadcast %neg3A : f32 to vector<16xf32>
      %neg3A_500 = arith.subf %neg3A_499, %broadcast_in_dim3A_498 : vector<16xf32>
      %exp3A_501 = math.exp %neg3A_500 : vector<16xf32>
      %add3A_502 = arith.constant 1.000000e+00 : f32
      %add3A_503 = vector.broadcast %add3A_502 : f32 to vector<16xf32>
      %add3A_504 = arith.addf %add3A_503, %exp3A_501 : vector<16xf32>
      %div3A_505 = arith.constant 1.000000e+00 : f32
      %div3A_506 = vector.broadcast %div3A_505 : f32 to vector<16xf32>
      %div3A_507 = arith.divf %div3A_506, %add3A_504 : vector<16xf32>
      %swap3A_508 = arith.constant 0 : index
      %swap3A_509 = tpu.vector_load %arg22[%swap3A_508] {strides = array<i32>} : memref<16xf32, #tpu.memory_space<vmem>>, vector<16xf32>,
      tpu.vector_store %arg22[%swap3A_508], %div3A_507 {strides = array<i32>} : memref<16xf32, #tpu.memory_space<vmem>>, vector<16xf32>,
      "tpu.region"() ({
        %run_scoped3A = tpu.sem_alloc : memref<!tpu.dma_semaphore, #tpu.memory_space<semaphore_mem>>
        tpu.enqueue_dma source(%arg22 : memref<16xf32, #tpu.memory_space<vmem>>) target(%arg16 : memref<16xf32, #tpu.memory_space<hbm>>) target_semaphore(%run_scoped3A : memref<!tpu.dma_semaphore, #tpu.memory_space<semaphore_mem>>)
        tpu.wait_dma2 semaphore(%run_scoped3A : memref<!tpu.dma_semaphore, #tpu.memory_space<semaphore_mem>>) src(%arg22 : memref<16xf32, #tpu.memory_space<vmem>>) dst(%arg16 : memref<16xf32, #tpu.memory_space<hbm>>)
        tpu.yield
      }) : () -> ()
    } else {
    }
    return
  }
}

</mosaic_0001>

<sc_bundles>
// kernel: _run.3.cloned.1.call-start
scs
__scs_entry_jumppad:
0x0: {  	(pc) =	sbr.rel $0x88, $3  }
0x1: {  	(tag) =	ssettag $0x0;
	lr =	simm.s32 $0x1  }
0x2: {  	[smem:$0x3F93] =	sst lr;
	_ =	strace $0xD0000000  }
0x3: {  	_ = 	snop  }
0x4: {  	_ = 	snop  }
0x5: {  	_ = 	snop  }
0x6: {  	_ = 	snop  }
0x7: {  	_ = 	snop  }
__scs_overlays_trampoline_lowered:
0x8: {  	[smem:$0x3FA2] =	sst s0  }
0x9: {  	[smem:$0x3FA3] =	sst s1  }
0xa: {  	[smem:$0x3FA4] =	sst s2  }
0xb: {  	[smem:$0x3FA5] =	sst s3  }
0xc: {  	[smem:$0x3FA6] =	sst s4  }
0xd: {  	[smem:$0x3FA7] =	sst s5  }
0xe: {  	[smem:$0x3FA8] =	sst s6  }
0xf: {  	[smem:$0x3FA9] =	sst s7  }
0x10: {  	[smem:$0x3FAA] =	sst s8  }
0x11: {  	[smem:$0x3FAB] =	sst s9;
	s0 =	simm.s32 @!p0 $0x0  }
0x12: {  	s1 =	sld [smem:$0x3F91];
	s0 =	simm.s32 @p0 $0x1  }
0x13: {  	[smem:$0x3FAC] =	sst s0;
	s0 =	simm.s32 @!p1 $0x0  }
0x14: {  	s2 =	sld [smem:$0x3F90];
	s0 =	simm.s32 @p1 $0x1  }
0x15: {  	[smem:$0x3FAD] =	sst s0;
	s0 =	simm.s32 @!p2 $0x0  }
0x16: {  	s3 =	sld [smem:$0x3FDB];
	s0 =	simm.s32 @p2 $0x1  }
0x17: {  	s4 =	simm.s32 $0x1BF5;
	[smem:$0x3FAF] =	sst s0  }
0x18: {  	s0 =	sld [smem:$0x3F92];
	_ =	swait.ge [sflag:s4], $0x0  }
0x19: {  	s7 =	sld [smem:$0x3F93]  }
0x1a: {  	s8 =	sadd.s32 $0xFFFFE003, lr  }
0x1b: {  	s9 =	sadd.s32 $0xFFFFFEF7, lr;
	s5 =	simm.s32 $0xFFFFFFFF;
	p2 =	slt.u32 s8, $0xFFFFF086  }
0x1c: {  	p1 =	slt.u32 s9, $0xF7A;
	s5 =	simm.s32 @!p2 $0x0  }
0x1d: {  	s5 =	simm.s32 @p1 $0x1;
	p0 =	seq.s32 s7, s2  }
0x1e: {  	s7 =	smul.u32 @!p0 $0xF7A, s2;
	p2 =	seq.s32 @!p0 s5, $0x0  }
0x1f: {  	s9 =	smul.u32 $0xF7A, s1;
	s8 =	simm.s32 @!p0 $0x1BF5;
	p2 =	por !p2, p0  }
0x20: {  	[sflag:s8] =	ssyncset.s32 @!p0 $0xFFFFF086;
	s6 =	sadd.s32 @!p0 s3, s7;
	s7 =	simm.s32 @!p0 $0x108  }
0x21: {  	s3 =	sadd.s32 s3, s9;
	s6 =	sadd.s32 @!p0 $0x88, s6;
	s7 =	simm.s32 @p2 $0x1082  }
0x22: {  	[simem:s7], [sflag:s8] =	dma.local @!p0 [hbm:s6], $0xF7A  }
0x23: {  	s9 =	sor.u32 $0xD0000000, s2;
	s6 =	simm.s32 $0x108;
	_ =	swait.ge @!p0 [sflag:s8], $0x0  }
0x24: {  	s3 =	sadd.s32 $0x88, s3;
	s6 =	simm.s32 @!p1 $0x1082;
	[sflag:s4] =	ssyncset.s32 $0xFFFFF086  }
0x25: {  	[simem:s6], [sflag:s4] =	dma.local [hbm:s3], $0xF7A  }
0x26: {  	[smem:$0x3F93] =	sst s1;
	(tag) =	ssettag s2;
	_ =	strace s9  }
0x27: {  	s1 =	sld [smem:$0x3FA3]  }
0x28: {  	s2 =	sld [smem:$0x3FA4]  }
0x29: {  	s4 =	sld [smem:$0x3FA6]  }
0x2a: {  	p0 =	seq.s32 s5, $0x0;
	s5 =	sld [smem:$0x3FA7]  }
0x2b: {  	s6 =	sld [smem:$0x3FA8]  }
0x2c: {  	s7 =	sld [smem:$0x3FA9]  }
0x2d: {  	s3 =	simm.s32 $0x108;
	s8 =	sld [smem:$0x3FAA]  }
0x2e: {  	s3 =	simm.s32 @!p0 $0x1082;
	s9 =	sld [smem:$0x3FAB]  }
0x2f: {  	lr =	sadd.s32 s0, s3;
	s0 =	sld [smem:$0x3FA2]  }
0x30: {  	s3 =	sld [smem:$0x3FA5]  }
0x31: {  	[smem:$0x3FAE] =	sst s10  }
0x32: {  	s10 =	sld [smem:$0x3FAC];
	_ =	sdelay $0x3  }
0x33: {  	p0 =	seq.s32 s10, $0x1;
	s10 =	sld [smem:$0x3FAE];
	_ =	sdelay $0x3  }
0x34: {  	[smem:$0x3FAE] =	sst s10  }
0x35: {  	s10 =	sld [smem:$0x3FAD];
	_ =	sdelay $0x3  }
0x36: {  	p1 =	seq.s32 s10, $0x1;
	s10 =	sld [smem:$0x3FAE];
	_ =	sdelay $0x3  }
0x37: {  	[smem:$0x3FAE] =	sst s10  }
0x38: {  	s10 =	sld [smem:$0x3FAF]  }
0x39: {  	_ = 	snop;
	(pc) =	sbr.ind lr, $3  }
0x3a: {  	_ = 	snop  }
0x3b: {  	_ = 	snop  }
0x3c: {  	p2 =	seq.s32 s10, $0x1;
	s10 =	sld [smem:$0x3FAE]  }
0x3d: {  	_ =	shalt  }
0x3e: {  	_ =	shalt  }
0x3f: {  	_ =	shalt  }
0x40: {  	_ =	shalt  }
0x41: {  	_ =	shalt  }
0x42: {  	_ =	shalt  }
0x43: {  	_ =	shalt  }
0x44: {  	_ =	shalt  }
0x45: {  	_ =	shalt  }
0x46: {  	_ =	shalt  }
0x47: {  	_ =	shalt  }
0x48: {  	_ =	shalt  }
0x49: {  	_ =	shalt  }
0x4a: {  	_ =	shalt  }
0x4b: {  	_ =	shalt  }
0x4c: {  	_ =	shalt  }
0x4d: {  	_ =	shalt  }
0x4e: {  	_ =	shalt  }
0x4f: {  	_ =	shalt  }
0x50: {  	_ =	shalt  }
0x51: {  	_ =	shalt  }
0x52: {  	_ =	shalt  }
0x53: {  	_ =	shalt  }
0x54: {  	_ =	shalt  }
0x55: {  	_ =	shalt  }
0x56: {  	_ =	shalt  }
0x57: {  	_ =	shalt  }
0x58: {  	_ =	shalt  }
0x59: {  	_ =	shalt  }
0x5a: {  	_ =	shalt  }
0x5b: {  	_ =	shalt  }
0x5c: {  	_ =	shalt  }
0x5d: {  	_ =	shalt  }
0x5e: {  	_ =	shalt  }
0x5f: {  	_ =	shalt  }
0x60: {  	_ =	shalt  }
0x61: {  	_ =	shalt  }
0x62: {  	_ =	shalt  }
0x63: {  	_ =	shalt  }
0x64: {  	_ =	shalt  }
0x65: {  	_ =	shalt  }
0x66: {  	_ =	shalt  }
0x67: {  	_ =	shalt  }
0x68: {  	_ =	shalt  }
0x69: {  	_ =	shalt  }
0x6a: {  	_ =	shalt  }
0x6b: {  	_ =	shalt  }
0x6c: {  	_ =	shalt  }
0x6d: {  	_ =	shalt  }
0x6e: {  	_ =	shalt  }
0x6f: {  	_ =	shalt  }
0x70: {  	_ =	shalt  }
0x71: {  	_ =	shalt  }
0x72: {  	_ =	shalt  }
0x73: {  	_ =	shalt  }
0x74: {  	_ =	shalt  }
0x75: {  	_ =	shalt  }
0x76: {  	_ =	shalt  }
0x77: {  	_ =	shalt  }
0x78: {  	_ =	shalt  }
0x79: {  	_ =	shalt  }
0x7a: {  	_ =	shalt  }
0x7b: {  	_ =	shalt  }
0x7c: {  	_ =	shalt  }
0x7d: {  	_ =	shalt  }
0x7e: {  	_ =	shalt  }
0x7f: {  	_ =	shalt  }
0x80: {  	_ =	shalt  }
0x81: {  	_ =	shalt  }
0x82: {  	_ =	shalt  }
0x83: {  	_ =	shalt  }
0x84: {  	_ =	shalt  }
0x85: {  	_ =	shalt  }
0x86: {  	_ =	shalt  }
0x87: {  	_ =	shalt  }
.Lfunc_end0:
.L_simem_size_0:
called_computation_lowered:
.L_overlay_start_0:
0x88: {  	s0 =	sld [smem:$0x3FD9]  }
0x89: {  	s1 =	sld [smem:$0x3FFE];
	_ =	sdelay $0x3  }
0x8a: {  	s0 =	sadd.s32 s1, s0  }
0x8b: {  	[smem:$0x3FBA] =	sst s0  }
0x8c: {  	_ = 	snop  }
0x8d: {  	s0 =	sld [smem:$0x3FC9]  }
0x8e: {  	s1 =	sld [smem:$0x3FC8]  }
0x8f: {  	s2 =	sld [smem:$0x3FC7]  }
0x90: {  	s3 =	sld [smem:$0x3FC6]  }
0x91: {  	s4 =	sld [smem:$0x3FC5]  }
0x92: {  	s5 =	sld [smem:$0x3FC4]  }
0x93: {  	s6 =	sld [smem:$0x3FC3]  }
0x94: {  	s7 =	sld [smem:$0x3FC2]  }
0x95: {  	s8 =	sld [smem:$0x3FC1]  }
0x96: {  	s9 =	sld [smem:$0x3FC0]  }
0x97: {  	s10 =	sld [smem:$0x3FBF]  }
0x98: {  	s11 =	sld [smem:$0x3FBE]  }
0x99: {  	s12 =	sld [smem:$0x3FBD]  }
0x9a: {  	s13 =	sld [smem:$0x3FBC]  }
0x9b: {  	s15 =	sld [smem:$0x3FD0];
	(tm) =	ssettm $0x1  }
0x9c: {  	s14 =	sld [smem:$0x3FFB];
	_ =	sdelay $0x3  }
0x9d: {  	_ =	strace s14  }
0x9e: {  	s14 =	sld [smem:$0x3FFC];
	_ =	sdelay $0x3  }
0x9f: {  	_ =	strace s14  }
0xa0: {  	s14 =	sld [smem:$0x3FFD];
	_ =	sdelay $0x3  }
0xa1: {  	_ =	strace s14  }
0xa2: {  	_ =	strace $0x8FFFFFFF  }
0xa3: {  	s25 =	sld [smem:$0x3FDB];
	_ =	sdelay $0x1  }
0xa4: {  	s16 =	simm.s32 $_scs_section_size  }
0xa5: {  	s17 =	simm.s32 $_size__tile_task_arg_handler_lowered;
	s18 =	simm.s32 $_tile_task_arg_handler_lowered  }
0xa6: {  	s29 =	simm.s32 $0x1BFF;
	s28 =	sshll.u32 s18, $0x1;
	s16 =	sadd.s32 s16, s25  }
0xa7: {  	s19 =	simm.s32 $0x60;
	s26 =	sshll.u32 s17, $0x1;
	s17 =	sadd.s32 s28, s16  }
0xa8: {  	[timem:s19], [sflag:s29] =	dma.local [hbm:s17], s26  }
0xa9: {  	_ =	swait.ge [sflag:s29], s26  }
0xaa: {  	s30 =	simm.s32 $_tile_overlayer_lowered;
	s14 =	ssub.s32 $0x0, s26;
	[sflag:s29] =	ssyncset.done $0x0  }
0xab: {  	s31 =	simm.s32 $_size__tile_overlayer_lowered;
	s17 =	sshll.u32 s30, $0x1;
	[sflag:s29] =	ssyncadd.s32 s14  }
0xac: {  	s20 =	simm.s32 $0x0;
	s17 =	sadd.s32 s17, s16;
	s14 =	sshll.u32 s31, $0x1  }
0xad: {  	[timem:s20], [sflag:s29] =	dma.local [hbm:s17], s14  }
0xae: {  	_ =	swait.ge [sflag:s29], s14  }
0xaf: {  	s21 =	ssub.s32 $0x0, s14;
	[sflag:s29] =	ssyncset.done $0x0  }
0xb0: {  	[sflag:s29] =	ssyncadd.s32 s21;
	_ =	sdelay $0x1  }
0xb1: {  	s22 =	simm.s32 $0x1B8B  }
0xb2: {  	_ =	swait.ge [sflag:s22], $0x1  }
0xb3: {  	[sflag:s22] =	ssyncset.done $0x0  }
0xb4: {  	s23 =	simm.s32 $0x1B8E;
	[sflag:s22] =	ssyncadd.s32 $0xFFFFFFFF  }
0xb5: {  	s24 =	simm.s32 $execute0_lowered;
	[smem:$0x3FD2] =	sst s23  }
0xb6: {  	s17 =	sshll.u32 s24, $0x1;
	_ =	strace $0x80000046;
	[dreg:$0x1] =	wrdreg $0xFFFFFFFF  }
0xb7: {  	s25 =	simm.s32 $_size_execute0_lowered;
	s16 =	sadd.s32 s16, s17;
	[dreg:$0x0] =	wrdreg $0x0  }
0xb8: {  	s17 =	sshll.u32 s25, $0x1;
	[dreg:$0x2] =	wrdreg s16  }
0xb9: {  	[dreg:$0x3] =	wrdreg s17  }
0xba: {  	[dreg:$0x4] =	wrdreg $0xC0  }
0xbb: {  	_ =	task [dreg:s20], $0x5FFFF  }
0xbc: {  	[dreg:$0x1] =	wrdreg $0xFFFFFFFF  }
0xbd: {  	[dreg:$0x0] =	wrdreg $0x30  }
0xbe: {  	[dreg:$0x2] =	wrdreg $0x0  }
0xbf: {  	[dreg:$0x3] =	wrdreg s15  }
0xc0: {  	[dreg:$0x4] =	wrdreg $0x3A000  }
0xc1: {  	[dreg:$0x5] =	wrdreg $0x9  }
0xc2: {  	_ =	task [dreg:s20], $0x6FFFF  }
0xc3: {  	[dreg:$0x1] =	wrdreg $0xFFFFFFFF  }
0xc4: {  	[dreg:$0x0] =	wrdreg $0x60  }
0xc5: {  	[dreg:$0x2] =	wrdreg s0  }
0xc6: {  	[dreg:$0x3] =	wrdreg s1  }
0xc7: {  	[dreg:$0x4] =	wrdreg s2  }
0xc8: {  	[dreg:$0x5] =	wrdreg s3  }
0xc9: {  	[dreg:$0x6] =	wrdreg s4  }
0xca: {  	[dreg:$0x7] =	wrdreg s5  }
0xcb: {  	[dreg:$0x8] =	wrdreg s6  }
0xcc: {  	[dreg:$0x9] =	wrdreg s7  }
0xcd: {  	[dreg:$0xa] =	wrdreg s8  }
0xce: {  	[dreg:$0xb] =	wrdreg s9  }
0xcf: {  	[dreg:$0xc] =	wrdreg s10  }
0xd0: {  	[dreg:$0xd] =	wrdreg s11  }
0xd1: {  	[dreg:$0xe] =	wrdreg s12  }
0xd2: {  	[dreg:$0xf] =	wrdreg s13  }
0xd3: {  	_ =	task.clear_ibuf [dreg:s20], $0x10FFFF;
	_ =	strace $0x90000046  }
0xd4: {  	s26 =	simm.s32 $0x9;
	_ =	strace $0x80000048  }
0xd5: {  	_ =	swait.ge [sflag:s26], $0x1  }
0xd6: {  	[sflag:s26] =	ssyncadd.s32 $0xFFFFFFFF  }
0xd7: {  	_ =	strace $0x90000048  }
0xd8: {  	_ =	sfence  }
0xd9: {  	s28 =	sld [smem:$0x0];
	_ =	sdelay $0x1  }
0xda: {  	s29 =	srdreg.scid  }
0xdb: {  	s30 =	sshll.u32 s29, $0xD;
	s31 =	sshrl.u32 s29, $0x2  }
0xdc: {  	s1 =	sand.u32 $0x1, s29;
	s2 =	sand.u32 $0x4000, s30;
	s0 =	sadd.s32 s31, s28  }
0xdd: {  	s1 =	sor.u32 s2, s1;
	s0 =	sshll.u32 s0, $0x11  }
0xde: {  	s0 =	sor.u32 s0, s1  }
0xdf: {  	s0 =	sadd.s32 $0x8F2B, s0  }
0xe0: {  	[sflag:s0] =	ssyncadd.remote.s32 $0x1  }
0xe1: {  	_ =	sfence.sel $0xFFFF  }
0xe2: {  	[dreg:$0x0] =	wrdreg $0xFFFFFFFF;
	(pc) =	sbr.abs _section_cstart, $3  }
0xe3: {  	[dreg:$0x1] =	wrdreg $0xFFFFFFFF  }
0xe4: {  	_ =	task.clear_ibuf [dreg:s20], $0x2FFFF;
	_ =	strace $0x9FFFFFFF  }
0xe5: {  	(tm) =	ssettm $0x7FFFFFFF  }
tec
_tile_task_arg_handler_lowered:
.L_overlay_start_1:
0x0: {  	(tag) =	ssettag $0x1  }
0x1: {  	s0 =	rddreg [dreg:$0x0]  }
0x2: {  	s1 =	rddreg [dreg:$0x1]  }
0x3: {  	s2 =	rddreg [dreg:$0x2]  }
0x4: {  	s3 =	rddreg [dreg:$0x3]  }
0x5: {  	s4 =	rddreg [dreg:$0x4]  }
0x6: {  	s5 =	rddreg [dreg:$0x5]  }
0x7: {  	s6 =	rddreg [dreg:$0x6]  }
0x8: {  	s7 =	rddreg [dreg:$0x7]  }
0x9: {  	s8 =	rddreg [dreg:$0x8]  }
0xa: {  	s9 =	rddreg [dreg:$0x9]  }
0xb: {  	s10 =	rddreg [dreg:$0xa]  }
0xc: {  	s11 =	rddreg [dreg:$0xb]  }
0xd: {  	s12 =	rddreg [dreg:$0xc]  }
0xe: {  	s13 =	rddreg [dreg:$0xd]  }
0xf: {  	[smem:s0] =	sst s1  }
0x10: {  	[smem:s0+$0x1] =	sst s2  }
0x11: {  	[smem:s0+$0x2] =	sst s3  }
0x12: {  	[smem:s0+$0x3] =	sst s4  }
0x13: {  	[smem:s0+$0x4] =	sst s5  }
0x14: {  	[smem:s0+$0x5] =	sst s6  }
0x15: {  	[smem:s0+$0x6] =	sst s7  }
0x16: {  	[smem:s0+$0x7] =	sst s8  }
0x17: {  	[smem:s0+$0x8] =	sst s9  }
0x18: {  	[smem:s0+$0x9] =	sst s10  }
0x19: {  	[smem:s0+$0xA] =	sst s11  }
0x1a: {  	[smem:s0+$0xB] =	sst s12  }
0x1b: {  	[smem:s0+$0xC] =	sst s13;
	_ =	shalt  }
.Lfunc_end2:
execute0_lowered:
.L_overlay_start_2:
0x1c: {  	(tag) =	ssettag $0x2  }
0x1d: {  	s1 =	rddreg [dreg:$0x0]  }
0x1e: {  	s4 =	rddreg [dreg:$0x1]  }
0x1f: {  	s6 =	rddreg [dreg:$0x2]  }
0x20: {  	s7 =	rddreg [dreg:$0x3]  }
0x21: {  	s8 =	rddreg [dreg:$0x4]  }
0x22: {  	s9 =	rddreg [dreg:$0x5]  }
0x23: {  	s10 =	rddreg [dreg:$0x6]  }
0x24: {  	s11 =	rddreg [dreg:$0x7]  }
0x25: {  	s12 =	rddreg [dreg:$0x8]  }
0x26: {  	s13 =	rddreg [dreg:$0x9]  }
0x27: {  	s14 =	rddreg [dreg:$0xa]  }
0x28: {  	s15 =	rddreg [dreg:$0xb]  }
0x29: {  	s16 =	rddreg [dreg:$0xc]  }
0x2a: {  	s17 =	rddreg [dreg:$0xd];
	s5 =	simm.s32 $0x0  }
0x2b: {  	[smem:$0x7FF] =	sst s5  }
0x2c: {  	s2 =	sld [smem:$0x0]  }
0x2d: {  	s3 =	sld [smem:$0x1]  }
0x2e: {  	s0 =	sld [smem:$0x2];
	_ =	strace $0x80000047  }
0x2f: {  	[tilespmem:s5], [sflag:$0x1] =	stream.linear.gather [hbm4b:s1+s5], $0x13, $0x38;
	[tilespmem:$0x3A60] =	vst v63  }
0x30: {  	s31 =	simm.s32 $0x2C80  }
0x31: {  	[tilespmem:s31], [sflag:$0x1] =	stream.linear.gather [hbm4b:s4+s5], $0x1, $0x38;
	[tilespmem:$0x3A60] =	vst v63  }
0x32: {  	s4 =	simm.s32 $0x20  }
0x33: {  	[tilespmem:s4], [sflag:$0x1] =	stream.linear.gather [hbm4b:s6+s5], $0x40, $0x38;
	[tilespmem:$0x3A60] =	vst v63  }
0x34: {  	s6 =	simm.s32 $0x60  }
0x35: {  	[tilespmem:s6], [sflag:$0x1] =	stream.linear.gather [hbm4b:s7+s5], $0x40, $0x38;
	[tilespmem:$0x3A60] =	vst v63  }
0x36: {  	s7 =	simm.s32 $0xA0  }
0x37: {  	[tilespmem:s7], [sflag:$0x1] =	stream.linear.gather [hbm4b:s8+s5], $0x40, $0x38;
	[tilespmem:$0x3A60] =	vst v63  }
0x38: {  	s8 =	simm.s32 $0xE0  }
0x39: {  	[tilespmem:s8], [sflag:$0x1] =	stream.linear.gather [hbm4b:s9+s5], $0x40, $0x38;
	[tilespmem:$0x3A60] =	vst v63  }
0x3a: {  	s9 =	simm.s32 $0x120  }
0x3b: {  	[tilespmem:s9], [sflag:$0x1] =	stream.linear.gather [hbm4b:s10+s5], $0x2000, $0x38;
	[tilespmem:$0x3A60] =	vst v63  }
0x3c: {  	s10 =	simm.s32 $0x2120  }
0x3d: {  	[tilespmem:s10], [sflag:$0x1] =	stream.linear.gather [hbm4b:s11+s5], $0x80, $0x38;
	[tilespmem:$0x3A60] =	vst v63  }
0x3e: {  	s18 =	simm.s32 $0x21A0  }
0x3f: {  	[tilespmem:s18], [sflag:$0x1] =	stream.linear.gather [hbm4b:s12+s5], $0x80, $0x38;
	[tilespmem:$0x3A60] =	vst v63  }
0x40: {  	s19 =	simm.s32 $0x2220  }
0x41: {  	[tilespmem:s19], [sflag:$0x1] =	stream.linear.gather [hbm4b:s13+s5], $0x80, $0x38;
	[tilespmem:$0x3A60] =	vst v63  }
0x42: {  	s20 =	simm.s32 $0x2C40  }
0x43: {  	[tilespmem:s20], [sflag:$0x1] =	stream.linear.gather [hbm4b:s14+s5], $0x20, $0x38;
	[tilespmem:$0x3A60] =	vst v63  }
0x44: {  	s21 =	simm.s32 $0x2C60  }
0x45: {  	[tilespmem:s21], [sflag:$0x1] =	stream.linear.gather [hbm4b:s15+s5], $0x20, $0x38;
	[tilespmem:$0x3A60] =	vst v63  }
0x46: {  	s22 =	simm.s32 $0x2C90  }
0x47: {  	[tilespmem:s22], [sflag:$0x1] =	stream.linear.gather [hbm4b:s17+s5], $0x1, $0x38;
	[tilespmem:$0x3A60] =	vst v63  }
0x48: {  	s23 =	simm.s32 $0x22A0  }
0x49: {  	[tilespmem:s23], [sflag:$0x1] =	stream.linear.gather [hbm4b:s16+s5], $0x980, $0x38;
	[tilespmem:$0x3A60] =	vst v63  }
0x4a: {  	s25 =	simm.s32 $0x2C20;
	s26 =	simm.s32 $0x1;
	s24 =	sadd.s32 $0x130, s16  }
0x4b: {  	[tilespmem:s25], [sflag:$0x1] =	stream.linear.gather [hbm4b:s24+s5], $0x20, $0x38;
	[tilespmem:$0x3A60] =	vst v63  }
0x4c: {  	_ =	swait.ge [sflag:s26], $0x13  }
0x4d: {  	[sflag:s26] =	ssyncset.done $0x0  }
0x4e: {  	[sflag:s26] =	ssyncadd.s32 $0xFFFFFFED  }
0x4f: {  	_ =	swait.ge [sflag:s26], $0x1  }
0x50: {  	[sflag:s26] =	ssyncset.done $0x0  }
0x51: {  	[sflag:s26] =	ssyncadd.s32 $0xFFFFFFFF  }
0x52: {  	_ =	swait.ge [sflag:s26], $0x40  }
0x53: {  	[sflag:s26] =	ssyncset.done $0x0  }
0x54: {  	[sflag:s26] =	ssyncadd.s32 $0xFFFFFFC0  }
0x55: {  	_ =	swait.ge [sflag:s26], $0x40  }
0x56: {  	[sflag:s26] =	ssyncset.done $0x0  }
0x57: {  	[sflag:s26] =	ssyncadd.s32 $0xFFFFFFC0  }
0x58: {  	_ =	swait.ge [sflag:s26], $0x40  }
0x59: {  	[sflag:s26] =	ssyncset.done $0x0  }
0x5a: {  	[sflag:s26] =	ssyncadd.s32 $0xFFFFFFC0  }
0x5b: {  	_ =	swait.ge [sflag:s26], $0x40  }
0x5c: {  	[sflag:s26] =	ssyncset.done $0x0  }
0x5d: {  	[sflag:s26] =	ssyncadd.s32 $0xFFFFFFC0  }
0x5e: {  	_ =	swait.ge [sflag:s26], $0x2000  }
0x5f: {  	[sflag:s26] =	ssyncset.done $0x0  }
0x60: {  	[sflag:s26] =	ssyncadd.s32 $0xFFFFE000  }
0x61: {  	_ =	swait.ge [sflag:s26], $0x80  }
0x62: {  	[sflag:s26] =	ssyncset.done $0x0  }
0x63: {  	[sflag:s26] =	ssyncadd.s32 $0xFFFFFF80  }
0x64: {  	_ =	swait.ge [sflag:s26], $0x80  }
0x65: {  	[sflag:s26] =	ssyncset.done $0x0  }
0x66: {  	[sflag:s26] =	ssyncadd.s32 $0xFFFFFF80  }
0x67: {  	_ =	swait.ge [sflag:s26], $0x80  }
0x68: {  	[sflag:s26] =	ssyncset.done $0x0  }
0x69: {  	[sflag:s26] =	ssyncadd.s32 $0xFFFFFF80  }
0x6a: {  	_ =	swait.ge [sflag:s26], $0x20  }
0x6b: {  	[sflag:s26] =	ssyncset.done $0x0  }
0x6c: {  	[sflag:s26] =	ssyncadd.s32 $0xFFFFFFE0  }
0x6d: {  	_ =	swait.ge [sflag:s26], $0x20  }
0x6e: {  	[sflag:s26] =	ssyncset.done $0x0  }
0x6f: {  	[sflag:s26] =	ssyncadd.s32 $0xFFFFFFE0  }
0x70: {  	_ =	swait.ge [sflag:s26], $0x1  }
0x71: {  	[sflag:s26] =	ssyncset.done $0x0  }
0x72: {  	[sflag:s26] =	ssyncadd.s32 $0xFFFFFFFF  }
0x73: {  	_ =	swait.ge [sflag:s26], $0x980  }
0x74: {  	[sflag:s26] =	ssyncset.done $0x0  }
0x75: {  	[sflag:s26] =	ssyncadd.s32 $0xFFFFF680  }
0x76: {  	_ =	swait.ge [sflag:s26], $0x20  }
0x77: {  	s1 =	stileid.u32;
	[sflag:s26] =	ssyncset.done $0x0  }
0x78: {  	s4 =	sshll.u32 s1, $0x7;
	[sflag:s26] =	ssyncadd.s32 $0xFFFFFFE0  }
0x79: {  	s28 =	sadd.s32 $0xFFFFFFFC, s4;
	s6 =	simm.s32 $0x210;
	[bflag:$0x0] =	sbarrier.arrive $0xFFFF  }
0x7a: {  	s31 =	sadd.s32 $0x22A6, s28;
	v1 =	vld [tilespmem:s6+$0xFFFFFFD0]  }
0x7b: {  	s29 =	sadd.s32 $0x22A7, s28;
	s30 =	sadd.s32 $0x22A5, s28;
	v5 =	vmov s31;
	v3 =	vld [tilespmem:s6+$0xFFFFFFE0]  }
0x7c: {  	v0 =	vmov s29;
	v2 =	vmov s30;
	s7 =	sadd.s32 $0x22A4, s28;
	v5 =	vand.u32 $0xFFFFFFFE, v5;
	v4 =	vld [tilespmem:s6+$0xFFFFFF90]  }
0x7d: {  	v2 =	vand.u32 $0xFFFFFFFD, v2;
	v6 =	vmov s7;
	v7 =	vbroadcast v5, $0x0;
	v8 =	vld [tilespmem:s6+$0xFFFFFFA0]  }
0x7e: {  	v2 =	vbroadcast v2, $0x0;
	v6 =	vand.u32 $0xFFFFFFFC, v6;
	v10 =	vld [tilespmem:s6+$0xFFFFFF50]  }
0x7f: {  	v15 =	vbroadcast v6, $0x0;
	v12 =	vld [tilespmem:s6+$0xFFFFFF60]  }
0x80: {  	v13 =	vld [tilespmem:s6+$0xFFFFFF10]  }
0x81: {  	v9 =	vimm.f32 $0.0e+00;
	v14 =	vld [tilespmem:s6+$0xFFFFFF20]  }
0x82: {  	v11 =	vimm.f32 $0.0e+00;
	s7 =	simm.s32 $0x0;
	v5 =	vimm.f32 $0.0e+00;
	v6 =	vimm.f32 $0.0e+00;
	v0 =	vld.idx.msk [tilespmem:v0+s5+$0x0], $0xffff  }
.LBB3_1:
0x83: {  	s8 =	sadd.s32 s7, s4;
	v16 =	vld.idx.msk [tilespmem:v7+s5+$0x0], $0xffff  }
0x84: {  	s9 =	sadd.s32 $0x22A5, s8;
	s10 =	sadd.s32 $0x22A6, s8;
	v17 =	vld.idx.msk [tilespmem:v2+s5+$0x0], $0xffff  }
0x85: {  	v2 =	vmov s9;
	v7 =	vmov s10;
	v15 =	vld.idx.msk [tilespmem:v15+s5+$0x0], $0xffff  }
0x86: {  	v2 =	vand.u32 $0xFFFFFFFD, v2;
	v7 =	vand.u32 $0xFFFFFFFE, v7;
	v18 =	vld [tilespmem:s6+$0xFFFFFF30]  }
0x87: {  	v2 =	vbroadcast v2, $0x0;
	v7 =	vbroadcast v7, $0x0;
	v19 =	vld [tilespmem:s6+$0xFFFFFF40]  }
0x88: {  	v21 =	vmul.f32 v1, v0;
	v22 =	vmul.f32 v3, v0;
	v20 =	vld [tilespmem:s6+$0xFFFFFF70]  }
0x89: {  	s9 =	sadd.s32 $0x22A7, s8;
	v23 =	vmul.f32 v4, v16;
	v24 =	vmul.f32 v8, v16;
	v3 =	vld [tilespmem:s6+$0xFFFFFF80]  }
0x8a: {  	s8 =	sadd.s32 $0x22A4, s8;
	v25 =	vmov s9;
	v4 =	vmul.f32 v10, v17;
	v8 =	vmul.f32 v12, v17;
	v10 =	vld [tilespmem:s6+$0xFFFFFFB0]  }
0x8b: {  	v1 =	vmov s8;
	v12 =	vmul.f32 v13, v15;
	v13 =	vmul.f32 v14, v15;
	v14 =	vld [tilespmem:s6+$0xFFFFFFC0]  }
0x8c: {  	v26 =	vand.u32 $0xFFFFFFFC, v1;
	v18 =	vmul.f32 v18, v15;
	v15 =	vmul.f32 v19, v15;
	v19 =	vld [tilespmem:s6+$0xFFFFFFF0]  }
0x8d: {  	v9 =	vadd.f32 v12, v9;
	v11 =	vadd.f32 v13, v11;
	v12 =	vmul.f32 v20, v17;
	v13 =	vld [tilespmem:s6+$0x0];
	s6 =	sadd.s32 $0x100, s6  }
0x8e: {  	v6 =	vadd.f32 v18, v6;
	v1 =	vld [tilespmem:s6+$0xFFFFFFD0];
	v5 =	vadd.f32 v15, v5;
	v15 =	vmul.f32 v3, v17  }
0x8f: {  	v9 =	vadd.f32 v4, v9;
	v11 =	vadd.f32 v8, v11;
	v3 =	vld [tilespmem:s6+$0xFFFFFFE0];
	v17 =	vmul.f32 v10, v16  }
0x90: {  	s7 =	sadd.s32 $0x4, s7;
	v6 =	vadd.f32 v12, v6;
	v4 =	vld [tilespmem:s6+$0xFFFFFF90];
	v5 =	vadd.f32 v15, v5;
	v12 =	vmul.f32 v14, v16  }
0x91: {  	p0 =	slt.u32 s7, $0x7C;
	v9 =	vadd.f32 v23, v9;
	v11 =	vadd.f32 v24, v11;
	v8 =	vld [tilespmem:s6+$0xFFFFFFA0];
	v14 =	vmul.f32 v19, v0  }
.Ltmp0:
0x92: {  	v6 =	vadd.f32 v17, v6;
	v10 =	vld [tilespmem:s6+$0xFFFFFF50];
	v5 =	vadd.f32 v12, v5;
	v0 =	vmul.f32 v13, v0;
	(pc) =	sbr.rel @p0 .LBB3_1-.Ltmp0, $4  }
0x93: {  	v15 =	vbroadcast v26, $0x0;
	v9 =	vadd.f32 v21, v9;
	v11 =	vadd.f32 v22, v11;
	v12 =	vld [tilespmem:s6+$0xFFFFFF60]  }
0x94: {  	v6 =	vadd.f32 v14, v6;
	v13 =	vld [tilespmem:s6+$0xFFFFFF10];
	v5 =	vadd.f32 v0, v5  }
0x95: {  	v14 =	vld [tilespmem:s6+$0xFFFFFF20]  }
0x96: {  	v0 =	vld.idx.msk [tilespmem:v25+s5+$0x0], $0xffff  }
0x97: {  	_ =	sdelay $0x3  }
0x98: {  	v7 =	vld.idx.msk [tilespmem:v7+s5+$0x0], $0xffff  }
0x99: {  	v15 =	vld.idx.msk [tilespmem:v15+s5+$0x0], $0xffff  }
0x9a: {  	v2 =	vld.idx.msk [tilespmem:v2+s5+$0x0], $0xffff  }
0x9b: {  	v16 =	vld [tilespmem:s6+$0xFFFFFF30]  }
0x9c: {  	v17 =	vld [tilespmem:s6+$0xFFFFFF40]  }
0x9d: {  	v18 =	vld [tilespmem:s6+$0xFFFFFF70];
	v1 =	vmul.f32 v1, v0;
	v3 =	vmul.f32 v3, v0  }
0x9e: {  	v19 =	vld [tilespmem:s6+$0xFFFFFF80];
	v4 =	vmul.f32 v4, v7;
	v13 =	vmul.f32 v13, v15  }
0x9f: {  	v20 =	vld [tilespmem:s6+$0xFFFFFFB0];
	v8 =	vmul.f32 v8, v7;
	v14 =	vmul.f32 v14, v15  }
0xa0: {  	v21 =	vld [tilespmem:s6+$0xFFFFFFC0];
	v10 =	vmul.f32 v10, v2;
	v16 =	vmul.f32 v16, v15;
	v9 =	vadd.f32 v13, v9  }
0xa1: {  	v54 =	vld [tilespmem:s6+$0xFFFFFFF0];
	v12 =	vmul.f32 v12, v2;
	v53 =	vmul.f32 v17, v15;
	v11 =	vadd.f32 v14, v11  }
0xa2: {  	v56 =	vld [tilespmem:s6+$0x0];
	v55 =	vmul.f32 v18, v2;
	v6 =	vadd.f32 v16, v6;
	v9 =	vadd.f32 v10, v9  }
0xa3: {  	v2 =	vmul.f32 v19, v2;
	v5 =	vadd.f32 v53, v5;
	v57 =	vadd.f32 v12, v11  }
0xa4: {  	v58 =	vmul.f32 v20, v7;
	v6 =	vadd.f32 v55, v6;
	v4 =	vadd.f32 v4, v9  }
0xa5: {  	v59 =	vmul.f32 v21, v7;
	v2 =	vadd.f32 v2, v5;
	v60 =	vadd.f32 v8, v57  }
0xa6: {  	v61 =	vmul.f32 v54, v0;
	v6 =	vadd.f32 v58, v6;
	v1 =	vadd.f32 v1, v4  }
0xa7: {  	v62 =	vmul.f32 v56, v0;
	v2 =	vadd.f32 v59, v2;
	v3 =	vadd.f32 v3, v60  }
0xa8: {  	v63 =	vadd.f32 v61, v6;
	[tilespmem:$0x3900] =	vst v1  }
0xa9: {  	v0 =	vadd.f32 v62, v2;
	[tilespmem:$0x3910] =	vst v3  }
0xaa: {  	s29 =	sshll.u32 s1, $0x6;
	s30 =	simm.s32 $0x3900;
	p0 =	sgt.u32 s1, $0x2;
	[tilespmem:$0x3920] =	vst v63  }
.Ltmp1:
0xab: {  	s31 =	simm.s32 $0x2;
	s6 =	sadd.s32 s29, s3;
	[tilespmem:$0x3930] =	vst v0;
	(pc) =	sbr.rel @p0 .LBB3_6-.Ltmp1, $4  }
0xac: {  	[spmem:s6] =	stream.linear.scatter [tilespmem:s30], [sflag:$0x2], $0x40, $0x38;
	[tilespmem:$0x3A60] =	vst v63  }
0xad: {  	_ =	swait.ge [sflag:s31], $0x40  }
0xae: {  	[sflag:s31] =	ssyncset.done $0x0  }
0xaf: {  	[sflag:s31] =	ssyncadd.s32 $0xFFFFFFC0  }
0xb0: {  	s5 =	simm.s32 $0x210;
	s7 =	sadd.s32 $0xFFFFFFFC, s4  }
0xb1: {  	v1 =	vld [tilespmem:s5+$0xFFFFFFD0];
	s8 =	sadd.s32 $0x2AA7, s7;
	s31 =	sadd.s32 $0x2AA6, s7  }
0xb2: {  	v3 =	vld [tilespmem:s5+$0xFFFFFFE0];
	s9 =	sadd.s32 $0x2AA5, s7;
	s7 =	sadd.s32 $0x2AA4, s7;
	v0 =	vmov s8;
	v6 =	vmov s31  }
0xb3: {  	v4 =	vld [tilespmem:s5+$0xFFFFFF90];
	v2 =	vmov s9;
	v7 =	vmov s7;
	v6 =	vand.u32 $0xFFFFFFFE, v6  }
0xb4: {  	v5 =	vld [tilespmem:s5+$0xFFFFFFA0];
	v2 =	vand.u32 $0xFFFFFFFD, v2;
	v8 =	vand.u32 $0xFFFFFFFC, v7;
	v7 =	vbroadcast v6, $0x0  }
0xb5: {  	v10 =	vld [tilespmem:s5+$0xFFFFFF50];
	v2 =	vbroadcast v2, $0x0  }
0xb6: {  	v12 =	vld [tilespmem:s5+$0xFFFFFF60];
	v15 =	vbroadcast v8, $0x0  }
0xb7: {  	v13 =	vld [tilespmem:s5+$0xFFFFFF10]  }
0xb8: {  	v9 =	vimm.f32 $0.0e+00;
	v14 =	vld [tilespmem:s5+$0xFFFFFF20];
	s7 =	simm.s32 $0x0  }
0xb9: {  	s6 =	sadd.s32 $0x400, s6;
	v11 =	vimm.f32 $0.0e+00;
	s8 =	simm.s32 $0x0;
	v8 =	vimm.f32 $0.0e+00;
	v6 =	vimm.f32 $0.0e+00;
	v0 =	vld.idx.msk [tilespmem:v0+s7+$0x0], $0xffff  }
.LBB3_4:
0xba: {  	s9 =	sadd.s32 s8, s4;
	v16 =	vld.idx.msk [tilespmem:v7+s7+$0x0], $0xffff  }
0xbb: {  	s10 =	sadd.s32 $0x2AA5, s9;
	s11 =	sadd.s32 $0x2AA6, s9;
	v17 =	vld.idx.msk [tilespmem:v2+s7+$0x0], $0xffff  }
0xbc: {  	v2 =	vmov s10;
	v7 =	vmov s11;
	v15 =	vld.idx.msk [tilespmem:v15+s7+$0x0], $0xffff  }
0xbd: {  	v2 =	vand.u32 $0xFFFFFFFD, v2;
	v7 =	vand.u32 $0xFFFFFFFE, v7;
	v18 =	vld [tilespmem:s5+$0xFFFFFF30]  }
0xbe: {  	v2 =	vbroadcast v2, $0x0;
	v7 =	vbroadcast v7, $0x0;
	v19 =	vld [tilespmem:s5+$0xFFFFFF40]  }
0xbf: {  	v21 =	vmul.f32 v1, v0;
	v22 =	vmul.f32 v3, v0;
	v20 =	vld [tilespmem:s5+$0xFFFFFF70]  }
0xc0: {  	s10 =	sadd.s32 $0x2AA7, s9;
	v23 =	vmul.f32 v4, v16;
	v24 =	vmul.f32 v5, v16;
	v3 =	vld [tilespmem:s5+$0xFFFFFF80]  }
0xc1: {  	s9 =	sadd.s32 $0x2AA4, s9;
	v25 =	vmov s10;
	v4 =	vmul.f32 v10, v17;
	v5 =	vmul.f32 v12, v17;
	v10 =	vld [tilespmem:s5+$0xFFFFFFB0]  }
0xc2: {  	v1 =	vmov s9;
	v12 =	vmul.f32 v13, v15;
	v13 =	vmul.f32 v14, v15;
	v14 =	vld [tilespmem:s5+$0xFFFFFFC0]  }
0xc3: {  	v26 =	vand.u32 $0xFFFFFFFC, v1;
	v18 =	vmul.f32 v18, v15;
	v15 =	vmul.f32 v19, v15;
	v19 =	vld [tilespmem:s5+$0xFFFFFFF0]  }
0xc4: {  	v9 =	vadd.f32 v12, v9;
	v11 =	vadd.f32 v13, v11;
	v12 =	vmul.f32 v20, v17;
	v13 =	vld [tilespmem:s5+$0x0];
	s5 =	sadd.s32 $0x100, s5  }
0xc5: {  	v8 =	vadd.f32 v18, v8;
	v1 =	vld [tilespmem:s5+$0xFFFFFFD0];
	v6 =	vadd.f32 v15, v6;
	v15 =	vmul.f32 v3, v17  }
0xc6: {  	v9 =	vadd.f32 v4, v9;
	v11 =	vadd.f32 v5, v11;
	v3 =	vld [tilespmem:s5+$0xFFFFFFE0];
	v17 =	vmul.f32 v10, v16  }
0xc7: {  	s8 =	sadd.s32 $0x4, s8;
	v8 =	vadd.f32 v12, v8;
	v4 =	vld [tilespmem:s5+$0xFFFFFF90];
	v6 =	vadd.f32 v15, v6;
	v12 =	vmul.f32 v14, v16  }
0xc8: {  	p0 =	slt.u32 s8, $0x7C;
	v9 =	vadd.f32 v23, v9;
	v11 =	vadd.f32 v24, v11;
	v5 =	vld [tilespmem:s5+$0xFFFFFFA0];
	v14 =	vmul.f32 v19, v0  }
.Ltmp2:
0xc9: {  	v8 =	vadd.f32 v17, v8;
	v10 =	vld [tilespmem:s5+$0xFFFFFF50];
	v6 =	vadd.f32 v12, v6;
	v0 =	vmul.f32 v13, v0;
	(pc) =	sbr.rel @p0 .LBB3_4-.Ltmp2, $4  }
0xca: {  	v15 =	vbroadcast v26, $0x0;
	v9 =	vadd.f32 v21, v9;
	v11 =	vadd.f32 v22, v11;
	v12 =	vld [tilespmem:s5+$0xFFFFFF60]  }
0xcb: {  	v8 =	vadd.f32 v14, v8;
	v13 =	vld [tilespmem:s5+$0xFFFFFF10];
	v6 =	vadd.f32 v0, v6  }
0xcc: {  	v14 =	vld [tilespmem:s5+$0xFFFFFF20]  }
0xcd: {  	v0 =	vld.idx.msk [tilespmem:v25+s7+$0x0], $0xffff  }
0xce: {  	_ =	sdelay $0x3  }
0xcf: {  	v7 =	vld.idx.msk [tilespmem:v7+s7+$0x0], $0xffff  }
0xd0: {  	v15 =	vld.idx.msk [tilespmem:v15+s7+$0x0], $0xffff  }
0xd1: {  	v2 =	vld.idx.msk [tilespmem:v2+s7+$0x0], $0xffff  }
0xd2: {  	v16 =	vld [tilespmem:s5+$0xFFFFFF30]  }
0xd3: {  	v17 =	vld [tilespmem:s5+$0xFFFFFF40]  }
0xd4: {  	v18 =	vld [tilespmem:s5+$0xFFFFFF70];
	v1 =	vmul.f32 v1, v0;
	v3 =	vmul.f32 v3, v0  }
0xd5: {  	v19 =	vld [tilespmem:s5+$0xFFFFFF80];
	v4 =	vmul.f32 v4, v7;
	v13 =	vmul.f32 v13, v15  }
0xd6: {  	v20 =	vld [tilespmem:s5+$0xFFFFFFB0];
	v5 =	vmul.f32 v5, v7;
	v14 =	vmul.f32 v14, v15  }
0xd7: {  	v21 =	vld [tilespmem:s5+$0xFFFFFFC0];
	v10 =	vmul.f32 v10, v2;
	v16 =	vmul.f32 v16, v15;
	v9 =	vadd.f32 v13, v9  }
0xd8: {  	v55 =	vld [tilespmem:s5+$0xFFFFFFF0];
	v12 =	vmul.f32 v12, v2;
	v54 =	vmul.f32 v17, v15;
	v11 =	vadd.f32 v14, v11  }
0xd9: {  	v57 =	vld [tilespmem:s5+$0x0];
	v56 =	vmul.f32 v18, v2;
	v8 =	vadd.f32 v16, v8;
	v9 =	vadd.f32 v10, v9  }
0xda: {  	v2 =	vmul.f32 v19, v2;
	v6 =	vadd.f32 v54, v6;
	v58 =	vadd.f32 v12, v11  }
0xdb: {  	v59 =	vmul.f32 v20, v7;
	v8 =	vadd.f32 v56, v8;
	v4 =	vadd.f32 v4, v9  }
0xdc: {  	v60 =	vmul.f32 v21, v7;
	v2 =	vadd.f32 v2, v6;
	v5 =	vadd.f32 v5, v58  }
0xdd: {  	v61 =	vmul.f32 v55, v0;
	v8 =	vadd.f32 v59, v8;
	v1 =	vadd.f32 v1, v4  }
0xde: {  	v62 =	vmul.f32 v57, v0;
	v2 =	vadd.f32 v60, v2;
	v3 =	vadd.f32 v3, v5  }
0xdf: {  	v63 =	vadd.f32 v61, v8;
	[tilespmem:$0x3900] =	vst v1  }
0xe0: {  	v0 =	vadd.f32 v62, v2;
	[tilespmem:$0x3910] =	vst v3  }
0xe1: {  	[tilespmem:$0x3920] =	vst v63  }
0xe2: {  	s4 =	simm.s32 $0x3900;
	s31 =	simm.s32 $0x2;
	[tilespmem:$0x3930] =	vst v0  }
0xe3: {  	[spmem:s6] =	stream.linear.scatter [tilespmem:s4], [sflag:$0x2], $0x40, $0x38;
	[tilespmem:$0x3A60] =	vst v63  }
0xe4: {  	_ =	swait.ge [sflag:s31], $0x40  }
0xe5: {  	[sflag:s31] =	ssyncset.done $0x0  }
0xe6: {  	[sflag:s31] =	ssyncadd.s32 $0xFFFFFFC0  }
.LBB3_6:
0xe7: {  	p0 =	seq.s32 s1, $0x3  }
.Ltmp3:
0xe8: {  	_ = 	snop;
	(pc) =	sbr.rel @p0 .LBB3_11-.Ltmp3, $1  }
0xe9: {  	_ =	sdelay $0x3  }
0xea: {  	p0 =	sne.s32 s1, $0x4  }
.Ltmp4:
0xeb: {  	_ = 	snop;
	(pc) =	sbr.rel @p0 .LBB3_15-.Ltmp4, $1  }
0xec: {  	_ =	sdelay $0x3  }
0xed: {  	s5 =	simm.s32 $0x0  }
0xee: {  	v1 =	vld [tilespmem:s5+$0x2310]  }
0xef: {  	v2 =	vld [tilespmem:s5+$0x22A0]  }
0xf0: {  	v3 =	vld [tilespmem:s5+$0x22B0]  }
0xf1: {  	v9 =	vld [tilespmem:s5+$0x22C0]  }
0xf2: {  	v5 =	vld [tilespmem:s5+$0x22D0]  }
0xf3: {  	v0 =	vimm.f32 $0.0e+00;
	v4 =	vimm.f32 $0.0e+00;
	v6 =	vld [tilespmem:s5+$0x22E0]  }
0xf4: {  	v10 =	vimm.f32 $0.0e+00;
	v7 =	vimm.f32 $0.0e+00;
	v11 =	vld [tilespmem:s5+$0x22F0];
	v1 =	vadd.f32 v1, v0  }
0xf5: {  	s2 =	sadd.s32 $0x570, s3;
	s3 =	simm.s32 $0x80;
	s4 =	simm.s32 $0x400;
	v8 =	vimm.f32 $0.0e+00;
	v12 =	vld [tilespmem:s5+$0x2300];
	v2 =	vadd.f32 v2, v0;
	v3 =	vadd.f32 v3, v0  }
.LBB3_9:
0xf6: {  	p0 =	sne.s32 s4, $0x2400;
	v13 =	vld [tilespmem:s3+$0x2310];
	v0 =	vadd.f32 v9, v0  }
0xf7: {  	v14 =	vld [tilespmem:s3+$0x22A0];
	v4 =	vadd.f32 v5, v4  }
0xf8: {  	v15 =	vld [tilespmem:s3+$0x22B0];
	v10 =	vadd.f32 v6, v10  }
.Ltmp5:
0xf9: {  	v9 =	vld [tilespmem:s3+$0x22C0];
	v7 =	vadd.f32 v11, v7;
	(pc) =	sbr.rel @p0 .LBB3_9-.Ltmp5, $4  }
0xfa: {  	v5 =	vld [tilespmem:s3+$0x22D0];
	v8 =	vadd.f32 v12, v8  }
0xfb: {  	v6 =	vld [tilespmem:s3+$0x22E0];
	v1 =	vadd.f32 v13, v1  }
0xfc: {  	v2 =	vadd.f32 v14, v2;
	v11 =	vld [tilespmem:s3+$0x22F0]  }
0xfd: {  	v3 =	vadd.f32 v15, v3;
	v12 =	vld [tilespmem:s3+$0x2300];
	s3 =	sshra.s32 s4, $0x2;
	s4 =	sadd.s32 $0x200, s4  }
0xfe: {  	v13 =	vld [tilespmem:s3+$0x2310]  }
0xff: {  	v14 =	vld [tilespmem:s3+$0x22A0]  }
0x100: {  	v15 =	vld [tilespmem:s3+$0x22B0]  }
0x101: {  	v16 =	vld [tilespmem:s3+$0x22C0]  }
0x102: {  	v17 =	vld [tilespmem:s3+$0x22D0]  }
0x103: {  	v18 =	vld [tilespmem:s3+$0x22E0]  }
0x104: {  	v9 =	vadd.f32 v9, v0;
	v19 =	vld [tilespmem:s3+$0x22F0]  }
0x105: {  	v63 =	vld [tilespmem:s3+$0x2300];
	v4 =	vadd.f32 v5, v4;
	v6 =	vadd.f32 v6, v10  }
.Ltmp6:
0x106: {  	v11 =	vadd.f32 v11, v7;
	v8 =	vadd.f32 v12, v8;
	(pc) =	sbr.rel .LBB3_14-.Ltmp6, $4  }
0x107: {  	v0 =	vadd.f32 v13, v1;
	v5 =	vadd.f32 v14, v2  }
0x108: {  	v1 =	vadd.f32 v15, v3;
	v7 =	vadd.f32 v16, v9  }
0x109: {  	v4 =	vadd.f32 v17, v4;
	v6 =	vadd.f32 v18, v6  }
0x10a: {  	v3 =	vadd.f32 v19, v11;
	v2 =	vadd.f32 v63, v8  }
.LBB3_11:
0x10b: {  	s4 =	simm.s32 $0x21A0  }
0x10c: {  	s26 =	simm.s32 $0x21A1;
	s6 =	simm.s32 $0x190;
	v1 =	vmov s4  }
0x10d: {  	s2 =	simm.s32 $0x2120;
	v2 =	vmov s26;
	v3 =	vld [tilespmem:s6+$0xFFFFFFE0];
	v1 =	vand.u32 $0xFFFFFFFE, v1  }
0x10e: {  	v0 =	vmov s2;
	v4 =	vld [tilespmem:s6+$0xFFFFFFC0];
	v1 =	vbroadcast v1, $0x0  }
0x10f: {  	v7 =	vld [tilespmem:s6+$0x0];
	v0 =	vand.u32 $0xFFFFFFFE, v0  }
0x110: {  	v8 =	vld [tilespmem:s6+$0xFFFFFFF0];
	v0 =	vbroadcast v0, $0x0  }
0x111: {  	s4 =	simm.s32 $0x0;
	v5 =	vld [tilespmem:s6+$0xFFFFFFB0]  }
0x112: {  	s28 =	simm.s32 $0x2121;
	v12 =	vld.idx.msk [tilespmem:v2+s4+$0x0], $0xffff  }
0x113: {  	v11 =	vld [tilespmem:s6+$0xFFFFFF90];
	v2 =	vmov s28  }
0x114: {  	s5 =	simm.s32 $0x21A2;
	v9 =	vld.idx.msk [tilespmem:v1+s4+$0x0], $0xffff  }
0x115: {  	v10 =	vmov s5;
	v1 =	vld [tilespmem:s6+$0xFFFFFFA0]  }
0x116: {  	s29 =	simm.s32 $0x2122;
	v10 =	vand.u32 $0xFFFFFFFE, v10;
	v6 =	vld.idx.msk [tilespmem:v0+s4+$0x0], $0xffff  }
0x117: {  	v21 =	vbroadcast v10, $0x0;
	v0 =	vmov s29;
	v13 =	vmul.f32 v8, v12  }
0x118: {  	s30 =	simm.s32 $0x21A3;
	v14 =	vld.idx.msk [tilespmem:v2+s4+$0x0], $0xffff;
	v15 =	vmul.f32 v7, v12;
	v2 =	vand.u32 $0xFFFFFFFE, v0;
	v25 =	vmul.f32 v3, v12  }
0x119: {  	s5 =	simm.s32 $0x210;
	v18 =	vmov s30;
	v22 =	vld [tilespmem:s6+$0xFFFFFFD0];
	v17 =	vbroadcast v2, $0x0;
	v16 =	vmul.f32 v4, v9  }
0x11a: {  	v0 =	vld [tilespmem:s5+$0xFFFFFFE0];
	v20 =	vmul.f32 v5, v9;
	v10 =	vmul.f32 v1, v9  }
0x11b: {  	v19 =	vimm.f32 $0.0e+00;
	s31 =	simm.s32 $0x2123;
	v2 =	vld [tilespmem:s5+$0xFFFFFFC0];
	v24 =	vmul.f32 v1, v6;
	v26 =	vmul.f32 v11, v6  }
0x11c: {  	v23 =	vmov s31;
	v1 =	vld [tilespmem:s5+$0x0];
	v28 =	vmul.f32 v5, v6;
	v4 =	vmul.f32 v4, v6  }
0x11d: {  	v5 =	vld [tilespmem:s5+$0xFFFFFFF0];
	v61 =	vmul.f32 v11, v9;
	v16 =	vadd.f32 v16, v19;
	v27 =	vadd.f32 v10, v19  }
0x11e: {  	v20 =	vadd.f32 v20, v19;
	v29 =	vmul.f32 v3, v14;
	v10 =	vld.idx.msk [tilespmem:v18+s4+$0x0], $0xffff;
	v18 =	vadd.f32 v24, v19  }
0x11f: {  	v9 =	vld.idx.msk [tilespmem:v21+s4+$0x0], $0xffff;
	v62 =	vmul.f32 v22, v14;
	v63 =	vadd.f32 v26, v19;
	v11 =	vadd.f32 v15, v16  }
0x120: {  	v3 =	vld.idx.msk [tilespmem:v17+s4+$0x0], $0xffff;
	v6 =	vadd.f32 v13, v20;
	v16 =	vmul.f32 v7, v14;
	v20 =	vadd.f32 v4, v19  }
0x121: {  	v7 =	vadd.f32 v29, v18;
	v4 =	vld.idx.msk [tilespmem:v23+s4+$0x0], $0xffff;
	v13 =	vadd.f32 v25, v27;
	v15 =	vmul.f32 v8, v14  }
0x122: {  	v14 =	vld [tilespmem:s5+$0xFFFFFFB0];
	v17 =	vadd.f32 v61, v19;
	v18 =	vmul.f32 v22, v12;
	v19 =	vadd.f32 v28, v19  }
0x123: {  	s2 =	sadd.s32 $0x4F0, s3;
	s3 =	simm.s32 $0x2;
	s6 =	simm.s32 $0x290;
	v12 =	vadd.f32 v62, v63;
	v8 =	vadd.f32 v16, v20;
	v16 =	vld [tilespmem:s5+$0xFFFFFFA0]  }
.LBB3_12:
0x124: {  	s7 =	sadd.s32 $0x2122, s3;
	s8 =	sadd.s32 $0x21A2, s3;
	s9 =	sadd.s32 $0x2123, s3;
	v20 =	vld [tilespmem:s6+$0xFFFFFFE0];
	v21 =	vmul.f32 v5, v10;
	v22 =	vmul.f32 v1, v10;
	v17 =	vadd.f32 v18, v17;
	v18 =	vmovc v10  }
0x125: {  	v10 =	vmov s7;
	v23 =	vmov s8;
	s7 =	sadd.s32 $0x21A3, s3;
	s3 =	sadd.s32 $0x2, s3;
	v24 =	vld [tilespmem:s5+$0xFFFFFF90];
	v19 =	vadd.f32 v15, v19  }
0x126: {  	v10 =	vand.u32 $0xFFFFFFFE, v10;
	v15 =	vand.u32 $0xFFFFFFFE, v23;
	p0 =	slt.u32 s3, $0x7E;
	v23 =	vmul.f32 v2, v9  }
0x127: {  	v25 =	vbroadcast v10, $0x0;
	v10 =	vmov s7;
	v26 =	vmul.f32 v14, v9  }
0x128: {  	v28 =	vmov s9;
	v27 =	vbroadcast v15, $0x0;
	v15 =	vmul.f32 v16, v9;
	v29 =	vld [tilespmem:s5+$0xFFFFFFD0];
	s5 =	smov.u32 s6  }
0x129: {  	v16 =	vmul.f32 v16, v3;
	v11 =	vadd.f32 v23, v11;
	v23 =	vmul.f32 v0, v18;
	v30 =	vld [tilespmem:s6+$0xFFFFFFC0]  }
0x12a: {  	v33 =	vmul.f32 v14, v3;
	v31 =	vld [tilespmem:s6+$0x0];
	v32 =	vmul.f32 v24, v3;
	v13 =	vadd.f32 v15, v13  }
0x12b: {  	v14 =	vmul.f32 v0, v4;
	v6 =	vadd.f32 v26, v6;
	v0 =	vmovc v20;
	v24 =	vmul.f32 v24, v9;
	v34 =	vld [tilespmem:s6+$0xFFFFFFF0]  }
0x12c: {  	v7 =	vadd.f32 v16, v7;
	v16 =	vmul.f32 v2, v3;
	v11 =	vadd.f32 v22, v11;
	v10 =	vld.idx.msk [tilespmem:v10+s4+$0x0], $0xffff  }
.Ltmp7:
0x12d: {  	v15 =	vmul.f32 v5, v4;
	v6 =	vadd.f32 v21, v6;
	v21 =	vmul.f32 v1, v4;
	v3 =	vld.idx.msk [tilespmem:v25+s4+$0x0], $0xffff;
	(pc) =	sbr.rel @p0 .LBB3_12-.Ltmp7, $4  }
0x12e: {  	v8 =	vadd.f32 v16, v8;
	v7 =	vadd.f32 v14, v7;
	v20 =	vmul.f32 v29, v4;
	v9 =	vld.idx.msk [tilespmem:v27+s4+$0x0], $0xffff  }
0x12f: {  	v12 =	vadd.f32 v32, v12;
	v13 =	vadd.f32 v23, v13;
	v2 =	vmovc v30;
	v4 =	vld.idx.msk [tilespmem:v28+s4+$0x0], $0xffff;
	v1 =	vmov v31  }
0x130: {  	v17 =	vadd.f32 v24, v17;
	v18 =	vmul.f32 v29, v18;
	v8 =	vadd.f32 v21, v8;
	v14 =	vld [tilespmem:s6+$0xFFFFFFB0];
	v5 =	vmovc v34  }
0x131: {  	v19 =	vadd.f32 v33, v19;
	v12 =	vadd.f32 v20, v12;
	s6 =	sadd.s32 $0x80, s6;
	v16 =	vld [tilespmem:s5+$0xFFFFFFA0]  }
0x132: {  	v20 =	vld [tilespmem:s5+$0xFFFFFF90];
	v21 =	vmul.f32 v5, v10  }
0x133: {  	v22 =	vmul.f32 v1, v10;
	v24 =	vmul.f32 v0, v10  }
0x134: {  	v17 =	vadd.f32 v18, v17;
	v23 =	vmul.f32 v2, v9;
	v60 =	vmul.f32 v0, v4  }
0x135: {  	v15 =	vadd.f32 v15, v19;
	v61 =	vmul.f32 v5, v4;
	v55 =	vmul.f32 v14, v9  }
0x136: {  	v57 =	vld [tilespmem:s5+$0xFFFFFFD0];
	v11 =	vadd.f32 v23, v11;
	v58 =	vmul.f32 v14, v3;
	v54 =	vmul.f32 v16, v9  }
0x137: {  	v56 =	vmul.f32 v16, v3;
	v25 =	vmul.f32 v20, v3;
	v6 =	vadd.f32 v55, v6  }
0x138: {  	v3 =	vmul.f32 v2, v3;
	v0 =	vadd.f32 v22, v11;
	v63 =	vadd.f32 v58, v15  }
0x139: {  	v59 =	vmul.f32 v20, v9;
	v13 =	vadd.f32 v54, v13;
	v7 =	vadd.f32 v56, v7  }
0x13a: {  	v5 =	vmul.f32 v1, v4;
	v2 =	vadd.f32 v21, v6;
	v6 =	vadd.f32 v3, v8  }
0x13b: {  	v62 =	vmul.f32 v57, v10;
	v8 =	vadd.f32 v25, v12;
	v9 =	vadd.f32 v59, v17  }
0x13c: {  	v1 =	vadd.f32 v60, v7;
	v7 =	vmul.f32 v57, v4;
	v3 =	vadd.f32 v24, v13  }
0x13d: {  	v4 =	vadd.f32 v5, v6;
	v6 =	vadd.f32 v62, v9  }
0x13e: {  	v5 =	vadd.f32 v7, v8;
	v7 =	vadd.f32 v61, v63  }
.LBB3_14:
0x13f: {  	[tilespmem:$0x3910] =	vst v1  }
0x140: {  	[tilespmem:$0x3930] =	vst v4  }
0x141: {  	[tilespmem:$0x3940] =	vst v6  }
0x142: {  	[tilespmem:$0x3970] =	vst v0  }
0x143: {  	[tilespmem:$0x3900] =	vst v5  }
0x144: {  	[tilespmem:$0x3920] =	vst v7  }
0x145: {  	[tilespmem:$0x3950] =	vst v3  }
0x146: {  	s3 =	simm.s32 $0x3900;
	s31 =	simm.s32 $0x2;
	[tilespmem:$0x3960] =	vst v2  }
0x147: {  	[spmem:s2] =	stream.linear.scatter [tilespmem:s3], [sflag:$0x2], $0x80, $0x38;
	[tilespmem:$0x3A60] =	vst v63  }
.Ltmp8:
0x148: {  	_ =	swait.ge [sflag:s31], $0x80;
	(pc) =	sbr.rel .LBB3_31-.Ltmp8, $3  }
0x149: {  	[sflag:s31] =	ssyncset.done $0x0  }
0x14a: {  	[sflag:s31] =	ssyncadd.s32 $0xFFFFFF80  }
0x14b: {  	[bflag:$0x0] =	sbarrier.arrive $0xFFFF;
	_ =	sdelay $0x1  }
.LBB3_15:
0x14c: {  	p0 =	sne.s32 s1, $0x0;
	[bflag:$0x0] =	sbarrier.arrive $0xFFFF  }
0x14d: {  	_ =	sfence.sel @p0 $0x180000  }
0x14e: {  	[bflag:$0x0] =	sbarrier.arrive @p0 $0xFFFF  }
0x14f: {  	_ =	strace @p0 $0x90000047  }
0x150: {  	[bflag:$0x2] =	sbarrier.arrive @p0 $0xFFFF  }
0x151: {  	_ =	shalt @p0  }
.LBB3_16:
0x152: {  	s4 =	simm.s32 $0x3200;
	s29 =	simm.s32 $0x2  }
0x153: {  	[tilespmem:s4], [sflag:$0x2] =	stream.linear.gather [spmem:s3], $0x600, $0x38;
	[tilespmem:$0x3A60] =	vst v63  }
0x154: {  	_ =	swait.ge [sflag:s29], $0x600  }
0x155: {  	[sflag:s29] =	ssyncset.done $0x0  }
0x156: {  	[sflag:s29] =	ssyncadd.s32 $0xFFFFFA00  }
0x157: {  	v0 =	vld [tilespmem:$0x20]  }
0x158: {  	v1 =	vld [tilespmem:$0x60]  }
0x159: {  	v2 =	vld [tilespmem:$0xA0]  }
0x15a: {  	v3 =	vld [tilespmem:$0x30]  }
0x15b: {  	v4 =	vld [tilespmem:$0x70]  }
0x15c: {  	v5 =	vld [tilespmem:$0xB0]  }
0x15d: {  	v6 =	vld [tilespmem:$0x40]  }
0x15e: {  	v7 =	vld [tilespmem:$0x80]  }
0x15f: {  	v8 =	vld [tilespmem:$0xC0]  }
0x160: {  	v9 =	vld [tilespmem:$0x50]  }
0x161: {  	v10 =	vld [tilespmem:$0x90]  }
0x162: {  	v11 =	vld [tilespmem:$0xD0];
	v1 =	vmul.f32 v1, v0;
	v4 =	vmul.f32 v4, v3  }
0x163: {  	v0 =	vmul.f32 v2, v0;
	v2 =	vmul.f32 v5, v3  }
0x164: {  	v3 =	vmul.f32 v7, v6;
	v1 =	vadd.f32 v4, v1  }
0x165: {  	v0 =	vadd.f32 v2, v0;
	v2 =	vmul.f32 v8, v6  }
0x166: {  	v1 =	vadd.f32 v3, v1;
	v3 =	vmul.f32 v10, v9  }
0x167: {  	v0 =	vadd.f32 v2, v0;
	v2 =	vmul.f32 v11, v9  }
0x168: {  	v1 =	vadd.f32 v3, v1  }
0x169: {  	v0 =	vadd.f32 v2, v0  }
0x16a: {  	(xrf2) =	vadd.scan.msk.f32 $0xffff, v1  }
0x16b: {  	(xrf2) =	vadd.scan.msk.f32 $0xffff, v0  }
0x16c: {  	s3 =	simm.s32 $0x0  }
0x16d: {  	v2 =	vmov s3;
	_ =	sdelay $0x3  }
0x16e: {  	v1 =	vld [tilespmem:$0x10]  }
0x16f: {  	s30 =	simm.s32 $0x1;
	v5 =	vld.idx.msk [tilespmem:v2+s3+$0x0], $0xffff  }
0x170: {  	v4 =	vmov s30;
	v0 =	vld [tilespmem:$0x0]  }
0x171: {  	v3, _, _ =	vpop (xrf2)  }
0x172: {  	v6, _, _ =	vpop (xrf2);
	v3 =	vbroadcast v3, $0xF  }
0x173: {  	vm0 =	vmmov $0x7;
	v6 =	vbroadcast v6, $0xF  }
0x174: {  	v1 =	vnsel vm0, $0x0, v1;
	v7 =	vmul.f32 v5, v3  }
0x175: {  	s31 =	simm.s32 $0x2;
	v0 =	vmul.f32 v6, v0;
	v1 =	vmul.f32 v6, v1;
	v6 =	vld.idx.msk [tilespmem:v4+s3+$0x0], $0xffff  }
0x176: {  	v5 =	vmov s31  }
0x177: {  	v8 =	vadd.f32 v7, v0;
	v11 =	vadd.f32 v7, v1;
	_ =	sdelay $0x1  }
0x178: {  	v7 =	vimm.f32 $-1.000000020e+30;
	v12 =	vmul.f32 $2.000000030e-01, v8;
	v13 =	vmul.f32 $2.000000030e-01, v11  }
0x179: {  	vm15 =	vge.f32 v8, $0.0e+00;
	vm1 =	vge.f32 v11, $0.0e+00;
	v9 =	vmul.f32 v6, v3  }
0x17a: {  	s4 =	simm.s32 $0x3;
	v10 =	vld.idx.msk [tilespmem:v5+s3+$0x0], $0xffff;
	v6 =	vimm.f32 $-1.000000020e+30;
	v8 =	vsel vm15, v8, v12;
	v11 =	vsel vm1, v11, v13  }
.LBB3_17:
0x17b: {  	v12 =	vmov s4;
	p0 =	sne.s32 s4, $0x12;
	s4 =	sadd.s32 $0x1, s4;
	v7 =	vmax.f32 v7, v8;
	v6 =	vmax.f32 v6, v11  }
.Ltmp9:
0x17c: {  	v8 =	vadd.f32 v9, v0;
	v11 =	vadd.f32 v9, v1;
	(pc) =	sbr.rel @p0 .LBB3_17-.Ltmp9, $4  }
0x17d: {  	_ = 	snop  }
0x17e: {  	vm0 =	vge.f32 v8, $0.0e+00;
	v13 =	vmul.f32 $2.000000030e-01, v8;
	v14 =	vmul.f32 $2.000000030e-01, v11  }
0x17f: {  	vm1 =	vge.f32 v11, $0.0e+00  }
0x180: {  	v9 =	vmul.f32 v10, v3;
	v10 =	vld.idx.msk [tilespmem:v12+s3+$0x0], $0xffff;
	v8 =	vsel vm0, v8, v13;
	v11 =	vsel vm1, v11, v14  }
0x181: {  	_ =	sdelay $0x2  }
0x182: {  	s3 =	simm.s32 $0x0  }
0x183: {  	v2 =	vld.idx.msk [tilespmem:v2+s3+$0x0], $0xffff;
	_ =	sdelay $0x3  }
0x184: {  	v12 =	vadd.f32 v9, v1;
	v10 =	vmul.f32 v10, v3  }
0x185: {  	v13 =	vmul.f32 v2, v3  }
0x186: {  	v6 =	vmax.f32 v6, v11;
	v11 =	vmul.f32 $2.000000030e-01, v12;
	v14 =	vadd.f32 v10, v1  }
0x187: {  	vm0 =	vge.f32 v12, $0.0e+00;
	v15 =	vadd.f32 v13, v1  }
0x188: {  	v9 =	vadd.f32 v9, v0;
	v11 =	vsel vm0, v12, v11;
	v16 =	vmul.f32 $2.000000030e-01, v14  }
0x189: {  	v4 =	vld.idx.msk [tilespmem:v4+s3+$0x0], $0xffff;
	v6 =	vmax.f32 v6, v11;
	vm0 =	vge.f32 v14, $0.0e+00;
	v12 =	vmul.f32 $2.000000030e-01, v15  }
0x18a: {  	v10 =	vadd.f32 v10, v0;
	v11 =	vsel vm0, v14, v16;
	vm0 =	vge.f32 v15, $0.0e+00  }
0x18b: {  	v14 =	vmul.f32 $2.000000030e-01, v9;
	v6 =	vmax.f32 v6, v11;
	v11 =	vsel vm0, v15, v12  }
0x18c: {  	v7 =	vmax.f32 v7, v8;
	vm0 =	vge.f32 v9, $0.0e+00;
	v11 =	vsub.f32 v11, v6  }
0x18d: {  	v13 =	vadd.f32 v13, v0;
	v12 =	vmul.f32 $2.000000030e-01, v10;
	v8 =	vsel vm0, v9, v14  }
0x18e: {  	v9 =	vmul.f32 v4, v3;
	vm0 =	vge.f32 v10, $0.0e+00;
	v11 =	vmul.f32 $1.442695020e+00, v11  }
0x18f: {  	v7 =	vmax.f32 v7, v8;
	v10 =	vsel vm0, v10, v12;
	v12 =	vmul.f32 $2.000000030e-01, v13  }
0x190: {  	vm0 =	vge.f32 v13, $0.0e+00;
	v8 =	vadd.f32 v9, v1;
	(erf) = vpow2.f32 v11  }
0x191: {  	v11 =	vadd.f32 v9, v0;
	v9 =	vmax.f32 v7, v10;
	v7 =	vsel vm0, v13, v12  }
0x192: {  	v7 =	vsub.f32 v7, v9  }
0x193: {  	v5 =	vld.idx.msk [tilespmem:v5+s3+$0x0], $0xffff  }
0x194: {  	s4 =	simm.s32 $0x3;
	v14 =	vmul.f32 $2.000000030e-01, v8;
	v7 =	vmul.f32 $1.442695020e+00, v7  }
0x195: {  	vm0 =	vge.f32 v8, $0.0e+00;
	v12 =	vmov s4  }
0x196: {  	v10 =	vmul.f32 $2.000000030e-01, v11;
	v8 =	vsel vm0, v8, v14;
	(erf) = vpow2.f32 v7  }
0x197: {  	s31 =	simm.s32 $0x4;
	vm0 =	vge.f32 v11, $0.0e+00;
	v8 =	vsub.f32 v8, v6  }
0x198: {  	v18 =	vmov s31;
	v10 =	vsel vm0, v11, v10;
	v11 =	vmul.f32 v5, v3  }
0x199: {  	v10 =	vsub.f32 v10, v9;
	v8 =	vmul.f32 $1.442695020e+00, v8;
	v7 =	vimm.f32 $0.0e+00  }
0x19a: {  	v15 =	vadd.f32 v11, v0;
	v17 =	vadd.f32 v11, v1;
	v11 =	vimm.f32 $0.0e+00  }
0x19b: {  	v16 =	vmul.f32 $1.442695020e+00, v10;
	(erf) = vpow2.f32 v8;
	v8 =	vld.idx.msk [tilespmem:v12+s3+$0x0], $0xffff;
	v12 =	vimm.f32 $0.0e+00  }
0x19c: {  	v10 =	vimm.f32 $0.0e+00;
	v19 =	vmul.f32 $2.000000030e-01, v15;
	v20 =	vmul.f32 $2.000000030e-01, v17;
	v14 =	vpop (erf)  }
0x19d: {  	s4 =	simm.s32 $0x5;
	vm0 =	vge.f32 v15, $0.0e+00;
	vm1 =	vge.f32 v17, $0.0e+00;
	v13 =	vmul.f32 v14, v2  }
.LBB3_19:
0x19e: {  	p0 =	sne.s32 s4, $0x12;
	v15 =	vsel vm0, v15, v19;
	v17 =	vsel vm1, v17, v20;
	(erf) = vpow2.f32 v16  }
0x19f: {  	v16 =	vsub.f32 v17, v6;
	v7 =	vadd.f32 v13, v7;
	v13 =	vpop (erf)  }
0x1a0: {  	v17 =	vmul.f32 v8, v3;
	v19 =	vsub.f32 v15, v9;
	v20 =	vmul.f32 v13, v2;
	v2 =	vmovc v4  }
.Ltmp10:
0x1a1: {  	v11 =	vadd.f32 v14, v11;
	v12 =	vadd.f32 v13, v12;
	v4 =	vmovc v5;
	v5 =	vmovc v8;
	v21 =	vmul.f32 $1.442695020e+00, v16;
	(pc) =	sbr.rel @p0 .LBB3_19-.Ltmp10, $4  }
0x1a2: {  	v15 =	vadd.f32 v17, v0;
	v17 =	vadd.f32 v17, v1;
	v16 =	vmul.f32 $1.442695020e+00, v19;
	v8 =	vld.idx.msk [tilespmem:v18+s3+$0x0], $0xffff  }
0x1a3: {  	v10 =	vadd.f32 v20, v10;
	(erf) = vpow2.f32 v21  }
0x1a4: {  	vm0 =	vge.f32 v15, $0.0e+00;
	v19 =	vmul.f32 $2.000000030e-01, v15;
	v20 =	vmul.f32 $2.000000030e-01, v17;
	v14 =	vpop (erf)  }
0x1a5: {  	v18 =	vmov s4;
	s4 =	sadd.s32 $0x1, s4;
	vm1 =	vge.f32 v17, $0.0e+00;
	v13 =	vmul.f32 v14, v2  }
0x1a6: {  	_ =	sdelay $0x3  }
0x1a7: {  	v18 =	vld.idx.msk [tilespmem:v18+s3+$0x0], $0xffff  }
0x1a8: {  	v17 =	vsel vm1, v17, v20  }
0x1a9: {  	v15 =	vsel vm0, v15, v19;
	v17 =	vsub.f32 v17, v6;
	v54 =	vmul.f32 v8, v3  }
0x1aa: {  	(erf) = vpow2.f32 v16;
	v15 =	vsub.f32 v15, v9  }
0x1ab: {  	v55 =	vmul.f32 $1.442695020e+00, v17;
	v56 =	vadd.f32 v54, v0;
	v19 =	vadd.f32 v54, v1  }
0x1ac: {  	v15 =	vmul.f32 $1.442695020e+00, v15;
	v3 =	vmul.f32 v18, v3  }
0x1ad: {  	v57 =	vmul.f32 $2.000000030e-01, v56;
	v58 =	vmul.f32 $2.000000030e-01, v19;
	vm12 =	vge.f32 v56, $0.0e+00  }
0x1ae: {  	vm13 =	vge.f32 v19, $0.0e+00;
	v1 =	vadd.f32 v3, v1;
	v0 =	vadd.f32 v3, v0  }
0x1af: {  	(erf) = vpow2.f32 v55;
	v3 =	vsel vm12, v56, v57;
	v59 =	vsel vm13, v19, v58  }
0x1b0: {  	v16 =	vsub.f32 v59, v6;
	v60 =	vmul.f32 $2.000000030e-01, v1;
	v61 =	vmul.f32 $2.000000030e-01, v0  }
0x1b1: {  	v3 =	vsub.f32 v3, v9;
	vm14 =	vge.f32 v1, $0.0e+00;
	vm15 =	vge.f32 v0, $0.0e+00  }
0x1b2: {  	v16 =	vmul.f32 $1.442695020e+00, v16;
	v1 =	vsel vm14, v1, v60;
	v0 =	vsel vm15, v0, v61  }
0x1b3: {  	(erf) = vpow2.f32 v15;
	v1 =	vsub.f32 v1, v6;
	v0 =	vsub.f32 v0, v9  }
0x1b4: {  	v3 =	vmul.f32 $1.442695020e+00, v3;
	(erf) = vpow2.f32 v16  }
0x1b5: {  	v1 =	vmul.f32 $1.442695020e+00, v1;
	v0 =	vmul.f32 $1.442695020e+00, v0  }
0x1b6: {  	(erf) = vpow2.f32 v3  }
0x1b7: {  	(erf) = vpow2.f32 v1  }
0x1b8: {  	(erf) = vpow2.f32 v0  }
0x1b9: {  	v0 =	vpop (erf)  }
0x1ba: {  	v1 =	vpop (erf);
	v3 =	vadd.f32 v0, v12  }
0x1bb: {  	v6 =	vpop (erf)  }
0x1bc: {  	v9 =	vadd.f32 v14, v11;
	v11 =	vpop (erf);
	v3 =	vadd.f32 v6, v3  }
0x1bd: {  	v12 =	vpop (erf)  }
0x1be: {  	v9 =	vadd.f32 v1, v9;
	v14 =	vpop (erf);
	v3 =	vadd.f32 v12, v3  }
0x1bf: {  	v15 =	vpop (erf)  }
0x1c0: {  	v9 =	vadd.f32 v11, v9;
	v3 =	vadd.f32 v15, v3;
	v62 =	vpop (erf)  }
0x1c1: {  	v63 =	vpop (erf)  }
0x1c2: {  	v0 =	vmul.f32 v0, v2;
	v9 =	vadd.f32 v14, v9;
	v2 =	vadd.f32 v63, v3  }
0x1c3: {  	v1 =	vmul.f32 v1, v4  }
0x1c4: {  	v3 =	vadd.f32 v62, v9;
	(erf) = vrcp.f32 v2;
	v2 =	vadd.f32 v13, v7  }
0x1c5: {  	v0 =	vadd.f32 v0, v10;
	v6 =	vmul.f32 v6, v4  }
0x1c6: {  	(erf) = vrcp.f32 v3;
	v1 =	vadd.f32 v1, v2;
	v2 =	vmul.f32 v11, v5  }
0x1c7: {  	v0 =	vadd.f32 v6, v0;
	v3 =	vmul.f32 v12, v5  }
0x1c8: {  	v1 =	vadd.f32 v2, v1;
	v2 =	vmul.f32 v14, v8  }
0x1c9: {  	v0 =	vadd.f32 v3, v0;
	v3 =	vmul.f32 v15, v8  }
0x1ca: {  	v1 =	vadd.f32 v2, v1  }
0x1cb: {  	v0 =	vadd.f32 v3, v0;
	v3 =	vmul.f32 v63, v18  }
0x1cc: {  	v2 =	vmul.f32 v62, v18  }
0x1cd: {  	s31 =	simm.s32 $0x60;
	v3 =	vadd.f32 v3, v0  }
0x1ce: {  	v4 =	vmov s31;
	v6 =	vld [tilespmem:$0xF0];
	v2 =	vadd.f32 v2, v1;
	v1 =	vpop (erf)  }
0x1cf: {  	v7 =	vld [tilespmem:$0x100];
	v3 =	vmul.f32 v3, v1;
	v5 =	vpop (erf)  }
0x1d0: {  	v0 =	vld [tilespmem:$0x20];
	v5 =	vmul.f32 v2, v5  }
0x1d1: {  	v1 =	vld [tilespmem:$0x30];
	[tilespmem:$0x3860] =	vst v3  }
0x1d2: {  	s3 =	simm.s32 $0x3800;
	v2 =	vld [tilespmem:$0x40];
	[tilespmem:$0x3870] =	vst v5  }
0x1d3: {  	v8 =	vld.idx.msk [tilespmem:v4+s3+$0x0], $0xffff  }
0x1d4: {  	v3 =	vld [tilespmem:$0x50]  }
0x1d5: {  	v5 =	vld [tilespmem:$0xE0]  }
0x1d6: {  	v4 =	vld [tilespmem:$0x110];
	_ =	sdelay $0x1  }
0x1d7: {  	v9 =	vmul.f32 v8, v0;
	v10 =	vmul.f32 v8, v1  }
0x1d8: {  	v11 =	vmul.f32 v8, v2;
	v8 =	vmul.f32 v8, v3  }
0x1d9: {  	v12 =	vadd.f32 v9, v5;
	v13 =	vadd.f32 v10, v6  }
0x1da: {  	s5 =	simm.s32 $0x61;
	v10 =	vadd.f32 v11, v7;
	v9 =	vadd.f32 v8, v4  }
0x1db: {  	s4 =	simm.s32 $0x2D20;
	v8 =	vmov s5;
	s5 =	simm.s32 $0x62;
	v12 =	vmax.f32 v12, $0.0e+00;
	v11 =	vmax.f32 v13, $0.0e+00  }
.LBB3_21:
0x1dc: {  	p0 =	sne.s32 s5, $0x72;
	[tilespmem:s4+$0xFFFFFFE0] =	vst v12;
	v10 =	vmax.f32 v10, $0.0e+00;
	v9 =	vmax.f32 v9, $0.0e+00  }
0x1dd: {  	[tilespmem:s4+$0xFFFFFFF0] =	vst v11  }
0x1de: {  	[tilespmem:s4+$0x0] =	vst v10  }
0x1df: {  	[tilespmem:s4+$0x10] =	vst v9  }
0x1e0: {  	v8 =	vld.idx.msk [tilespmem:v8+s3+$0x0], $0xffff;
	_ =	sdelay $0x5  }
.Ltmp11:
0x1e1: {  	v9 =	vmul.f32 v8, v0;
	v10 =	vmul.f32 v8, v1;
	(pc) =	sbr.rel @p0 .LBB3_21-.Ltmp11, $4  }
0x1e2: {  	v11 =	vmul.f32 v8, v2;
	v8 =	vmul.f32 v8, v3  }
0x1e3: {  	v12 =	vadd.f32 v9, v5;
	v13 =	vadd.f32 v10, v6  }
0x1e4: {  	v10 =	vadd.f32 v11, v7;
	v9 =	vadd.f32 v8, v4  }
0x1e5: {  	s4 =	sadd.s32 $0x40, s4;
	v8 =	vmov s5;
	s5 =	sadd.s32 $0x1, s5;
	v12 =	vmax.f32 v12, $0.0e+00;
	v11 =	vmax.f32 v13, $0.0e+00  }
0x1e6: {  	[tilespmem:s4+$0xFFFFFFE0] =	vst v12  }
0x1e7: {  	v10 =	vmax.f32 v10, $0.0e+00;
	[tilespmem:s4+$0xFFFFFFF0] =	vst v11  }
0x1e8: {  	v9 =	vmax.f32 v9, $0.0e+00;
	[tilespmem:s4+$0x0] =	vst v10  }
0x1e9: {  	[tilespmem:s4+$0x10] =	vst v9  }
0x1ea: {  	v8 =	vld.idx.msk [tilespmem:v8+s3+$0x0], $0xffff;
	_ =	sdelay $0x4  }
0x1eb: {  	v0 =	vmul.f32 v8, v0  }
0x1ec: {  	v1 =	vmul.f32 v8, v1  }
0x1ed: {  	v2 =	vmul.f32 v8, v2;
	v0 =	vadd.f32 v0, v5  }
0x1ee: {  	v3 =	vmul.f32 v8, v3;
	v1 =	vadd.f32 v1, v6  }
0x1ef: {  	s30 =	sadd.s32 $0x40, s4;
	v2 =	vadd.f32 v2, v7;
	v0 =	vmax.f32 v0, $0.0e+00  }
0x1f0: {  	v3 =	vadd.f32 v3, v4;
	v1 =	vmax.f32 v1, $0.0e+00;
	[tilespmem:s30+$0xFFFFFFE0] =	vst v0  }
0x1f1: {  	v0 =	vmax.f32 v2, $0.0e+00;
	[tilespmem:s30+$0xFFFFFFF0] =	vst v1  }
0x1f2: {  	v1 =	vmax.f32 v3, $0.0e+00;
	[tilespmem:s30+$0x0] =	vst v0  }
0x1f3: {  	[tilespmem:s30+$0x10] =	vst v1  }
0x1f4: {  	v0 =	vld [tilespmem:$0x36F0]  }
0x1f5: {  	v1 =	vld [tilespmem:$0x3700]  }
0x1f6: {  	v4 =	vimm.f32 $-1.000000020e+30;
	v2 =	vld [tilespmem:$0x3710]  }
0x1f7: {  	s3 =	simm.s32 $0x2D20;
	v3 =	vld [tilespmem:$0x3720];
	[tilespmem:$0x3810] =	vst v4  }
0x1f8: {  	v8 =	vld [tilespmem:s3+$0xFFFFFFE0]  }
0x1f9: {  	v9 =	vld [tilespmem:s3+$0xFFFFFFF0]  }
0x1fa: {  	v4 =	vld [tilespmem:$0x3730]  }
0x1fb: {  	v10 =	vld [tilespmem:s3+$0x0]  }
0x1fc: {  	v5 =	vld [tilespmem:$0x3740]  }
0x1fd: {  	v11 =	vld [tilespmem:s3+$0x10]  }
0x1fe: {  	v6 =	vld [tilespmem:$0x3750];
	v61 =	vmul.f32 v8, v0;
	v13 =	vmul.f32 v9, v1;
	_ =	sdelay $0x1  }
0x1ff: {  	v7 =	vld [tilespmem:$0x3760];
	v62 =	vmul.f32 v10, v2;
	v12 =	vadd.f32 v13, v61  }
0x200: {  	v8 =	vmul.f32 v8, v4;
	v9 =	vmul.f32 v9, v5  }
0x201: {  	v63 =	vmul.f32 v11, v3;
	v12 =	vadd.f32 v62, v12  }
0x202: {  	v8 =	vadd.f32 v9, v8;
	v9 =	vmul.f32 v10, v6  }
0x203: {  	v10 =	vadd.f32 v63, v12  }
0x204: {  	v8 =	vadd.f32 v9, v8;
	v9 =	vmul.f32 v11, v7  }
0x205: {  	(xrf2) =	vadd.scan.msk.f32 $0xffff, v10  }
0x206: {  	v8 =	vadd.f32 v9, v8;
	_ =	sdelay $0x1  }
0x207: {  	(xrf2) =	vadd.scan.msk.f32 $0xffff, v8;
	_ =	sdelay $0x3  }
0x208: {  	s31 =	simm.s32 $0x0  }
0x209: {  	v9 =	vmov s31;
	_ =	sdelay $0x1  }
0x20a: {  	v8, _, _ =	vpop (xrf2)  }
0x20b: {  	v10 =	vbroadcast v8, $0xF  }
0x20c: {  	s6 =	simm.s32 $0x20;
	s4 =	simm.s32 $0x3800  }
0x20d: {  	s5 =	simm.s32 $0x1;
	v8 =	vmov s6;
	[tilespmem:v9+s4+$0x0] =	vst.idx.msk $0x1, v10;
	v9, _, _ =	vpop (xrf2)  }
.LBB3_23:
0x20e: {  	p0 =	sne.s32 s5, $0x12  }
0x20f: {  	s3 =	sadd.s32 $0x40, s3;
	s6 =	smov.u32 s5;
	s5 =	sadd.s32 $0x1, s5  }
0x210: {  	v9 =	vbroadcast v9, $0xF;
	_ =	sdelay $0x1  }
0x211: {  	[tilespmem:v8+s4+$0x0] =	vst.idx.msk $0x1, v9  }
0x212: {  	v8 =	vld [tilespmem:s3+$0xFFFFFFE0]  }
0x213: {  	v9 =	vld [tilespmem:s3+$0xFFFFFFF0];
	_ =	sdelay $0x1  }
0x214: {  	v10 =	vld [tilespmem:s3+$0x0];
	_ =	sdelay $0x1  }
0x215: {  	v11 =	vld [tilespmem:s3+$0x10];
	v12 =	vmul.f32 v8, v0;
	v8 =	vmul.f32 v8, v4  }
0x216: {  	v13 =	vmul.f32 v9, v1;
	v9 =	vmul.f32 v9, v5;
	_ =	sdelay $0x1  }
0x217: {  	v12 =	vadd.f32 v13, v12;
	v8 =	vadd.f32 v9, v8;
	v9 =	vmul.f32 v10, v2  }
0x218: {  	v10 =	vmul.f32 v10, v6  }
0x219: {  	v9 =	vadd.f32 v9, v12;
	v12 =	vmul.f32 v11, v3  }
0x21a: {  	v8 =	vadd.f32 v10, v8;
	v10 =	vmul.f32 v11, v7  }
0x21b: {  	v9 =	vadd.f32 v12, v9  }
0x21c: {  	v8 =	vadd.f32 v10, v8  }
0x21d: {  	(xrf2) =	vadd.scan.msk.f32 $0xffff, v9;
	_ =	sdelay $0x2  }
0x21e: {  	(xrf2) =	vadd.scan.msk.f32 $0xffff, v8;
	_ =	sdelay $0x4  }
0x21f: {  	v9 =	vmov s6  }
.Ltmp12:
0x220: {  	(pc) =	sbr.rel @p0 .LBB3_23-.Ltmp12, $4  }
0x221: {  	v8, _, _ =	vpop (xrf2)  }
0x222: {  	s6 =	sadd.s32 $0x20, s6;
	v10 =	vbroadcast v8, $0xF  }
0x223: {  	v8 =	vmov s6  }
0x224: {  	[tilespmem:v9+s4+$0x0] =	vst.idx.msk $0x1, v10;
	v9, _, _ =	vpop (xrf2)  }
0x225: {  	_ =	sdelay $0x1  }
0x226: {  	v0 =	vbroadcast v9, $0xF;
	_ =	sdelay $0x1  }
0x227: {  	[tilespmem:v8+s4+$0x0] =	vst.idx.msk $0x1, v0  }
0x228: {  	v3 =	vimm.f32 $0.0e+00;
	v1 =	vld [tilespmem:$0x3800]  }
0x229: {  	s3 =	simm.s32 $0x0;
	v4 =	vimm.s32 $0x52;
	v5 =	vimm.s32 $0x92;
	s4 =	simm.s32 $0x3800;
	v0 =	vimm.f32 $0.0e+00;
	v2 =	vld [tilespmem:$0x3810]  }
.LBB3_25:
0x22a: {  	s5 =	sshll.u32 s3, $0x1  }
0x22b: {  	s6 =	sor.u32 $0x20, s5  }
0x22c: {  	v6 =	vmov s6  }
0x22d: {  	v6 =	vbroadcast v6, $0x0;
	_ =	sdelay $0x5  }
0x22e: {  	v6 =	vld.idx.msk [tilespmem:v6+s4+$0x0], $0xffff;
	_ =	sdelay $0x4  }
0x22f: {  	v7 =	vadd.f32 v6, v1  }
0x230: {  	v6 =	vadd.f32 v6, v2  }
0x231: {  	v8 =	vmul.f32 $2.000000030e-01, v7  }
0x232: {  	vm0 =	vge.f32 v7, $0.0e+00;
	v9 =	vmul.f32 $2.000000030e-01, v6  }
0x233: {  	vm13 =	vge.f32 v6, $0.0e+00;
	v7 =	vsel vm0, v7, v8  }
0x234: {  	v6 =	vsel vm13, v6, v9;
	(xrf0) =	vmax.scan.msk.f32 $0xffff, v7  }
0x235: {  	(xrf0) =	vmax.scan.msk.f32 $0xffff, v6;
	_ =	sdelay $0x4  }
0x236: {  	v8, _, _ =	vpop (xrf0)  }
0x237: {  	(v2sf) =	vpush v8, $0xF;
	v8, _, _ =	vpop (xrf0)  }
0x238: {  	(v2sf) =	vpush v8, $0xF;
	_ =	sdelay $0xd  }
0x239: {  	s19 =	spop (v2sf)  }
0x23a: {  	s7 =	spop (v2sf)  }
0x23b: {  	s6 =	smax.f32 s19, s7  }
0x23c: {  	v8 =	vmov s6  }
0x23d: {  	v7 =	vsub.f32 v7, v8  }
0x23e: {  	v6 =	vsub.f32 v6, v8  }
0x23f: {  	v7 =	vmul.f32 $1.442695020e+00, v7  }
0x240: {  	v6 =	vmul.f32 $1.442695020e+00, v6  }
0x241: {  	(erf) = vpow2.f32 v7  }
0x242: {  	(erf) = vpow2.f32 v6;
	_ =	sdelay $0x4  }
0x243: {  	s5 =	sor.u32 $0x21, s5  }
0x244: {  	v8 =	vmov s5;
	_ =	sdelay $0x1  }
0x245: {  	v6 =	vpop (erf)  }
0x246: {  	v7 =	vpop (erf);
	[tilespmem:$0x3840] =	vst v6  }
0x247: {  	[tilespmem:$0x3850] =	vst v7  }
0x248: {  	v8 =	vld.idx.msk [tilespmem:v8+s4+$0x0], $0xffff;
	_ =	sdelay $0x4  }
0x249: {  	v9 =	vadd.f32 v8, v1  }
0x24a: {  	v8 =	vadd.f32 v8, v2  }
0x24b: {  	v10 =	vmul.f32 $2.000000030e-01, v9  }
0x24c: {  	vm14 =	vge.f32 v9, $0.0e+00;
	v11 =	vmul.f32 $2.000000030e-01, v8  }
0x24d: {  	vm15 =	vge.f32 v8, $0.0e+00;
	v9 =	vsel vm14, v9, v10  }
0x24e: {  	v8 =	vsel vm15, v8, v11;
	(xrf0) =	vmax.scan.msk.f32 $0xffff, v9  }
0x24f: {  	(xrf0) =	vmax.scan.msk.f32 $0xffff, v8;
	_ =	sdelay $0x4  }
0x250: {  	v10, _, _ =	vpop (xrf0)  }
0x251: {  	(v2sf) =	vpush v10, $0xF;
	v10, _, _ =	vpop (xrf0)  }
0x252: {  	(v2sf) =	vpush v10, $0xF;
	_ =	sdelay $0xd  }
0x253: {  	s20 =	spop (v2sf)  }
0x254: {  	s21 =	spop (v2sf)  }
0x255: {  	s5 =	smax.f32 s20, s21  }
0x256: {  	v10 =	vmov s5  }
0x257: {  	v9 =	vsub.f32 v9, v10  }
0x258: {  	v8 =	vsub.f32 v8, v10  }
0x259: {  	v9 =	vmul.f32 $1.442695020e+00, v9  }
0x25a: {  	v8 =	vmul.f32 $1.442695020e+00, v8  }
0x25b: {  	(erf) = vpow2.f32 v9  }
0x25c: {  	(erf) = vpow2.f32 v8;
	_ =	sdelay $0x7  }
0x25d: {  	s22 =	simm.s32 $0x40;
	v8 =	vpop (erf)  }
0x25e: {  	s23 =	simm.s32 $0x41;
	v10 =	vmov s22;
	v9 =	vpop (erf);
	[tilespmem:$0x3880] =	vst v8  }
0x25f: {  	s24 =	simm.s32 $0x2D40;
	s25 =	simm.s32 $0x81;
	v11 =	vmov s23;
	v10 =	vand.u32 $0xFFFFFFFE, v10;
	[tilespmem:$0x3890] =	vst v9  }
0x260: {  	s26 =	simm.s32 $0x80;
	v12 =	vmov s25;
	v10 =	vbroadcast v10, $0x0;
	v14 =	vld [tilespmem:s24+$0xFFFFFFD0]  }
0x261: {  	v13 =	vmov s26;
	v15 =	vld [tilespmem:s24+$0xFFFFFFC0]  }
0x262: {  	v13 =	vand.u32 $0xFFFFFFFE, v13;
	v16 =	vld [tilespmem:s24+$0x30]  }
0x263: {  	v13 =	vbroadcast v13, $0x0;
	v19 =	vld [tilespmem:s24+$0x20]  }
0x264: {  	v24 =	vld.idx.msk [tilespmem:v11+s4+$0x0], $0xffff  }
0x265: {  	v26 =	vld.idx.msk [tilespmem:v12+s4+$0x0], $0xffff  }
0x266: {  	v23 =	vld.idx.msk [tilespmem:v10+s4+$0x0], $0xffff  }
0x267: {  	v11 =	vld [tilespmem:s24+$0xFFFFFFE0]  }
0x268: {  	s28 =	simm.s32 $0x42;
	s29 =	simm.s32 $0x82;
	s30 =	simm.s32 $0x43;
	v20 =	vld [tilespmem:s24+$0xFFFFFFF0]  }
0x269: {  	v22 =	vmov s30;
	v21 =	vld.idx.msk [tilespmem:v13+s4+$0x0], $0xffff;
	v10 =	vmov s28;
	v12 =	vmov s29  }
0x26a: {  	v13 =	vand.u32 $0xFFFFFFFE, v10;
	v12 =	vand.u32 $0xFFFFFFFE, v12  }
0x26b: {  	v31 =	vld [tilespmem:s24+$0x0];
	v28 =	vbroadcast v13, $0x0;
	v32 =	vbroadcast v12, $0x0  }
0x26c: {  	s31 =	simm.s32 $0x83;
	s5 =	simm.s32 $0x2DC0;
	v27 =	vld [tilespmem:s24+$0x10];
	v25 =	vmul.f32 v24, v19;
	v30 =	vmul.f32 v26, v16  }
0x26d: {  	v29 =	vmov s31;
	v18 =	vld [tilespmem:s5+$0xFFFFFFF0];
	v17 =	vmul.f32 v23, v11;
	v33 =	vmul.f32 v23, v20  }
0x26e: {  	v22 =	vld.idx.msk [tilespmem:v22+s4+$0x0], $0xffff;
	v34 =	vmul.f32 v23, v14;
	v35 =	vmul.f32 v21, v15  }
0x26f: {  	v10 =	vld [tilespmem:s5+$0xFFFFFFD0];
	v14 =	vmul.f32 v21, v14;
	v37 =	vmul.f32 v21, v11  }
0x270: {  	v13 =	vld [tilespmem:s5+$0xFFFFFFC0];
	v38 =	vmul.f32 v21, v20;
	v21 =	vmul.f32 v26, v31  }
0x271: {  	v12 =	vld [tilespmem:s5+$0x30];
	v15 =	vmul.f32 v23, v15;
	v36 =	vadd.f32 v17, v3;
	v35 =	vadd.f32 v35, v3  }
0x272: {  	v61 =	vmul.f32 v26, v19;
	v11 =	vld.idx.msk [tilespmem:v29+s4+$0x0], $0xffff;
	v33 =	vadd.f32 v33, v3;
	v34 =	vadd.f32 v34, v3  }
0x273: {  	v16 =	vmul.f32 v24, v16;
	v17 =	vld [tilespmem:s5+$0x20];
	v62 =	vadd.f32 v37, v3;
	v29 =	vadd.f32 v15, v3  }
0x274: {  	v63 =	vmul.f32 v24, v27;
	v19 =	vld.idx.msk [tilespmem:v28+s4+$0x0], $0xffff;
	v28 =	vadd.f32 v14, v3;
	v14 =	vadd.f32 v38, v3  }
0x275: {  	v26 =	vmul.f32 v26, v27;
	v27 =	vld.idx.msk [tilespmem:v32+s4+$0x0], $0xffff;
	v20 =	vadd.f32 v25, v36;
	v21 =	vadd.f32 v21, v35  }
0x276: {  	v25 =	vld [tilespmem:s5+$0xFFFFFFE0];
	v23 =	vadd.f32 v16, v33;
	v15 =	vadd.f32 v61, v62  }
0x277: {  	s7 =	simm.s32 $0x2E40;
	s6 =	simm.s32 $0x2;
	v16 =	vld [tilespmem:s5+$0x10];
	v14 =	vadd.f32 v30, v14;
	v30 =	vmul.f32 v24, v31;
	v24 =	vadd.f32 v63, v34  }
.LBB3_26:
0x278: {  	s8 =	sadd.s32 $0x42, s6  }
0x279: {  	v31 =	vld [tilespmem:s7+$0xFFFFFFD0];
	s9 =	sadd.s32 $0x82, s6;
	v32 =	vmul.f32 v22, v17;
	v29 =	vadd.f32 v30, v29;
	v28 =	vadd.f32 v26, v28;
	v30 =	vmovc v22;
	s10 =	smov.u32 s6;
	s6 =	sadd.s32 $0x2, s6  }
0x27a: {  	v34 =	vmul.f32 v11, v12;
	v33 =	vld [tilespmem:s7+$0xFFFFFFC0];
	v22 =	vmov s8;
	v26 =	vmov s9;
	p0 =	slt.u32 s6, $0x10  }
0x27b: {  	s8 =	sadd.s32 $0x43, s10;
	v22 =	vand.u32 $0xFFFFFFFE, v22;
	v35 =	vand.u32 $0xFFFFFFFE, v26;
	v36 =	vmul.f32 v19, v25;
	v37 =	vld [tilespmem:s5+$0x0];
	s5 =	smov.u32 s7  }
0x27c: {  	v38 =	vbroadcast v22, $0x0;
	v22 =	vmov s8;
	s8 =	sadd.s32 $0x83, s10;
	v26 =	vmul.f32 v11, v16  }
0x27d: {  	v40 =	vmul.f32 v19, v18;
	v35 =	vbroadcast v35, $0x0;
	v39 =	vmov s8  }
0x27e: {  	v42 =	vmul.f32 v19, v10;
	v43 =	vmul.f32 v27, v13;
	v41 =	vld [tilespmem:s7+$0xFFFFFFF0]  }
0x27f: {  	v20 =	vadd.f32 v36, v20;
	v36 =	vmul.f32 v27, v10;
	v45 =	vmul.f32 v27, v25;
	v10 =	vmovc v31;
	v44 =	vld [tilespmem:s7+$0x30]  }
0x280: {  	v18 =	vmul.f32 v27, v18;
	v21 =	vadd.f32 v43, v21;
	v31 =	vld [tilespmem:s7+$0x20];
	v25 =	vmul.f32 v11, v37  }
0x281: {  	v17 =	vmul.f32 v11, v17;
	v23 =	vadd.f32 v40, v23;
	v20 =	vadd.f32 v32, v20;
	v22 =	vld.idx.msk [tilespmem:v22+s4+$0x0], $0xffff  }
.Ltmp13:
0x282: {  	v12 =	vmul.f32 v30, v12;
	v24 =	vadd.f32 v42, v24;
	v11 =	vld.idx.msk [tilespmem:v39+s4+$0x0], $0xffff;
	v21 =	vadd.f32 v25, v21;
	(pc) =	sbr.rel @p0 .LBB3_26-.Ltmp13, $4  }
0x283: {  	v27 =	vmul.f32 v19, v13;
	v28 =	vadd.f32 v36, v28;
	v14 =	vadd.f32 v18, v14;
	v19 =	vld.idx.msk [tilespmem:v38+s4+$0x0], $0xffff  }
0x284: {  	v23 =	vadd.f32 v12, v23;
	v15 =	vadd.f32 v45, v15;
	v32 =	vmul.f32 v30, v16;
	v13 =	vmovc v33;
	v25 =	vld [tilespmem:s7+$0xFFFFFFE0]  }
0x285: {  	v29 =	vadd.f32 v27, v29;
	v30 =	vmul.f32 v30, v37;
	v14 =	vadd.f32 v34, v14;
	v18 =	vmovc v41;
	v16 =	vld [tilespmem:s7+$0x10]  }
0x286: {  	v24 =	vadd.f32 v32, v24;
	v15 =	vadd.f32 v17, v15;
	v12 =	vmovc v44;
	s7 =	sadd.s32 $0x80, s7;
	v17 =	vmov v31;
	v27 =	vld.idx.msk [tilespmem:v35+s4+$0x0], $0xffff  }
0x287: {  	(xrf2) =	vadd.scan.msk.f32 $0xffff, v6  }
0x288: {  	(xrf2) =	vadd.scan.msk.f32 $0xffff, v7  }
0x289: {  	(xrf2) =	vadd.scan.msk.f32 $0xffff, v8  }
0x28a: {  	(xrf2) =	vadd.scan.msk.f32 $0xffff, v9;
	_ =	sdelay $0x6  }
0x28b: {  	v6, _, _ =	vpop (xrf2)  }
0x28c: {  	v7, _, _ =	vpop (xrf2);
	(v2sf) =	vpush v6, $0xF  }
0x28d: {  	v6, _, _ =	vpop (xrf2);
	(v2sf) =	vpush v7, $0xF  }
0x28e: {  	(v2sf) =	vpush v6, $0xF;
	v6, _, _ =	vpop (xrf2)  }
0x28f: {  	(v2sf) =	vpush v6, $0xF;
	_ =	sdelay $0xb  }
0x290: {  	s6 =	spop (v2sf)  }
0x291: {  	s7 =	spop (v2sf)  }
0x292: {  	s8 =	spop (v2sf);
	s6 =	sadd.f32 s7, s6  }
0x293: {  	v29 =	vadd.f32 v30, v29;
	v30 =	vmul.f32 v11, v17;
	s29 =	spop (v2sf)  }
0x294: {  	v52 =	vld [tilespmem:s5+$0x0];
	v38 =	vmul.f32 v22, v12;
	v54 =	vmul.f32 v19, v18;
	v53 =	vmov s6;
	s30 =	sadd.f32 s29, s8  }
0x295: {  	v55 =	vld [tilespmem:$0x3180];
	v26 =	vadd.f32 v26, v28;
	v33 =	vmul.f32 v19, v10;
	(erf) = vrcp.f32 v53  }
0x296: {  	v36 =	vld.idx.msk [tilespmem:v4+s4+$0x0], $0xffff;
	v56 =	vmul.f32 v19, v13;
	v31 =	vmul.f32 v19, v25;
	v35 =	vmov s30  }
0x297: {  	v60 =	vld.idx.msk [tilespmem:v5+s4+$0x0], $0xffff;
	v32 =	vmul.f32 v11, v16;
	v23 =	vadd.f32 v54, v23;
	(erf) = vrcp.f32 v35  }
0x298: {  	v63 =	vld [tilespmem:$0x3190];
	v34 =	vmul.f32 v27, v13;
	v57 =	vadd.f32 v31, v20;
	v58 =	vmul.f32 v27, v10  }
0x299: {  	v59 =	vmul.f32 v27, v25;
	v13 =	vadd.f32 v56, v29;
	v61 =	vmul.f32 v22, v52  }
0x29a: {  	s31 =	sshll.u32 s3, $0x7;
	v62 =	vmul.f32 v27, v18;
	v31 =	vadd.f32 v33, v24;
	v8 =	vmul.f32 v11, v52  }
0x29b: {  	s5 =	sand.u32 $0x3FFFFF80, s31;
	v29 =	vmul.f32 v36, v55;
	v21 =	vadd.f32 v34, v21;
	v13 =	vadd.f32 v61, v13  }
0x29c: {  	v33 =	vmul.f32 v22, v16;
	v9 =	vmul.f32 v60, v55;
	v34 =	vld [tilespmem:s5+$0x3200];
	v10 =	vadd.f32 v58, v26  }
0x29d: {  	v40 =	vmul.f32 v36, v63;
	v8 =	vadd.f32 v8, v21;
	v13 =	vadd.f32 v29, v13;
	v35 =	vld [tilespmem:$0x31A0]  }
0x29e: {  	v39 =	vld [tilespmem:s5+$0x3240];
	v44 =	vmul.f32 v60, v63;
	v54 =	vadd.f32 v38, v23;
	v16 =	vadd.f32 v33, v31;
	v37 =	vpop (erf)  }
0x29f: {  	v10 =	vadd.f32 v32, v10;
	v8 =	vadd.f32 v9, v8;
	v41 =	vmul.f32 v13, v37  }
0x2a0: {  	v45 =	vld [tilespmem:s5+$0x3210];
	v15 =	vadd.f32 v59, v15;
	v16 =	vadd.f32 v40, v16;
	v6 =	vmul.f32 v22, v17;
	v43 =	vpop (erf)  }
0x2a1: {  	v46 =	vld [tilespmem:$0x31B0];
	v10 =	vadd.f32 v44, v10;
	v9 =	vmul.f32 v41, v34;
	v8 =	vmul.f32 v8, v43  }
0x2a2: {  	v48 =	vld [tilespmem:s5+$0x3250];
	v7 =	vmul.f32 v11, v12;
	v6 =	vadd.f32 v6, v57;
	v47 =	vmul.f32 v36, v35  }
0x2a3: {  	v49 =	vmul.f32 v16, v37;
	v0 =	vadd.f32 v9, v0;
	v8 =	vmul.f32 v8, v39  }
0x2a4: {  	v51 =	vld [tilespmem:s5+$0x3220];
	v11 =	vadd.f32 v30, v15;
	v50 =	vmul.f32 v60, v35;
	v6 =	vadd.f32 v47, v6  }
0x2a5: {  	v52 =	vmul.f32 v45, v49;
	v53 =	vmul.f32 v10, v43;
	v0 =	vadd.f32 v8, v0  }
0x2a6: {  	v56 =	vld [tilespmem:s5+$0x3260];
	v55 =	vmul.f32 v36, v46;
	v42 =	vadd.f32 v62, v14;
	v11 =	vadd.f32 v50, v11  }
0x2a7: {  	v6 =	vmul.f32 v6, v37;
	v57 =	vmul.f32 v48, v53;
	v0 =	vadd.f32 v0, v52  }
0x2a8: {  	v59 =	vmul.f32 v60, v46;
	v58 =	vadd.f32 v55, v54;
	v7 =	vadd.f32 v7, v42;
	v60 =	vld [tilespmem:s5+$0x3230]  }
0x2a9: {  	v61 =	vmul.f32 v11, v43;
	v6 =	vmul.f32 v51, v6;
	v0 =	vadd.f32 v0, v57  }
0x2aa: {  	v62 =	vld [tilespmem:s5+$0x3270];
	v7 =	vadd.f32 v59, v7  }
0x2ab: {  	s3 =	sadd.s32 $0x1, s3;
	v63 =	vmul.f32 v58, v37;
	v0 =	vadd.f32 v0, v6;
	v6 =	vmul.f32 v56, v61  }
0x2ac: {  	p0 =	sne.s32 s3, $0x9  }
.Ltmp14:
0x2ad: {  	v7 =	vmul.f32 v7, v43;
	v0 =	vadd.f32 v0, v6;
	v6 =	vmul.f32 v60, v63;
	(pc) =	sbr.rel @p0 .LBB3_25-.Ltmp14, $3  }
0x2ae: {  	_ = 	snop  }
0x2af: {  	v0 =	vadd.f32 v0, v6;
	v6 =	vmul.f32 v62, v7;
	_ =	sdelay $0x1  }
0x2b0: {  	v0 =	vadd.f32 v0, v6  }
0x2b1: {  	v3 =	vimm.s32 $0x32;
	_ =	sdelay $0x3  }
0x2b2: {  	s3 =	simm.s32 $0x3800  }
0x2b3: {  	v3 =	vld.idx.msk [tilespmem:v3+s3+$0x0], $0xffff;
	_ =	sdelay $0x4  }
0x2b4: {  	v1 =	vadd.f32 v3, v1  }
0x2b5: {  	v2 =	vadd.f32 v3, v2  }
0x2b6: {  	v3 =	vmul.f32 $2.000000030e-01, v1  }
0x2b7: {  	vm0 =	vge.f32 v1, $0.0e+00;
	v4 =	vmul.f32 $2.000000030e-01, v2  }
0x2b8: {  	vm15 =	vge.f32 v2, $0.0e+00;
	v1 =	vsel vm0, v1, v3  }
0x2b9: {  	v2 =	vsel vm15, v2, v4;
	(xrf0) =	vmax.scan.msk.f32 $0xffff, v1  }
0x2ba: {  	(xrf0) =	vmax.scan.msk.f32 $0xffff, v2;
	_ =	sdelay $0x4  }
0x2bb: {  	v3, _, _ =	vpop (xrf0)  }
0x2bc: {  	(v2sf) =	vpush v3, $0xF;
	v3, _, _ =	vpop (xrf0)  }
0x2bd: {  	(v2sf) =	vpush v3, $0xF;
	_ =	sdelay $0xd  }
0x2be: {  	s4 =	spop (v2sf)  }
0x2bf: {  	s5 =	spop (v2sf)  }
0x2c0: {  	s4 =	smax.f32 s4, s5  }
0x2c1: {  	v3 =	vmov s4  }
0x2c2: {  	v1 =	vsub.f32 v1, v3  }
0x2c3: {  	v2 =	vsub.f32 v2, v3  }
0x2c4: {  	v1 =	vmul.f32 $1.442695020e+00, v1  }
0x2c5: {  	v2 =	vmul.f32 $1.442695020e+00, v2  }
0x2c6: {  	(erf) = vpow2.f32 v1  }
0x2c7: {  	(erf) = vpow2.f32 v2;
	_ =	sdelay $0x6  }
0x2c8: {  	s26 =	simm.s32 $0x40  }
0x2c9: {  	v2 =	vmov s26;
	v1 =	vpop (erf)  }
0x2ca: {  	s28 =	simm.s32 $0x41;
	v2 =	vand.u32 $0xFFFFFFFE, v2;
	v3 =	vpop (erf);
	[tilespmem:$0x3840] =	vst v1  }
0x2cb: {  	s29 =	simm.s32 $0x2D40;
	v4 =	vmov s28;
	v2 =	vbroadcast v2, $0x0;
	[tilespmem:$0x3850] =	vst v3  }
0x2cc: {  	v6 =	vld [tilespmem:s29+$0x0]  }
0x2cd: {  	v7 =	vld [tilespmem:s29+$0x10]  }
0x2ce: {  	v8 =	vld [tilespmem:s29+$0xFFFFFFC0]  }
0x2cf: {  	v9 =	vld [tilespmem:s29+$0xFFFFFFD0]  }
0x2d0: {  	v10 =	vld.idx.msk [tilespmem:v4+s3+$0x0], $0xffff  }
0x2d1: {  	v2 =	vld.idx.msk [tilespmem:v2+s3+$0x0], $0xffff  }
0x2d2: {  	s30 =	simm.s32 $0x42;
	v11 =	vld [tilespmem:s29+$0xFFFFFFE0]  }
0x2d3: {  	v4 =	vmov s30;
	v12 =	vld [tilespmem:s29+$0xFFFFFFF0]  }
0x2d4: {  	s31 =	simm.s32 $0x43;
	v13 =	vld [tilespmem:s29+$0x20];
	v4 =	vand.u32 $0xFFFFFFFE, v4  }
0x2d5: {  	v14 =	vmov s31;
	s4 =	simm.s32 $0x2DC0;
	v16 =	vld [tilespmem:s29+$0x30];
	v15 =	vbroadcast v4, $0x0  }
0x2d6: {  	v5 =	vld [tilespmem:s4+$0x0];
	v17 =	vmul.f32 v6, v10;
	v8 =	vmul.f32 v8, v2  }
0x2d7: {  	v4 =	vld [tilespmem:s4+$0x10];
	v9 =	vmul.f32 v9, v2;
	v19 =	vmul.f32 v11, v2  }
0x2d8: {  	v18 =	vimm.f32 $0.0e+00;
	v6 =	vld [tilespmem:s4+$0xFFFFFFC0];
	v12 =	vmul.f32 v12, v2;
	v20 =	vmul.f32 v7, v10  }
0x2d9: {  	v7 =	vld [tilespmem:s4+$0xFFFFFFD0];
	v11 =	vmul.f32 v13, v10;
	v21 =	vadd.f32 v8, v18;
	v9 =	vadd.f32 v9, v18  }
0x2da: {  	v2 =	vld.idx.msk [tilespmem:v14+s3+$0x0], $0xffff;
	v14 =	vmul.f32 v16, v10;
	v13 =	vadd.f32 v19, v18;
	v12 =	vadd.f32 v12, v18  }
0x2db: {  	s5 =	simm.s32 $0x2;
	v8 =	vld.idx.msk [tilespmem:v15+s3+$0x0], $0xffff;
	v10 =	vadd.f32 v17, v21;
	v9 =	vadd.f32 v20, v9  }
.LBB3_29:
0x2dc: {  	s6 =	sadd.s32 $0x42, s5;
	v15 =	vld [tilespmem:s4+$0xFFFFFFE0];
	v13 =	vadd.f32 v11, v13;
	v12 =	vadd.f32 v14, v12;
	s7 =	smov.u32 s5  }
0x2dd: {  	s5 =	sadd.s32 $0x2, s5;
	v11 =	vmov s6;
	v14 =	vld [tilespmem:s4+$0xFFFFFFF0]  }
0x2de: {  	s6 =	sadd.s32 $0x43, s7;
	p0 =	slt.u32 s5, $0x10;
	v11 =	vand.u32 $0xFFFFFFFE, v11;
	v16 =	vld [tilespmem:s4+$0x20]  }
0x2df: {  	v18 =	vmov s6;
	v17 =	vbroadcast v11, $0x0;
	v19 =	vld [tilespmem:s4+$0x30];
	s4 =	sadd.s32 $0x80, s4  }
0x2e0: {  	v20 =	vmul.f32 v5, v2;
	v21 =	vmul.f32 v4, v2;
	v5 =	vld [tilespmem:s4+$0x0]  }
.Ltmp15:
0x2e1: {  	v11 =	vmul.f32 v6, v8;
	v22 =	vmul.f32 v7, v8;
	v4 =	vld [tilespmem:s4+$0x10];
	(pc) =	sbr.rel @p0 .LBB3_29-.Ltmp15, $4  }
0x2e2: {  	v15 =	vmul.f32 v15, v8;
	v6 =	vld [tilespmem:s4+$0xFFFFFFC0];
	v8 =	vmul.f32 v14, v8  }
0x2e3: {  	v10 =	vadd.f32 v11, v10;
	v9 =	vadd.f32 v22, v9;
	v7 =	vld [tilespmem:s4+$0xFFFFFFD0];
	v11 =	vmul.f32 v16, v2  }
0x2e4: {  	v13 =	vadd.f32 v15, v13;
	v12 =	vadd.f32 v8, v12;
	v14 =	vmul.f32 v19, v2;
	v2 =	vld.idx.msk [tilespmem:v18+s3+$0x0], $0xffff  }
0x2e5: {  	v10 =	vadd.f32 v20, v10;
	v9 =	vadd.f32 v21, v9;
	v8 =	vld.idx.msk [tilespmem:v17+s3+$0x0], $0xffff  }
0x2e6: {  	(xrf2) =	vadd.scan.msk.f32 $0xffff, v1  }
0x2e7: {  	(xrf2) =	vadd.scan.msk.f32 $0xffff, v3;
	_ =	sdelay $0x8  }
0x2e8: {  	v1, _, _ =	vpop (xrf2)  }
0x2e9: {  	(v2sf) =	vpush v1, $0xF;
	v57, _, _ =	vpop (xrf2)  }
0x2ea: {  	(v2sf) =	vpush v57, $0xF;
	_ =	sdelay $0xd  }
0x2eb: {  	s3 =	spop (v2sf)  }
0x2ec: {  	v58 =	vimm.s32 $0x52;
	s5 =	spop (v2sf)  }
0x2ed: {  	v59 =	vld [tilespmem:s4+$0xFFFFFFE0];
	s3 =	sadd.f32 s5, s3  }
0x2ee: {  	v15 =	vld [tilespmem:s4+$0xFFFFFFF0]  }
0x2ef: {  	v60 =	vld [tilespmem:$0x3180];
	v16 =	vmov s3  }
0x2f0: {  	s25 =	simm.s32 $0x3800;
	v17 =	vld [tilespmem:s4+$0x20];
	(erf) = vrcp.f32 v16  }
0x2f1: {  	v1 =	vld.idx.msk [tilespmem:v58+s25+$0x0], $0xffff  }
0x2f2: {  	v18 =	vld [tilespmem:$0x3190];
	v6 =	vmul.f32 v6, v8  }
0x2f3: {  	v11 =	vadd.f32 v11, v13;
	v61 =	vld [tilespmem:s4+$0x30]  }
0x2f4: {  	v62 =	vld [tilespmem:$0x31A0];
	v5 =	vmul.f32 v5, v2;
	v7 =	vmul.f32 v7, v8;
	v6 =	vadd.f32 v6, v10  }
0x2f5: {  	v12 =	vadd.f32 v14, v12;
	v21 =	vld [tilespmem:$0x3680];
	v4 =	vmul.f32 v4, v2;
	v3 =	vmul.f32 v59, v8  }
0x2f6: {  	v7 =	vadd.f32 v7, v9;
	v5 =	vadd.f32 v5, v6;
	v63 =	vmul.f32 v60, v1;
	v16 =	vld [tilespmem:$0x31B0]  }
0x2f7: {  	v23 =	vld [tilespmem:$0x3690];
	v19 =	vmul.f32 v15, v8;
	v20 =	vmul.f32 v17, v2;
	v3 =	vadd.f32 v3, v11  }
0x2f8: {  	v26 =	vld [tilespmem:$0x36A0];
	v4 =	vadd.f32 v4, v7;
	v22 =	vmul.f32 v18, v1;
	v5 =	vadd.f32 v63, v5  }
0x2f9: {  	v28 =	vld [tilespmem:$0x36B0];
	v24 =	vmul.f32 v61, v2;
	v8 =	vadd.f32 v19, v12;
	v3 =	vadd.f32 v20, v3;
	v25 =	vpop (erf)  }
0x2fa: {  	v29 =	vld [tilespmem:$0x3770];
	v27 =	vmul.f32 v62, v1;
	v4 =	vadd.f32 v22, v4;
	v5 =	vmul.f32 v5, v25  }
0x2fb: {  	v30 =	vld [tilespmem:$0x2220];
	v2 =	vadd.f32 v24, v8;
	v1 =	vmul.f32 v16, v1  }
0x2fc: {  	v31 =	vld [tilespmem:$0x3780];
	v3 =	vadd.f32 v27, v3;
	v4 =	vmul.f32 v4, v25;
	v5 =	vmul.f32 v21, v5  }
0x2fd: {  	v32 =	vld [tilespmem:$0x2230];
	v1 =	vadd.f32 v1, v2  }
0x2fe: {  	v33 =	vld [tilespmem:$0x3790];
	v3 =	vmul.f32 v3, v25;
	v4 =	vmul.f32 v23, v4;
	v0 =	vadd.f32 v5, v0  }
0x2ff: {  	v34 =	vld [tilespmem:$0x2240]  }
0x300: {  	v35 =	vld [tilespmem:$0x37A0];
	v1 =	vmul.f32 v1, v25;
	v3 =	vmul.f32 v26, v3;
	v0 =	vadd.f32 v4, v0  }
0x301: {  	v36 =	vld [tilespmem:$0x2250]  }
0x302: {  	v37 =	vld [tilespmem:$0x37B0];
	v1 =	vmul.f32 v28, v1;
	v0 =	vadd.f32 v3, v0  }
0x303: {  	v39 =	vld [tilespmem:$0x2260]  }
0x304: {  	v40 =	vld [tilespmem:$0x37C0];
	v38 =	vmul.f32 v30, v29;
	v0 =	vadd.f32 v1, v0  }
0x305: {  	v42 =	vld [tilespmem:$0x2270]  }
0x306: {  	v43 =	vld [tilespmem:$0x37D0];
	v41 =	vmul.f32 v32, v31;
	v0 =	vadd.f32 v38, v0  }
0x307: {  	v45 =	vld [tilespmem:$0x2280]  }
0x308: {  	v46 =	vld [tilespmem:$0x37E0];
	v44 =	vmul.f32 v34, v33;
	v0 =	vadd.f32 v41, v0  }
0x309: {  	v48 =	vld [tilespmem:$0x2290]  }
0x30a: {  	v49 =	vld [tilespmem:$0x2C40];
	v47 =	vmul.f32 v36, v35;
	v0 =	vadd.f32 v44, v0  }
0x30b: {  	v51 =	vld.msk [tilespmem:$0x2C80 ss:$0x0], $0xffff  }
0x30c: {  	v54 =	vld [tilespmem:$0x2C50];
	v50 =	vmul.f32 v39, v37;
	v0 =	vadd.f32 v47, v0  }
0x30d: {  	v52 =	vld [tilespmem:$0x2C60]  }
0x30e: {  	v55 =	vld [tilespmem:$0x2C20];
	v53 =	vmul.f32 v42, v40;
	v0 =	vadd.f32 v50, v0  }
0x30f: {  	v57 =	vld [tilespmem:$0x2C70]  }
0x310: {  	v56 =	vmul.f32 v45, v43;
	v58 =	vmul.f32 v49, v51;
	v0 =	vadd.f32 v53, v0  }
0x311: {  	v59 =	vld [tilespmem:$0x2C30];
	v2 =	vmul.f32 v54, v51  }
0x312: {  	v5 =	vadd.f32 v52, v58;
	v3 =	vmul.f32 v48, v46;
	v0 =	vadd.f32 v56, v0;
	_ =	sdelay $0x1  }
0x313: {  	v2 =	vadd.f32 v57, v2;
	v60 =	vmul.f32 v55, v5;
	v0 =	vadd.f32 v3, v0;
	_ =	sdelay $0x1  }
0x314: {  	v1 =	vmul.f32 v59, v2;
	v0 =	vadd.f32 v60, v0;
	_ =	sdelay $0x1  }
0x315: {  	v0 =	vadd.f32 v1, v0;
	_ =	sdelay $0x1  }
0x316: {  	(xrf2) =	vadd.scan.msk.f32 $0xffff, v0;
	_ =	sdelay $0x6  }
0x317: {  	v61 =	vld [tilespmem:$0x2C90];
	_ =	sdelay $0x2  }
0x318: {  	v62, _, _ =	vpop (xrf2)  }
0x319: {  	(v2sf) =	vpush v62, $0xF  }
0x31a: {  	(v2sf) =	vpush v61, $0x0;
	_ =	sdelay $0xd  }
0x31b: {  	s26 =	spop (v2sf)  }
0x31c: {  	s28 =	spop (v2sf)  }
0x31d: {  	s3 =	sadd.f32 s26, s28;
	_ =	sdelay $0x1  }
0x31e: {  	v63 =	vmov s3  }
0x31f: {  	v0 =	vsub.f32 $0.0e+00, v63;
	_ =	sdelay $0x1  }
0x320: {  	v0 =	vmul.f32 $1.442695020e+00, v0;
	_ =	sdelay $0x1  }
0x321: {  	v0 =	vbroadcast v0, $0x0;
	_ =	sdelay $0x1  }
0x322: {  	(erf) = vpow2.f32 v0;
	_ =	sdelay $0x8  }
0x323: {  	v0 =	vpop (erf)  }
0x324: {  	v0 =	vadd.f32 $1.000000000e+00, v0;
	_ =	sdelay $0x1  }
0x325: {  	(erf) = vrcp.f32 v0;
	_ =	sdelay $0x8  }
0x326: {  	v0 =	vpop (erf)  }
0x327: {  	s29 =	simm.s32 $0x0;
	s30 =	simm.s32 $0x3980;
	s31 =	simm.s32 $0x2;
	[tilespmem:$0x3980] =	vst v0  }
0x328: {  	[hbm4b:s2+s29] =	stream.linear.scatter [tilespmem:s30], [sflag:$0x2], $0x80, $0x38;
	[tilespmem:$0x3A60] =	vst v63  }
0x329: {  	_ =	swait.ge [sflag:s31], $0x80  }
0x32a: {  	[sflag:s31] =	ssyncset.done $0x0  }
0x32b: {  	[sflag:s31] =	ssyncadd.s32 $0xFFFFFF80  }
.LBB3_31:
0x32c: {  	_ =	sfence.sel $0x180000  }
0x32d: {  	[bflag:$0x0] =	sbarrier.arrive $0xFFFF  }
0x32e: {  	p0 =	sne.s32 s1, $0x0;
	_ =	strace $0x90000047  }
0x32f: {  	s0 =	sadd.s32 @!p0 $0x100000, s0;
	[bflag:$0x2] =	sbarrier.arrive $0xFFFF  }
0x330: {  	[sflag:s0] =	ssyncadd.tile.s32 @!p0 $0x1;
	_ =	shalt  }
.Lfunc_end3:
_tile_overlayer_lowered:
.L_overlay_start_3:
0x331: {  	(tag) =	ssettag $0x3  }
0x332: {  	s0 =	rddreg [dreg:$0x0];
	s2 =	stileid.u32  }
0x333: {  	s1 =	rddreg [dreg:$0x1];
	p0 =	sne.s32 s2, $0x0  }
0x334: {  	s3 =	rddreg [dreg:$0x2];
	[bflag:$0x3] =	sbarrier.arrive $0xFFFF;
	s2 =	simm.s32 @!p0 $0x1C02  }
0x335: {  	[timem:s3], [sflag:s2] =	dma.local @!p0 [hbm:s0], s1  }
0x336: {  	s0 =	simm.s32 @!p0 $0x2  }
0x337: {  	_ =	swait.ge @!p0 [sflag:s0], s1  }
0x338: {  	s1 =	ssub.s32 @!p0 $0x0, s1;
	[sflag:s0] =	ssyncset.done @!p0 $0x0  }
0x339: {  	[sflag:s0] =	ssyncadd.s32 @!p0 s1  }
0x33a: {  	[bflag:$0x3] =	sbarrier.arrive $0xFFFF  }
0x33b: {  	_ =	shalt  }

</sc_bundles>
